<compile_context>
chip_gen: v7x
topology: tpu7x:2x2x1
jax: 0.10.2.dev20260603
libtpu: 0.0.44.dev20260713+nightly
codegen_flags: <defaults>
</compile_context>

<pallas_src>
import functools

import jax
import jax.numpy as jnp
from jax import lax
from jax.experimental import pallas as pl
from jax.experimental.pallas import tpu as pltpu
from jax.experimental.pallas import tpu_sc as plsc

D = 64
V = 1000000
NSAMP = 16384
TOK = 50
NCHUNK = 2
CSAMP = NSAMP // NCHUNK
CLOOK = CSAMP * TOK
NC, NS = 2, 16
NW = NC * NS
LPW = CLOOK // NW
C = 128
IBLK = 2560
NIB = LPW // IBLK
NBUF = 4
GRP = IBLK // C // NBUF


def _make_gather():
    mesh = plsc.VectorSubcoreMesh(core_axis_name="c", subcore_axis_name="s")

    @functools.partial(
        pl.kernel,
        mesh=mesh,
        out_type=jax.ShapeDtypeStruct((CLOOK, D), jnp.float32),
        scratch_types=[
            [pltpu.VMEM((IBLK,), jnp.int32) for _ in range(2)],
            [pltpu.VMEM((C, D), jnp.float32) for _ in range(NBUF)],
            [pltpu.SemaphoreType.DMA for _ in range(2)],
            [pltpu.SemaphoreType.DMA for _ in range(NBUF)],
            [pltpu.SemaphoreType.DMA for _ in range(NBUF)],
        ],
        compiler_params=pltpu.CompilerParams(
            use_tc_tiling_on_sc=False,
            disable_bounds_checks=True,
            disable_semaphore_checks=True,
        ),
    )
    def gather_kernel(x_hbm, table_hbm, out_hbm, idx_v, rows_v, isem, gsem, wsem):
        wid = lax.axis_index("s") * NC + lax.axis_index("c")
        base = wid * LPW

        icopies = [None, None]
        icopies[0] = pltpu.async_copy(
            x_hbm.at[pl.ds(base, IBLK)], idx_v[0], isem[0]
        )
        for ib in range(NIB):
            pb = ib % 2
            if ib + 1 < NIB:
                icopies[(ib + 1) % 2] = pltpu.async_copy(
                    x_hbm.at[pl.ds(base + (ib + 1) * IBLK, IBLK)],
                    idx_v[(ib + 1) % 2],
                    isem[(ib + 1) % 2],
                )
            icopies[pb].wait()
            bbase = base + ib * IBLK

            def body(g, carry, pb=pb, bbase=bbase):
                gcopies = []
                for b in range(NBUF):
                    off = (g * NBUF + b) * C
                    gcopies.append(
                        pltpu.async_copy(
                            table_hbm.at[idx_v[pb].at[pl.ds(off, C)]],
                            rows_v[b],
                            gsem[b],
                        )
                    )
                ocopies = []
                for b in range(NBUF):
                    off = (g * NBUF + b) * C
                    gcopies[b].wait()
                    ocopies.append(
                        pltpu.async_copy(
                            rows_v[b],
                            out_hbm.at[pl.ds(bbase + off, C)],
                            wsem[b],
                        )
                    )
                for cp in ocopies:
                    cp.wait()
                return carry

            lax.fori_loop(0, GRP, body, 0)

    return gather_kernel


_gather = _make_gather()


def kernel(x, embedding):
    xf = x.reshape(NCHUNK, CLOOK).astype(jnp.int32)
    halves = [
        _gather(xf[k], embedding).reshape(CSAMP, TOK, D) for k in range(NCHUNK)
    ]
    return jnp.concatenate(halves, axis=0)

# --- scband reference (transcript-rebuilt; emitter-appended) ---
"""Pipeline reference for scband-embedding-42932493091406 (READ-ONLY COPY).

The authoritative reference and input builder live on the scoring server;
editing this copy changes nothing except your own understanding.
"""

import jax, jax.numpy as jnp
import numpy as np

NUM_ITEMS = 1000000
EMBED_DIM = 64

def setup_inputs(seed: int = 0) -> dict:
    key = jax.random.key(seed)
    k1, k2 = jax.random.split(key)
    x = jax.random.randint(k1, (16384, 50), 0, NUM_ITEMS, dtype=jnp.int64 if jax.config.jax_enable_x64 else jnp.int32)
    embedding = jax.random.normal(k2, (NUM_ITEMS, EMBED_DIM), dtype=jnp.float32)
    return {"x": x, "embedding": embedding}

def reference(x, embedding):
    # Faithful translation of: return self.embedding[x]
    return jnp.take(embedding, x, axis=0)

if __name__ == "__main__":
    import jax
    _d = setup_inputs()
    print(jax.jit(kernel)(*tuple(_d.values())))

</pallas_src>

<mosaic_0001>
#map = affine_map<(d0, d1) -> (0)>
#map1 = affine_map<(d0, d1) -> (0, 0)>
module attributes {stable_mosaic.version = 14 : i64} {
  func.func @gather_kernel(%arg0: i32, %arg1: i32, %arg2: memref<409600xi32, #tpu.memory_space<hbm>>, %arg3: memref<1000000x64xf32, #tpu.memory_space<hbm>>, %arg4: memref<409600x64xf32, #tpu.memory_space<hbm>>, %arg5: memref<2560xi32, #tpu.memory_space<vmem>>, %arg6: memref<2560xi32, #tpu.memory_space<vmem>>, %arg7: memref<128x64xf32, #tpu.memory_space<vmem>>, %arg8: memref<128x64xf32, #tpu.memory_space<vmem>>, %arg9: memref<128x64xf32, #tpu.memory_space<vmem>>, %arg10: memref<128x64xf32, #tpu.memory_space<vmem>>, %arg11: memref<!tpu.dma_semaphore, #tpu.memory_space<semaphore_mem>>, %arg12: memref<!tpu.dma_semaphore, #tpu.memory_space<semaphore_mem>>, %arg13: memref<!tpu.dma_semaphore, #tpu.memory_space<semaphore_mem>>, %arg14: memref<!tpu.dma_semaphore, #tpu.memory_space<semaphore_mem>>, %arg15: memref<!tpu.dma_semaphore, #tpu.memory_space<semaphore_mem>>, %arg16: memref<!tpu.dma_semaphore, #tpu.memory_space<semaphore_mem>>, %arg17: memref<!tpu.dma_semaphore, #tpu.memory_space<semaphore_mem>>, %arg18: memref<!tpu.dma_semaphore, #tpu.memory_space<semaphore_mem>>, %arg19: memref<!tpu.dma_semaphore, #tpu.memory_space<semaphore_mem>>, %arg20: memref<!tpu.dma_semaphore, #tpu.memory_space<semaphore_mem>>) attributes {dimension_semantics = [#tpu.dimension_semantics<core_parallel>, #tpu.dimension_semantics<subcore_parallel>], iteration_bounds = array<i64: 2, 16>, scalar_prefetch = 0 : i64, scratch_operands = 16 : i64, tpu.core_type = #tpu.core_type<sc_vector_subcore>, window_params = [{transform_indices = #map}, {transform_indices = #map1}, {transform_indices = #map1}]} {
    %mul3A = arith.constant 2 : i32
    %mul3A_0 = arith.muli %arg1, %mul3A : i32
    %add3A = arith.addi %mul3A_0, %arg0 : i32
    %mul3A_1 = arith.constant 12800 : i32
    %mul3A_2 = arith.muli %add3A, %mul3A_1 : i32
    %dma_start3A = tpu.memref_slice %arg2[%mul3A_2] : memref<409600xi32, #tpu.memory_space<hbm>> -> memref<2560xi32, #tpu.memory_space<hbm>>
    %dma_start3A_3 = tpu.memref_slice %arg2[%mul3A_2] : memref<409600xi32, #tpu.memory_space<hbm>> -> memref<2560xi32, #tpu.memory_space<hbm>>
    tpu.enqueue_dma source(%dma_start3A_3 : memref<2560xi32, #tpu.memory_space<hbm>>) target(%arg5 : memref<2560xi32, #tpu.memory_space<vmem>>) target_semaphore(%arg11 : memref<!tpu.dma_semaphore, #tpu.memory_space<semaphore_mem>>)
    %add3A_4 = arith.constant 2560 : i32
    %add3A_5 = arith.addi %mul3A_2, %add3A_4 : i32
    %dma_start3A_6 = tpu.memref_slice %arg2[%add3A_5] : memref<409600xi32, #tpu.memory_space<hbm>> -> memref<2560xi32, #tpu.memory_space<hbm>>
    %dma_start3A_7 = tpu.memref_slice %arg2[%add3A_5] : memref<409600xi32, #tpu.memory_space<hbm>> -> memref<2560xi32, #tpu.memory_space<hbm>>
    tpu.enqueue_dma source(%dma_start3A_7 : memref<2560xi32, #tpu.memory_space<hbm>>) target(%arg6 : memref<2560xi32, #tpu.memory_space<vmem>>) target_semaphore(%arg12 : memref<!tpu.dma_semaphore, #tpu.memory_space<semaphore_mem>>)
    %dma_wait3A = tpu.memref_slice %arg2[%mul3A_2] : memref<409600xi32, #tpu.memory_space<hbm>> -> memref<2560xi32, #tpu.memory_space<hbm>>
    %dma_wait3A_8 = tpu.memref_slice %arg2[%mul3A_2] : memref<409600xi32, #tpu.memory_space<hbm>> -> memref<2560xi32, #tpu.memory_space<hbm>>
    tpu.wait_dma2 semaphore(%arg11 : memref<!tpu.dma_semaphore, #tpu.memory_space<semaphore_mem>>) src(%dma_wait3A_8 : memref<2560xi32, #tpu.memory_space<hbm>>) dst(%arg5 : memref<2560xi32, #tpu.memory_space<vmem>>)
    %add3A_9 = arith.constant 0 : i32
    %add3A_10 = arith.addi %mul3A_2, %add3A_9 : i32
    %scan3A = arith.constant 0 : i32
    %scan3A_11 = arith.constant 0 : i32
    %scan3A_12 = arith.constant 5 : i32
    %scan3A_13 = arith.addi %scan3A_11, %scan3A_12 : i32
    %scan3A_14 = arith.constant 1 : i32
    scf.for %scan3A_68 = %scan3A_11 to %scan3A_13 step %scan3A_14  : i32 {
      %mul3A_69 = arith.constant 4 : i32
      %mul3A_70 = arith.muli %scan3A_68, %mul3A_69 : i32
      %add3A_71 = arith.constant 0 : i32
      %add3A_72 = arith.addi %mul3A_70, %add3A_71 : i32
      %mul3A_73 = arith.constant 128 : i32
      %mul3A_74 = arith.muli %add3A_72, %mul3A_73 : i32
      %dma_start3A_75 = tpu.memref_slice %arg5[%mul3A_74] : memref<2560xi32, #tpu.memory_space<vmem>> -> memref<128xi32, #tpu.memory_space<vmem>>
      %dma_start3A_76 = arith.constant 0 : i32
      %dma_start3A_77 = arith.constant 0 : i32
      %dma_start3A_78 = tpu.memref_slice %arg3[%dma_start3A_76, %dma_start3A_77] : memref<1000000x64xf32, #tpu.memory_space<hbm>> -> memref<1000000x64xf32, #tpu.memory_space<hbm>>
      tpu.enqueue_indirect_dma source(%dma_start3A_78 : memref<1000000x64xf32, #tpu.memory_space<hbm>>) target(%arg7 : memref<128x64xf32, #tpu.memory_space<vmem>>) offsets(%dma_start3A_75 : memref<128xi32, #tpu.memory_space<vmem>>) semaphore(%arg13 : memref<!tpu.dma_semaphore, #tpu.memory_space<semaphore_mem>>)
      %mul3A_79 = arith.constant 4 : i32
      %mul3A_80 = arith.muli %scan3A_68, %mul3A_79 : i32
      %add3A_81 = arith.constant 1 : i32
      %add3A_82 = arith.addi %mul3A_80, %add3A_81 : i32
      %mul3A_83 = arith.constant 128 : i32
      %mul3A_84 = arith.muli %add3A_82, %mul3A_83 : i32
      %dma_start3A_85 = tpu.memref_slice %arg5[%mul3A_84] : memref<2560xi32, #tpu.memory_space<vmem>> -> memref<128xi32, #tpu.memory_space<vmem>>
      %dma_start3A_86 = arith.constant 0 : i32
      %dma_start3A_87 = arith.constant 0 : i32
      %dma_start3A_88 = tpu.memref_slice %arg3[%dma_start3A_86, %dma_start3A_87] : memref<1000000x64xf32, #tpu.memory_space<hbm>> -> memref<1000000x64xf32, #tpu.memory_space<hbm>>
      tpu.enqueue_indirect_dma source(%dma_start3A_88 : memref<1000000x64xf32, #tpu.memory_space<hbm>>) target(%arg8 : memref<128x64xf32, #tpu.memory_space<vmem>>) offsets(%dma_start3A_85 : memref<128xi32, #tpu.memory_space<vmem>>) semaphore(%arg14 : memref<!tpu.dma_semaphore, #tpu.memory_space<semaphore_mem>>)
      %mul3A_89 = arith.constant 4 : i32
      %mul3A_90 = arith.muli %scan3A_68, %mul3A_89 : i32
      %add3A_91 = arith.constant 2 : i32
      %add3A_92 = arith.addi %mul3A_90, %add3A_91 : i32
      %mul3A_93 = arith.constant 128 : i32
      %mul3A_94 = arith.muli %add3A_92, %mul3A_93 : i32
      %dma_start3A_95 = tpu.memref_slice %arg5[%mul3A_94] : memref<2560xi32, #tpu.memory_space<vmem>> -> memref<128xi32, #tpu.memory_space<vmem>>
      %dma_start3A_96 = arith.constant 0 : i32
      %dma_start3A_97 = arith.constant 0 : i32
      %dma_start3A_98 = tpu.memref_slice %arg3[%dma_start3A_96, %dma_start3A_97] : memref<1000000x64xf32, #tpu.memory_space<hbm>> -> memref<1000000x64xf32, #tpu.memory_space<hbm>>
      tpu.enqueue_indirect_dma source(%dma_start3A_98 : memref<1000000x64xf32, #tpu.memory_space<hbm>>) target(%arg9 : memref<128x64xf32, #tpu.memory_space<vmem>>) offsets(%dma_start3A_95 : memref<128xi32, #tpu.memory_space<vmem>>) semaphore(%arg15 : memref<!tpu.dma_semaphore, #tpu.memory_space<semaphore_mem>>)
      %mul3A_99 = arith.constant 4 : i32
      %mul3A_100 = arith.muli %scan3A_68, %mul3A_99 : i32
      %add3A_101 = arith.constant 3 : i32
      %add3A_102 = arith.addi %mul3A_100, %add3A_101 : i32
      %mul3A_103 = arith.constant 128 : i32
      %mul3A_104 = arith.muli %add3A_102, %mul3A_103 : i32
      %dma_start3A_105 = tpu.memref_slice %arg5[%mul3A_104] : memref<2560xi32, #tpu.memory_space<vmem>> -> memref<128xi32, #tpu.memory_space<vmem>>
      %dma_start3A_106 = arith.constant 0 : i32
      %dma_start3A_107 = arith.constant 0 : i32
      %dma_start3A_108 = tpu.memref_slice %arg3[%dma_start3A_106, %dma_start3A_107] : memref<1000000x64xf32, #tpu.memory_space<hbm>> -> memref<1000000x64xf32, #tpu.memory_space<hbm>>
      tpu.enqueue_indirect_dma source(%dma_start3A_108 : memref<1000000x64xf32, #tpu.memory_space<hbm>>) target(%arg10 : memref<128x64xf32, #tpu.memory_space<vmem>>) offsets(%dma_start3A_105 : memref<128xi32, #tpu.memory_space<vmem>>) semaphore(%arg16 : memref<!tpu.dma_semaphore, #tpu.memory_space<semaphore_mem>>)
      %mul3A_109 = arith.constant 4 : i32
      %mul3A_110 = arith.muli %scan3A_68, %mul3A_109 : i32
      %add3A_111 = arith.constant 0 : i32
      %add3A_112 = arith.addi %mul3A_110, %add3A_111 : i32
      %mul3A_113 = arith.constant 128 : i32
      %mul3A_114 = arith.muli %add3A_112, %mul3A_113 : i32
      %dma_wait3A_115 = tpu.memref_slice %arg5[%mul3A_74] : memref<2560xi32, #tpu.memory_space<vmem>> -> memref<128xi32, #tpu.memory_space<vmem>>
      %dma_wait3A_116 = arith.constant 0 : i32
      %dma_wait3A_117 = arith.constant 0 : i32
      %dma_wait3A_118 = tpu.memref_slice %arg3[%dma_wait3A_116, %dma_wait3A_117] : memref<1000000x64xf32, #tpu.memory_space<hbm>> -> memref<1000000x64xf32, #tpu.memory_space<hbm>>
      tpu.wait_indirect_dma semaphore(%arg13 : memref<!tpu.dma_semaphore, #tpu.memory_space<semaphore_mem>>) src(%dma_wait3A_118 : memref<1000000x64xf32, #tpu.memory_space<hbm>>) dst(%arg7 : memref<128x64xf32, #tpu.memory_space<vmem>>)
      %add3A_119 = arith.addi %add3A_10, %mul3A_114 : i32
      %dma_start3A_120 = arith.constant 0 : i32
      %dma_start3A_121 = tpu.memref_slice %arg4[%add3A_119, %dma_start3A_120] : memref<409600x64xf32, #tpu.memory_space<hbm>> -> memref<128x64xf32, #tpu.memory_space<hbm>>
      %dma_start3A_122 = arith.constant 0 : i32
      %dma_start3A_123 = tpu.memref_slice %arg4[%add3A_119, %dma_start3A_122] : memref<409600x64xf32, #tpu.memory_space<hbm>> -> memref<128x64xf32, #tpu.memory_space<hbm>>
      tpu.enqueue_dma source(%arg7 : memref<128x64xf32, #tpu.memory_space<vmem>>) target(%dma_start3A_123 : memref<128x64xf32, #tpu.memory_space<hbm>>) target_semaphore(%arg17 : memref<!tpu.dma_semaphore, #tpu.memory_space<semaphore_mem>>)
      %mul3A_124 = arith.constant 4 : i32
      %mul3A_125 = arith.muli %scan3A_68, %mul3A_124 : i32
      %add3A_126 = arith.constant 1 : i32
      %add3A_127 = arith.addi %mul3A_125, %add3A_126 : i32
      %mul3A_128 = arith.constant 128 : i32
      %mul3A_129 = arith.muli %add3A_127, %mul3A_128 : i32
      %dma_wait3A_130 = tpu.memref_slice %arg5[%mul3A_84] : memref<2560xi32, #tpu.memory_space<vmem>> -> memref<128xi32, #tpu.memory_space<vmem>>
      %dma_wait3A_131 = arith.constant 0 : i32
      %dma_wait3A_132 = arith.constant 0 : i32
      %dma_wait3A_133 = tpu.memref_slice %arg3[%dma_wait3A_131, %dma_wait3A_132] : memref<1000000x64xf32, #tpu.memory_space<hbm>> -> memref<1000000x64xf32, #tpu.memory_space<hbm>>
      tpu.wait_indirect_dma semaphore(%arg14 : memref<!tpu.dma_semaphore, #tpu.memory_space<semaphore_mem>>) src(%dma_wait3A_133 : memref<1000000x64xf32, #tpu.memory_space<hbm>>) dst(%arg8 : memref<128x64xf32, #tpu.memory_space<vmem>>)
      %add3A_134 = arith.addi %add3A_10, %mul3A_129 : i32
      %dma_start3A_135 = arith.constant 0 : i32
      %dma_start3A_136 = tpu.memref_slice %arg4[%add3A_134, %dma_start3A_135] : memref<409600x64xf32, #tpu.memory_space<hbm>> -> memref<128x64xf32, #tpu.memory_space<hbm>>
      %dma_start3A_137 = arith.constant 0 : i32
      %dma_start3A_138 = tpu.memref_slice %arg4[%add3A_134, %dma_start3A_137] : memref<409600x64xf32, #tpu.memory_space<hbm>> -> memref<128x64xf32, #tpu.memory_space<hbm>>
      tpu.enqueue_dma source(%arg8 : memref<128x64xf32, #tpu.memory_space<vmem>>) target(%dma_start3A_138 : memref<128x64xf32, #tpu.memory_space<hbm>>) target_semaphore(%arg18 : memref<!tpu.dma_semaphore, #tpu.memory_space<semaphore_mem>>)
      %mul3A_139 = arith.constant 4 : i32
      %mul3A_140 = arith.muli %scan3A_68, %mul3A_139 : i32
      %add3A_141 = arith.constant 2 : i32
      %add3A_142 = arith.addi %mul3A_140, %add3A_141 : i32
      %mul3A_143 = arith.constant 128 : i32
      %mul3A_144 = arith.muli %add3A_142, %mul3A_143 : i32
      %dma_wait3A_145 = tpu.memref_slice %arg5[%mul3A_94] : memref<2560xi32, #tpu.memory_space<vmem>> -> memref<128xi32, #tpu.memory_space<vmem>>
      %dma_wait3A_146 = arith.constant 0 : i32
      %dma_wait3A_147 = arith.constant 0 : i32
      %dma_wait3A_148 = tpu.memref_slice %arg3[%dma_wait3A_146, %dma_wait3A_147] : memref<1000000x64xf32, #tpu.memory_space<hbm>> -> memref<1000000x64xf32, #tpu.memory_space<hbm>>
      tpu.wait_indirect_dma semaphore(%arg15 : memref<!tpu.dma_semaphore, #tpu.memory_space<semaphore_mem>>) src(%dma_wait3A_148 : memref<1000000x64xf32, #tpu.memory_space<hbm>>) dst(%arg9 : memref<128x64xf32, #tpu.memory_space<vmem>>)
      %add3A_149 = arith.addi %add3A_10, %mul3A_144 : i32
      %dma_start3A_150 = arith.constant 0 : i32
      %dma_start3A_151 = tpu.memref_slice %arg4[%add3A_149, %dma_start3A_150] : memref<409600x64xf32, #tpu.memory_space<hbm>> -> memref<128x64xf32, #tpu.memory_space<hbm>>
      %dma_start3A_152 = arith.constant 0 : i32
      %dma_start3A_153 = tpu.memref_slice %arg4[%add3A_149, %dma_start3A_152] : memref<409600x64xf32, #tpu.memory_space<hbm>> -> memref<128x64xf32, #tpu.memory_space<hbm>>
      tpu.enqueue_dma source(%arg9 : memref<128x64xf32, #tpu.memory_space<vmem>>) target(%dma_start3A_153 : memref<128x64xf32, #tpu.memory_space<hbm>>) target_semaphore(%arg19 : memref<!tpu.dma_semaphore, #tpu.memory_space<semaphore_mem>>)
      %mul3A_154 = arith.constant 4 : i32
      %mul3A_155 = arith.muli %scan3A_68, %mul3A_154 : i32
      %add3A_156 = arith.constant 3 : i32
      %add3A_157 = arith.addi %mul3A_155, %add3A_156 : i32
      %mul3A_158 = arith.constant 128 : i32
      %mul3A_159 = arith.muli %add3A_157, %mul3A_158 : i32
      %dma_wait3A_160 = tpu.memref_slice %arg5[%mul3A_104] : memref<2560xi32, #tpu.memory_space<vmem>> -> memref<128xi32, #tpu.memory_space<vmem>>
      %dma_wait3A_161 = arith.constant 0 : i32
      %dma_wait3A_162 = arith.constant 0 : i32
      %dma_wait3A_163 = tpu.memref_slice %arg3[%dma_wait3A_161, %dma_wait3A_162] : memref<1000000x64xf32, #tpu.memory_space<hbm>> -> memref<1000000x64xf32, #tpu.memory_space<hbm>>
      tpu.wait_indirect_dma semaphore(%arg16 : memref<!tpu.dma_semaphore, #tpu.memory_space<semaphore_mem>>) src(%dma_wait3A_163 : memref<1000000x64xf32, #tpu.memory_space<hbm>>) dst(%arg10 : memref<128x64xf32, #tpu.memory_space<vmem>>)
      %add3A_164 = arith.addi %add3A_10, %mul3A_159 : i32
      %dma_start3A_165 = arith.constant 0 : i32
      %dma_start3A_166 = tpu.memref_slice %arg4[%add3A_164, %dma_start3A_165] : memref<409600x64xf32, #tpu.memory_space<hbm>> -> memref<128x64xf32, #tpu.memory_space<hbm>>
      %dma_start3A_167 = arith.constant 0 : i32
      %dma_start3A_168 = tpu.memref_slice %arg4[%add3A_164, %dma_start3A_167] : memref<409600x64xf32, #tpu.memory_space<hbm>> -> memref<128x64xf32, #tpu.memory_space<hbm>>
      tpu.enqueue_dma source(%arg10 : memref<128x64xf32, #tpu.memory_space<vmem>>) target(%dma_start3A_168 : memref<128x64xf32, #tpu.memory_space<hbm>>) target_semaphore(%arg20 : memref<!tpu.dma_semaphore, #tpu.memory_space<semaphore_mem>>)
      %dma_wait3A_169 = arith.constant 0 : i32
      %dma_wait3A_170 = tpu.memref_slice %arg4[%add3A_119, %dma_wait3A_169] : memref<409600x64xf32, #tpu.memory_space<hbm>> -> memref<128x64xf32, #tpu.memory_space<hbm>>
      %dma_wait3A_171 = arith.constant 0 : i32
      %dma_wait3A_172 = tpu.memref_slice %arg4[%add3A_119, %dma_wait3A_171] : memref<409600x64xf32, #tpu.memory_space<hbm>> -> memref<128x64xf32, #tpu.memory_space<hbm>>
      tpu.wait_dma2 semaphore(%arg17 : memref<!tpu.dma_semaphore, #tpu.memory_space<semaphore_mem>>) src(%arg7 : memref<128x64xf32, #tpu.memory_space<vmem>>) dst(%dma_wait3A_172 : memref<128x64xf32, #tpu.memory_space<hbm>>)
      %dma_wait3A_173 = arith.constant 0 : i32
      %dma_wait3A_174 = tpu.memref_slice %arg4[%add3A_134, %dma_wait3A_173] : memref<409600x64xf32, #tpu.memory_space<hbm>> -> memref<128x64xf32, #tpu.memory_space<hbm>>
      %dma_wait3A_175 = arith.constant 0 : i32
      %dma_wait3A_176 = tpu.memref_slice %arg4[%add3A_134, %dma_wait3A_175] : memref<409600x64xf32, #tpu.memory_space<hbm>> -> memref<128x64xf32, #tpu.memory_space<hbm>>
      tpu.wait_dma2 semaphore(%arg18 : memref<!tpu.dma_semaphore, #tpu.memory_space<semaphore_mem>>) src(%arg8 : memref<128x64xf32, #tpu.memory_space<vmem>>) dst(%dma_wait3A_176 : memref<128x64xf32, #tpu.memory_space<hbm>>)
      %dma_wait3A_177 = arith.constant 0 : i32
      %dma_wait3A_178 = tpu.memref_slice %arg4[%add3A_149, %dma_wait3A_177] : memref<409600x64xf32, #tpu.memory_space<hbm>> -> memref<128x64xf32, #tpu.memory_space<hbm>>
      %dma_wait3A_179 = arith.constant 0 : i32
      %dma_wait3A_180 = tpu.memref_slice %arg4[%add3A_149, %dma_wait3A_179] : memref<409600x64xf32, #tpu.memory_space<hbm>> -> memref<128x64xf32, #tpu.memory_space<hbm>>
      tpu.wait_dma2 semaphore(%arg19 : memref<!tpu.dma_semaphore, #tpu.memory_space<semaphore_mem>>) src(%arg9 : memref<128x64xf32, #tpu.memory_space<vmem>>) dst(%dma_wait3A_180 : memref<128x64xf32, #tpu.memory_space<hbm>>)
      %dma_wait3A_181 = arith.constant 0 : i32
      %dma_wait3A_182 = tpu.memref_slice %arg4[%add3A_164, %dma_wait3A_181] : memref<409600x64xf32, #tpu.memory_space<hbm>> -> memref<128x64xf32, #tpu.memory_space<hbm>>
      %dma_wait3A_183 = arith.constant 0 : i32
      %dma_wait3A_184 = tpu.memref_slice %arg4[%add3A_164, %dma_wait3A_183] : memref<409600x64xf32, #tpu.memory_space<hbm>> -> memref<128x64xf32, #tpu.memory_space<hbm>>
      tpu.wait_dma2 semaphore(%arg20 : memref<!tpu.dma_semaphore, #tpu.memory_space<semaphore_mem>>) src(%arg10 : memref<128x64xf32, #tpu.memory_space<vmem>>) dst(%dma_wait3A_184 : memref<128x64xf32, #tpu.memory_space<hbm>>)
    }
    %scan3A_15 = arith.constant 5 : i32
    %add3A_16 = arith.constant 5120 : i32
    %add3A_17 = arith.addi %mul3A_2, %add3A_16 : i32
    %dma_start3A_18 = tpu.memref_slice %arg2[%add3A_17] : memref<409600xi32, #tpu.memory_space<hbm>> -> memref<2560xi32, #tpu.memory_space<hbm>>
    %dma_start3A_19 = tpu.memref_slice %arg2[%add3A_17] : memref<409600xi32, #tpu.memory_space<hbm>> -> memref<2560xi32, #tpu.memory_space<hbm>>
    tpu.enqueue_dma source(%dma_start3A_19 : memref<2560xi32, #tpu.memory_space<hbm>>) target(%arg5 : memref<2560xi32, #tpu.memory_space<vmem>>) target_semaphore(%arg11 : memref<!tpu.dma_semaphore, #tpu.memory_space<semaphore_mem>>)
    %dma_wait3A_20 = tpu.memref_slice %arg2[%add3A_5] : memref<409600xi32, #tpu.memory_space<hbm>> -> memref<2560xi32, #tpu.memory_space<hbm>>
    %dma_wait3A_21 = tpu.memref_slice %arg2[%add3A_5] : memref<409600xi32, #tpu.memory_space<hbm>> -> memref<2560xi32, #tpu.memory_space<hbm>>
    tpu.wait_dma2 semaphore(%arg12 : memref<!tpu.dma_semaphore, #tpu.memory_space<semaphore_mem>>) src(%dma_wait3A_21 : memref<2560xi32, #tpu.memory_space<hbm>>) dst(%arg6 : memref<2560xi32, #tpu.memory_space<vmem>>)
    %add3A_22 = arith.constant 2560 : i32
    %add3A_23 = arith.addi %mul3A_2, %add3A_22 : i32
    %scan3A_24 = arith.constant 0 : i32
    %scan3A_25 = arith.constant 0 : i32
    %scan3A_26 = arith.constant 5 : i32
    %scan3A_27 = arith.addi %scan3A_25, %scan3A_26 : i32
    %scan3A_28 = arith.constant 1 : i32
    scf.for %scan3A_68 = %scan3A_25 to %scan3A_27 step %scan3A_28  : i32 {
      %mul3A_69 = arith.constant 4 : i32
      %mul3A_70 = arith.muli %scan3A_68, %mul3A_69 : i32
      %add3A_71 = arith.constant 0 : i32
      %add3A_72 = arith.addi %mul3A_70, %add3A_71 : i32
      %mul3A_73 = arith.constant 128 : i32
      %mul3A_74 = arith.muli %add3A_72, %mul3A_73 : i32
      %dma_start3A_75 = tpu.memref_slice %arg6[%mul3A_74] : memref<2560xi32, #tpu.memory_space<vmem>> -> memref<128xi32, #tpu.memory_space<vmem>>
      %dma_start3A_76 = arith.constant 0 : i32
      %dma_start3A_77 = arith.constant 0 : i32
      %dma_start3A_78 = tpu.memref_slice %arg3[%dma_start3A_76, %dma_start3A_77] : memref<1000000x64xf32, #tpu.memory_space<hbm>> -> memref<1000000x64xf32, #tpu.memory_space<hbm>>
      tpu.enqueue_indirect_dma source(%dma_start3A_78 : memref<1000000x64xf32, #tpu.memory_space<hbm>>) target(%arg7 : memref<128x64xf32, #tpu.memory_space<vmem>>) offsets(%dma_start3A_75 : memref<128xi32, #tpu.memory_space<vmem>>) semaphore(%arg13 : memref<!tpu.dma_semaphore, #tpu.memory_space<semaphore_mem>>)
      %mul3A_79 = arith.constant 4 : i32
      %mul3A_80 = arith.muli %scan3A_68, %mul3A_79 : i32
      %add3A_81 = arith.constant 1 : i32
      %add3A_82 = arith.addi %mul3A_80, %add3A_81 : i32
      %mul3A_83 = arith.constant 128 : i32
      %mul3A_84 = arith.muli %add3A_82, %mul3A_83 : i32
      %dma_start3A_85 = tpu.memref_slice %arg6[%mul3A_84] : memref<2560xi32, #tpu.memory_space<vmem>> -> memref<128xi32, #tpu.memory_space<vmem>>
      %dma_start3A_86 = arith.constant 0 : i32
      %dma_start3A_87 = arith.constant 0 : i32
      %dma_start3A_88 = tpu.memref_slice %arg3[%dma_start3A_86, %dma_start3A_87] : memref<1000000x64xf32, #tpu.memory_space<hbm>> -> memref<1000000x64xf32, #tpu.memory_space<hbm>>
      tpu.enqueue_indirect_dma source(%dma_start3A_88 : memref<1000000x64xf32, #tpu.memory_space<hbm>>) target(%arg8 : memref<128x64xf32, #tpu.memory_space<vmem>>) offsets(%dma_start3A_85 : memref<128xi32, #tpu.memory_space<vmem>>) semaphore(%arg14 : memref<!tpu.dma_semaphore, #tpu.memory_space<semaphore_mem>>)
      %mul3A_89 = arith.constant 4 : i32
      %mul3A_90 = arith.muli %scan3A_68, %mul3A_89 : i32
      %add3A_91 = arith.constant 2 : i32
      %add3A_92 = arith.addi %mul3A_90, %add3A_91 : i32
      %mul3A_93 = arith.constant 128 : i32
      %mul3A_94 = arith.muli %add3A_92, %mul3A_93 : i32
      %dma_start3A_95 = tpu.memref_slice %arg6[%mul3A_94] : memref<2560xi32, #tpu.memory_space<vmem>> -> memref<128xi32, #tpu.memory_space<vmem>>
      %dma_start3A_96 = arith.constant 0 : i32
      %dma_start3A_97 = arith.constant 0 : i32
      %dma_start3A_98 = tpu.memref_slice %arg3[%dma_start3A_96, %dma_start3A_97] : memref<1000000x64xf32, #tpu.memory_space<hbm>> -> memref<1000000x64xf32, #tpu.memory_space<hbm>>
      tpu.enqueue_indirect_dma source(%dma_start3A_98 : memref<1000000x64xf32, #tpu.memory_space<hbm>>) target(%arg9 : memref<128x64xf32, #tpu.memory_space<vmem>>) offsets(%dma_start3A_95 : memref<128xi32, #tpu.memory_space<vmem>>) semaphore(%arg15 : memref<!tpu.dma_semaphore, #tpu.memory_space<semaphore_mem>>)
      %mul3A_99 = arith.constant 4 : i32
      %mul3A_100 = arith.muli %scan3A_68, %mul3A_99 : i32
      %add3A_101 = arith.constant 3 : i32
      %add3A_102 = arith.addi %mul3A_100, %add3A_101 : i32
      %mul3A_103 = arith.constant 128 : i32
      %mul3A_104 = arith.muli %add3A_102, %mul3A_103 : i32
      %dma_start3A_105 = tpu.memref_slice %arg6[%mul3A_104] : memref<2560xi32, #tpu.memory_space<vmem>> -> memref<128xi32, #tpu.memory_space<vmem>>
      %dma_start3A_106 = arith.constant 0 : i32
      %dma_start3A_107 = arith.constant 0 : i32
      %dma_start3A_108 = tpu.memref_slice %arg3[%dma_start3A_106, %dma_start3A_107] : memref<1000000x64xf32, #tpu.memory_space<hbm>> -> memref<1000000x64xf32, #tpu.memory_space<hbm>>
      tpu.enqueue_indirect_dma source(%dma_start3A_108 : memref<1000000x64xf32, #tpu.memory_space<hbm>>) target(%arg10 : memref<128x64xf32, #tpu.memory_space<vmem>>) offsets(%dma_start3A_105 : memref<128xi32, #tpu.memory_space<vmem>>) semaphore(%arg16 : memref<!tpu.dma_semaphore, #tpu.memory_space<semaphore_mem>>)
      %mul3A_109 = arith.constant 4 : i32
      %mul3A_110 = arith.muli %scan3A_68, %mul3A_109 : i32
      %add3A_111 = arith.constant 0 : i32
      %add3A_112 = arith.addi %mul3A_110, %add3A_111 : i32
      %mul3A_113 = arith.constant 128 : i32
      %mul3A_114 = arith.muli %add3A_112, %mul3A_113 : i32
      %dma_wait3A_115 = tpu.memref_slice %arg6[%mul3A_74] : memref<2560xi32, #tpu.memory_space<vmem>> -> memref<128xi32, #tpu.memory_space<vmem>>
      %dma_wait3A_116 = arith.constant 0 : i32
      %dma_wait3A_117 = arith.constant 0 : i32
      %dma_wait3A_118 = tpu.memref_slice %arg3[%dma_wait3A_116, %dma_wait3A_117] : memref<1000000x64xf32, #tpu.memory_space<hbm>> -> memref<1000000x64xf32, #tpu.memory_space<hbm>>
      tpu.wait_indirect_dma semaphore(%arg13 : memref<!tpu.dma_semaphore, #tpu.memory_space<semaphore_mem>>) src(%dma_wait3A_118 : memref<1000000x64xf32, #tpu.memory_space<hbm>>) dst(%arg7 : memref<128x64xf32, #tpu.memory_space<vmem>>)
      %add3A_119 = arith.addi %add3A_23, %mul3A_114 : i32
      %dma_start3A_120 = arith.constant 0 : i32
      %dma_start3A_121 = tpu.memref_slice %arg4[%add3A_119, %dma_start3A_120] : memref<409600x64xf32, #tpu.memory_space<hbm>> -> memref<128x64xf32, #tpu.memory_space<hbm>>
      %dma_start3A_122 = arith.constant 0 : i32
      %dma_start3A_123 = tpu.memref_slice %arg4[%add3A_119, %dma_start3A_122] : memref<409600x64xf32, #tpu.memory_space<hbm>> -> memref<128x64xf32, #tpu.memory_space<hbm>>
      tpu.enqueue_dma source(%arg7 : memref<128x64xf32, #tpu.memory_space<vmem>>) target(%dma_start3A_123 : memref<128x64xf32, #tpu.memory_space<hbm>>) target_semaphore(%arg17 : memref<!tpu.dma_semaphore, #tpu.memory_space<semaphore_mem>>)
      %mul3A_124 = arith.constant 4 : i32
      %mul3A_125 = arith.muli %scan3A_68, %mul3A_124 : i32
      %add3A_126 = arith.constant 1 : i32
      %add3A_127 = arith.addi %mul3A_125, %add3A_126 : i32
      %mul3A_128 = arith.constant 128 : i32
      %mul3A_129 = arith.muli %add3A_127, %mul3A_128 : i32
      %dma_wait3A_130 = tpu.memref_slice %arg6[%mul3A_84] : memref<2560xi32, #tpu.memory_space<vmem>> -> memref<128xi32, #tpu.memory_space<vmem>>
      %dma_wait3A_131 = arith.constant 0 : i32
      %dma_wait3A_132 = arith.constant 0 : i32
      %dma_wait3A_133 = tpu.memref_slice %arg3[%dma_wait3A_131, %dma_wait3A_132] : memref<1000000x64xf32, #tpu.memory_space<hbm>> -> memref<1000000x64xf32, #tpu.memory_space<hbm>>
      tpu.wait_indirect_dma semaphore(%arg14 : memref<!tpu.dma_semaphore, #tpu.memory_space<semaphore_mem>>) src(%dma_wait3A_133 : memref<1000000x64xf32, #tpu.memory_space<hbm>>) dst(%arg8 : memref<128x64xf32, #tpu.memory_space<vmem>>)
      %add3A_134 = arith.addi %add3A_23, %mul3A_129 : i32
      %dma_start3A_135 = arith.constant 0 : i32
      %dma_start3A_136 = tpu.memref_slice %arg4[%add3A_134, %dma_start3A_135] : memref<409600x64xf32, #tpu.memory_space<hbm>> -> memref<128x64xf32, #tpu.memory_space<hbm>>
      %dma_start3A_137 = arith.constant 0 : i32
      %dma_start3A_138 = tpu.memref_slice %arg4[%add3A_134, %dma_start3A_137] : memref<409600x64xf32, #tpu.memory_space<hbm>> -> memref<128x64xf32, #tpu.memory_space<hbm>>
      tpu.enqueue_dma source(%arg8 : memref<128x64xf32, #tpu.memory_space<vmem>>) target(%dma_start3A_138 : memref<128x64xf32, #tpu.memory_space<hbm>>) target_semaphore(%arg18 : memref<!tpu.dma_semaphore, #tpu.memory_space<semaphore_mem>>)
      %mul3A_139 = arith.constant 4 : i32
      %mul3A_140 = arith.muli %scan3A_68, %mul3A_139 : i32
      %add3A_141 = arith.constant 2 : i32
      %add3A_142 = arith.addi %mul3A_140, %add3A_141 : i32
      %mul3A_143 = arith.constant 128 : i32
      %mul3A_144 = arith.muli %add3A_142, %mul3A_143 : i32
      %dma_wait3A_145 = tpu.memref_slice %arg6[%mul3A_94] : memref<2560xi32, #tpu.memory_space<vmem>> -> memref<128xi32, #tpu.memory_space<vmem>>
      %dma_wait3A_146 = arith.constant 0 : i32
      %dma_wait3A_147 = arith.constant 0 : i32
      %dma_wait3A_148 = tpu.memref_slice %arg3[%dma_wait3A_146, %dma_wait3A_147] : memref<1000000x64xf32, #tpu.memory_space<hbm>> -> memref<1000000x64xf32, #tpu.memory_space<hbm>>
      tpu.wait_indirect_dma semaphore(%arg15 : memref<!tpu.dma_semaphore, #tpu.memory_space<semaphore_mem>>) src(%dma_wait3A_148 : memref<1000000x64xf32, #tpu.memory_space<hbm>>) dst(%arg9 : memref<128x64xf32, #tpu.memory_space<vmem>>)
      %add3A_149 = arith.addi %add3A_23, %mul3A_144 : i32
      %dma_start3A_150 = arith.constant 0 : i32
      %dma_start3A_151 = tpu.memref_slice %arg4[%add3A_149, %dma_start3A_150] : memref<409600x64xf32, #tpu.memory_space<hbm>> -> memref<128x64xf32, #tpu.memory_space<hbm>>
      %dma_start3A_152 = arith.constant 0 : i32
      %dma_start3A_153 = tpu.memref_slice %arg4[%add3A_149, %dma_start3A_152] : memref<409600x64xf32, #tpu.memory_space<hbm>> -> memref<128x64xf32, #tpu.memory_space<hbm>>
      tpu.enqueue_dma source(%arg9 : memref<128x64xf32, #tpu.memory_space<vmem>>) target(%dma_start3A_153 : memref<128x64xf32, #tpu.memory_space<hbm>>) target_semaphore(%arg19 : memref<!tpu.dma_semaphore, #tpu.memory_space<semaphore_mem>>)
      %mul3A_154 = arith.constant 4 : i32
      %mul3A_155 = arith.muli %scan3A_68, %mul3A_154 : i32
      %add3A_156 = arith.constant 3 : i32
      %add3A_157 = arith.addi %mul3A_155, %add3A_156 : i32
      %mul3A_158 = arith.constant 128 : i32
      %mul3A_159 = arith.muli %add3A_157, %mul3A_158 : i32
      %dma_wait3A_160 = tpu.memref_slice %arg6[%mul3A_104] : memref<2560xi32, #tpu.memory_space<vmem>> -> memref<128xi32, #tpu.memory_space<vmem>>
      %dma_wait3A_161 = arith.constant 0 : i32
      %dma_wait3A_162 = arith.constant 0 : i32
      %dma_wait3A_163 = tpu.memref_slice %arg3[%dma_wait3A_161, %dma_wait3A_162] : memref<1000000x64xf32, #tpu.memory_space<hbm>> -> memref<1000000x64xf32, #tpu.memory_space<hbm>>
      tpu.wait_indirect_dma semaphore(%arg16 : memref<!tpu.dma_semaphore, #tpu.memory_space<semaphore_mem>>) src(%dma_wait3A_163 : memref<1000000x64xf32, #tpu.memory_space<hbm>>) dst(%arg10 : memref<128x64xf32, #tpu.memory_space<vmem>>)
      %add3A_164 = arith.addi %add3A_23, %mul3A_159 : i32
      %dma_start3A_165 = arith.constant 0 : i32
      %dma_start3A_166 = tpu.memref_slice %arg4[%add3A_164, %dma_start3A_165] : memref<409600x64xf32, #tpu.memory_space<hbm>> -> memref<128x64xf32, #tpu.memory_space<hbm>>
      %dma_start3A_167 = arith.constant 0 : i32
      %dma_start3A_168 = tpu.memref_slice %arg4[%add3A_164, %dma_start3A_167] : memref<409600x64xf32, #tpu.memory_space<hbm>> -> memref<128x64xf32, #tpu.memory_space<hbm>>
      tpu.enqueue_dma source(%arg10 : memref<128x64xf32, #tpu.memory_space<vmem>>) target(%dma_start3A_168 : memref<128x64xf32, #tpu.memory_space<hbm>>) target_semaphore(%arg20 : memref<!tpu.dma_semaphore, #tpu.memory_space<semaphore_mem>>)
      %dma_wait3A_169 = arith.constant 0 : i32
      %dma_wait3A_170 = tpu.memref_slice %arg4[%add3A_119, %dma_wait3A_169] : memref<409600x64xf32, #tpu.memory_space<hbm>> -> memref<128x64xf32, #tpu.memory_space<hbm>>
      %dma_wait3A_171 = arith.constant 0 : i32
      %dma_wait3A_172 = tpu.memref_slice %arg4[%add3A_119, %dma_wait3A_171] : memref<409600x64xf32, #tpu.memory_space<hbm>> -> memref<128x64xf32, #tpu.memory_space<hbm>>
      tpu.wait_dma2 semaphore(%arg17 : memref<!tpu.dma_semaphore, #tpu.memory_space<semaphore_mem>>) src(%arg7 : memref<128x64xf32, #tpu.memory_space<vmem>>) dst(%dma_wait3A_172 : memref<128x64xf32, #tpu.memory_space<hbm>>)
      %dma_wait3A_173 = arith.constant 0 : i32
      %dma_wait3A_174 = tpu.memref_slice %arg4[%add3A_134, %dma_wait3A_173] : memref<409600x64xf32, #tpu.memory_space<hbm>> -> memref<128x64xf32, #tpu.memory_space<hbm>>
      %dma_wait3A_175 = arith.constant 0 : i32
      %dma_wait3A_176 = tpu.memref_slice %arg4[%add3A_134, %dma_wait3A_175] : memref<409600x64xf32, #tpu.memory_space<hbm>> -> memref<128x64xf32, #tpu.memory_space<hbm>>
      tpu.wait_dma2 semaphore(%arg18 : memref<!tpu.dma_semaphore, #tpu.memory_space<semaphore_mem>>) src(%arg8 : memref<128x64xf32, #tpu.memory_space<vmem>>) dst(%dma_wait3A_176 : memref<128x64xf32, #tpu.memory_space<hbm>>)
      %dma_wait3A_177 = arith.constant 0 : i32
      %dma_wait3A_178 = tpu.memref_slice %arg4[%add3A_149, %dma_wait3A_177] : memref<409600x64xf32, #tpu.memory_space<hbm>> -> memref<128x64xf32, #tpu.memory_space<hbm>>
      %dma_wait3A_179 = arith.constant 0 : i32
      %dma_wait3A_180 = tpu.memref_slice %arg4[%add3A_149, %dma_wait3A_179] : memref<409600x64xf32, #tpu.memory_space<hbm>> -> memref<128x64xf32, #tpu.memory_space<hbm>>
      tpu.wait_dma2 semaphore(%arg19 : memref<!tpu.dma_semaphore, #tpu.memory_space<semaphore_mem>>) src(%arg9 : memref<128x64xf32, #tpu.memory_space<vmem>>) dst(%dma_wait3A_180 : memref<128x64xf32, #tpu.memory_space<hbm>>)
      %dma_wait3A_181 = arith.constant 0 : i32
      %dma_wait3A_182 = tpu.memref_slice %arg4[%add3A_164, %dma_wait3A_181] : memref<409600x64xf32, #tpu.memory_space<hbm>> -> memref<128x64xf32, #tpu.memory_space<hbm>>
      %dma_wait3A_183 = arith.constant 0 : i32
      %dma_wait3A_184 = tpu.memref_slice %arg4[%add3A_164, %dma_wait3A_183] : memref<409600x64xf32, #tpu.memory_space<hbm>> -> memref<128x64xf32, #tpu.memory_space<hbm>>
      tpu.wait_dma2 semaphore(%arg20 : memref<!tpu.dma_semaphore, #tpu.memory_space<semaphore_mem>>) src(%arg10 : memref<128x64xf32, #tpu.memory_space<vmem>>) dst(%dma_wait3A_184 : memref<128x64xf32, #tpu.memory_space<hbm>>)
    }
    %scan3A_29 = arith.constant 5 : i32
    %add3A_30 = arith.constant 7680 : i32
    %add3A_31 = arith.addi %mul3A_2, %add3A_30 : i32
    %dma_start3A_32 = tpu.memref_slice %arg2[%add3A_31] : memref<409600xi32, #tpu.memory_space<hbm>> -> memref<2560xi32, #tpu.memory_space<hbm>>
    %dma_start3A_33 = tpu.memref_slice %arg2[%add3A_31] : memref<409600xi32, #tpu.memory_space<hbm>> -> memref<2560xi32, #tpu.memory_space<hbm>>
    tpu.enqueue_dma source(%dma_start3A_33 : memref<2560xi32, #tpu.memory_space<hbm>>) target(%arg6 : memref<2560xi32, #tpu.memory_space<vmem>>) target_semaphore(%arg12 : memref<!tpu.dma_semaphore, #tpu.memory_space<semaphore_mem>>)
    %dma_wait3A_34 = tpu.memref_slice %arg2[%add3A_17] : memref<409600xi32, #tpu.memory_space<hbm>> -> memref<2560xi32, #tpu.memory_space<hbm>>
    %dma_wait3A_35 = tpu.memref_slice %arg2[%add3A_17] : memref<409600xi32, #tpu.memory_space<hbm>> -> memref<2560xi32, #tpu.memory_space<hbm>>
    tpu.wait_dma2 semaphore(%arg11 : memref<!tpu.dma_semaphore, #tpu.memory_space<semaphore_mem>>) src(%dma_wait3A_35 : memref<2560xi32, #tpu.memory_space<hbm>>) dst(%arg5 : memref<2560xi32, #tpu.memory_space<vmem>>)
    %add3A_36 = arith.constant 5120 : i32
    %add3A_37 = arith.addi %mul3A_2, %add3A_36 : i32
    %scan3A_38 = arith.constant 0 : i32
    %scan3A_39 = arith.constant 0 : i32
    %scan3A_40 = arith.constant 5 : i32
    %scan3A_41 = arith.addi %scan3A_39, %scan3A_40 : i32
    %scan3A_42 = arith.constant 1 : i32
    scf.for %scan3A_68 = %scan3A_39 to %scan3A_41 step %scan3A_42  : i32 {
      %mul3A_69 = arith.constant 4 : i32
      %mul3A_70 = arith.muli %scan3A_68, %mul3A_69 : i32
      %add3A_71 = arith.constant 0 : i32
      %add3A_72 = arith.addi %mul3A_70, %add3A_71 : i32
      %mul3A_73 = arith.constant 128 : i32
      %mul3A_74 = arith.muli %add3A_72, %mul3A_73 : i32
      %dma_start3A_75 = tpu.memref_slice %arg5[%mul3A_74] : memref<2560xi32, #tpu.memory_space<vmem>> -> memref<128xi32, #tpu.memory_space<vmem>>
      %dma_start3A_76 = arith.constant 0 : i32
      %dma_start3A_77 = arith.constant 0 : i32
      %dma_start3A_78 = tpu.memref_slice %arg3[%dma_start3A_76, %dma_start3A_77] : memref<1000000x64xf32, #tpu.memory_space<hbm>> -> memref<1000000x64xf32, #tpu.memory_space<hbm>>
      tpu.enqueue_indirect_dma source(%dma_start3A_78 : memref<1000000x64xf32, #tpu.memory_space<hbm>>) target(%arg7 : memref<128x64xf32, #tpu.memory_space<vmem>>) offsets(%dma_start3A_75 : memref<128xi32, #tpu.memory_space<vmem>>) semaphore(%arg13 : memref<!tpu.dma_semaphore, #tpu.memory_space<semaphore_mem>>)
      %mul3A_79 = arith.constant 4 : i32
      %mul3A_80 = arith.muli %scan3A_68, %mul3A_79 : i32
      %add3A_81 = arith.constant 1 : i32
      %add3A_82 = arith.addi %mul3A_80, %add3A_81 : i32
      %mul3A_83 = arith.constant 128 : i32
      %mul3A_84 = arith.muli %add3A_82, %mul3A_83 : i32
      %dma_start3A_85 = tpu.memref_slice %arg5[%mul3A_84] : memref<2560xi32, #tpu.memory_space<vmem>> -> memref<128xi32, #tpu.memory_space<vmem>>
      %dma_start3A_86 = arith.constant 0 : i32
      %dma_start3A_87 = arith.constant 0 : i32
      %dma_start3A_88 = tpu.memref_slice %arg3[%dma_start3A_86, %dma_start3A_87] : memref<1000000x64xf32, #tpu.memory_space<hbm>> -> memref<1000000x64xf32, #tpu.memory_space<hbm>>
      tpu.enqueue_indirect_dma source(%dma_start3A_88 : memref<1000000x64xf32, #tpu.memory_space<hbm>>) target(%arg8 : memref<128x64xf32, #tpu.memory_space<vmem>>) offsets(%dma_start3A_85 : memref<128xi32, #tpu.memory_space<vmem>>) semaphore(%arg14 : memref<!tpu.dma_semaphore, #tpu.memory_space<semaphore_mem>>)
      %mul3A_89 = arith.constant 4 : i32
      %mul3A_90 = arith.muli %scan3A_68, %mul3A_89 : i32
      %add3A_91 = arith.constant 2 : i32
      %add3A_92 = arith.addi %mul3A_90, %add3A_91 : i32
      %mul3A_93 = arith.constant 128 : i32
      %mul3A_94 = arith.muli %add3A_92, %mul3A_93 : i32
      %dma_start3A_95 = tpu.memref_slice %arg5[%mul3A_94] : memref<2560xi32, #tpu.memory_space<vmem>> -> memref<128xi32, #tpu.memory_space<vmem>>
      %dma_start3A_96 = arith.constant 0 : i32
      %dma_start3A_97 = arith.constant 0 : i32
      %dma_start3A_98 = tpu.memref_slice %arg3[%dma_start3A_96, %dma_start3A_97] : memref<1000000x64xf32, #tpu.memory_space<hbm>> -> memref<1000000x64xf32, #tpu.memory_space<hbm>>
      tpu.enqueue_indirect_dma source(%dma_start3A_98 : memref<1000000x64xf32, #tpu.memory_space<hbm>>) target(%arg9 : memref<128x64xf32, #tpu.memory_space<vmem>>) offsets(%dma_start3A_95 : memref<128xi32, #tpu.memory_space<vmem>>) semaphore(%arg15 : memref<!tpu.dma_semaphore, #tpu.memory_space<semaphore_mem>>)
      %mul3A_99 = arith.constant 4 : i32
      %mul3A_100 = arith.muli %scan3A_68, %mul3A_99 : i32
      %add3A_101 = arith.constant 3 : i32
      %add3A_102 = arith.addi %mul3A_100, %add3A_101 : i32
      %mul3A_103 = arith.constant 128 : i32
      %mul3A_104 = arith.muli %add3A_102, %mul3A_103 : i32
      %dma_start3A_105 = tpu.memref_slice %arg5[%mul3A_104] : memref<2560xi32, #tpu.memory_space<vmem>> -> memref<128xi32, #tpu.memory_space<vmem>>
      %dma_start3A_106 = arith.constant 0 : i32
      %dma_start3A_107 = arith.constant 0 : i32
      %dma_start3A_108 = tpu.memref_slice %arg3[%dma_start3A_106, %dma_start3A_107] : memref<1000000x64xf32, #tpu.memory_space<hbm>> -> memref<1000000x64xf32, #tpu.memory_space<hbm>>
      tpu.enqueue_indirect_dma source(%dma_start3A_108 : memref<1000000x64xf32, #tpu.memory_space<hbm>>) target(%arg10 : memref<128x64xf32, #tpu.memory_space<vmem>>) offsets(%dma_start3A_105 : memref<128xi32, #tpu.memory_space<vmem>>) semaphore(%arg16 : memref<!tpu.dma_semaphore, #tpu.memory_space<semaphore_mem>>)
      %mul3A_109 = arith.constant 4 : i32
      %mul3A_110 = arith.muli %scan3A_68, %mul3A_109 : i32
      %add3A_111 = arith.constant 0 : i32
      %add3A_112 = arith.addi %mul3A_110, %add3A_111 : i32
      %mul3A_113 = arith.constant 128 : i32
      %mul3A_114 = arith.muli %add3A_112, %mul3A_113 : i32
      %dma_wait3A_115 = tpu.memref_slice %arg5[%mul3A_74] : memref<2560xi32, #tpu.memory_space<vmem>> -> memref<128xi32, #tpu.memory_space<vmem>>
      %dma_wait3A_116 = arith.constant 0 : i32
      %dma_wait3A_117 = arith.constant 0 : i32
      %dma_wait3A_118 = tpu.memref_slice %arg3[%dma_wait3A_116, %dma_wait3A_117] : memref<1000000x64xf32, #tpu.memory_space<hbm>> -> memref<1000000x64xf32, #tpu.memory_space<hbm>>
      tpu.wait_indirect_dma semaphore(%arg13 : memref<!tpu.dma_semaphore, #tpu.memory_space<semaphore_mem>>) src(%dma_wait3A_118 : memref<1000000x64xf32, #tpu.memory_space<hbm>>) dst(%arg7 : memref<128x64xf32, #tpu.memory_space<vmem>>)
      %add3A_119 = arith.addi %add3A_37, %mul3A_114 : i32
      %dma_start3A_120 = arith.constant 0 : i32
      %dma_start3A_121 = tpu.memref_slice %arg4[%add3A_119, %dma_start3A_120] : memref<409600x64xf32, #tpu.memory_space<hbm>> -> memref<128x64xf32, #tpu.memory_space<hbm>>
      %dma_start3A_122 = arith.constant 0 : i32
      %dma_start3A_123 = tpu.memref_slice %arg4[%add3A_119, %dma_start3A_122] : memref<409600x64xf32, #tpu.memory_space<hbm>> -> memref<128x64xf32, #tpu.memory_space<hbm>>
      tpu.enqueue_dma source(%arg7 : memref<128x64xf32, #tpu.memory_space<vmem>>) target(%dma_start3A_123 : memref<128x64xf32, #tpu.memory_space<hbm>>) target_semaphore(%arg17 : memref<!tpu.dma_semaphore, #tpu.memory_space<semaphore_mem>>)
      %mul3A_124 = arith.constant 4 : i32
      %mul3A_125 = arith.muli %scan3A_68, %mul3A_124 : i32
      %add3A_126 = arith.constant 1 : i32
      %add3A_127 = arith.addi %mul3A_125, %add3A_126 : i32
      %mul3A_128 = arith.constant 128 : i32
      %mul3A_129 = arith.muli %add3A_127, %mul3A_128 : i32
      %dma_wait3A_130 = tpu.memref_slice %arg5[%mul3A_84] : memref<2560xi32, #tpu.memory_space<vmem>> -> memref<128xi32, #tpu.memory_space<vmem>>
      %dma_wait3A_131 = arith.constant 0 : i32
      %dma_wait3A_132 = arith.constant 0 : i32
      %dma_wait3A_133 = tpu.memref_slice %arg3[%dma_wait3A_131, %dma_wait3A_132] : memref<1000000x64xf32, #tpu.memory_space<hbm>> -> memref<1000000x64xf32, #tpu.memory_space<hbm>>
      tpu.wait_indirect_dma semaphore(%arg14 : memref<!tpu.dma_semaphore, #tpu.memory_space<semaphore_mem>>) src(%dma_wait3A_133 : memref<1000000x64xf32, #tpu.memory_space<hbm>>) dst(%arg8 : memref<128x64xf32, #tpu.memory_space<vmem>>)
      %add3A_134 = arith.addi %add3A_37, %mul3A_129 : i32
      %dma_start3A_135 = arith.constant 0 : i32
      %dma_start3A_136 = tpu.memref_slice %arg4[%add3A_134, %dma_start3A_135] : memref<409600x64xf32, #tpu.memory_space<hbm>> -> memref<128x64xf32, #tpu.memory_space<hbm>>
      %dma_start3A_137 = arith.constant 0 : i32
      %dma_start3A_138 = tpu.memref_slice %arg4[%add3A_134, %dma_start3A_137] : memref<409600x64xf32, #tpu.memory_space<hbm>> -> memref<128x64xf32, #tpu.memory_space<hbm>>
      tpu.enqueue_dma source(%arg8 : memref<128x64xf32, #tpu.memory_space<vmem>>) target(%dma_start3A_138 : memref<128x64xf32, #tpu.memory_space<hbm>>) target_semaphore(%arg18 : memref<!tpu.dma_semaphore, #tpu.memory_space<semaphore_mem>>)
      %mul3A_139 = arith.constant 4 : i32
      %mul3A_140 = arith.muli %scan3A_68, %mul3A_139 : i32
      %add3A_141 = arith.constant 2 : i32
      %add3A_142 = arith.addi %mul3A_140, %add3A_141 : i32
      %mul3A_143 = arith.constant 128 : i32
      %mul3A_144 = arith.muli %add3A_142, %mul3A_143 : i32
      %dma_wait3A_145 = tpu.memref_slice %arg5[%mul3A_94] : memref<2560xi32, #tpu.memory_space<vmem>> -> memref<128xi32, #tpu.memory_space<vmem>>
      %dma_wait3A_146 = arith.constant 0 : i32
      %dma_wait3A_147 = arith.constant 0 : i32
      %dma_wait3A_148 = tpu.memref_slice %arg3[%dma_wait3A_146, %dma_wait3A_147] : memref<1000000x64xf32, #tpu.memory_space<hbm>> -> memref<1000000x64xf32, #tpu.memory_space<hbm>>
      tpu.wait_indirect_dma semaphore(%arg15 : memref<!tpu.dma_semaphore, #tpu.memory_space<semaphore_mem>>) src(%dma_wait3A_148 : memref<1000000x64xf32, #tpu.memory_space<hbm>>) dst(%arg9 : memref<128x64xf32, #tpu.memory_space<vmem>>)
      %add3A_149 = arith.addi %add3A_37, %mul3A_144 : i32
      %dma_start3A_150 = arith.constant 0 : i32
      %dma_start3A_151 = tpu.memref_slice %arg4[%add3A_149, %dma_start3A_150] : memref<409600x64xf32, #tpu.memory_space<hbm>> -> memref<128x64xf32, #tpu.memory_space<hbm>>
      %dma_start3A_152 = arith.constant 0 : i32
      %dma_start3A_153 = tpu.memref_slice %arg4[%add3A_149, %dma_start3A_152] : memref<409600x64xf32, #tpu.memory_space<hbm>> -> memref<128x64xf32, #tpu.memory_space<hbm>>
      tpu.enqueue_dma source(%arg9 : memref<128x64xf32, #tpu.memory_space<vmem>>) target(%dma_start3A_153 : memref<128x64xf32, #tpu.memory_space<hbm>>) target_semaphore(%arg19 : memref<!tpu.dma_semaphore, #tpu.memory_space<semaphore_mem>>)
      %mul3A_154 = arith.constant 4 : i32
      %mul3A_155 = arith.muli %scan3A_68, %mul3A_154 : i32
      %add3A_156 = arith.constant 3 : i32
      %add3A_157 = arith.addi %mul3A_155, %add3A_156 : i32
      %mul3A_158 = arith.constant 128 : i32
      %mul3A_159 = arith.muli %add3A_157, %mul3A_158 : i32
      %dma_wait3A_160 = tpu.memref_slice %arg5[%mul3A_104] : memref<2560xi32, #tpu.memory_space<vmem>> -> memref<128xi32, #tpu.memory_space<vmem>>
      %dma_wait3A_161 = arith.constant 0 : i32
      %dma_wait3A_162 = arith.constant 0 : i32
      %dma_wait3A_163 = tpu.memref_slice %arg3[%dma_wait3A_161, %dma_wait3A_162] : memref<1000000x64xf32, #tpu.memory_space<hbm>> -> memref<1000000x64xf32, #tpu.memory_space<hbm>>
      tpu.wait_indirect_dma semaphore(%arg16 : memref<!tpu.dma_semaphore, #tpu.memory_space<semaphore_mem>>) src(%dma_wait3A_163 : memref<1000000x64xf32, #tpu.memory_space<hbm>>) dst(%arg10 : memref<128x64xf32, #tpu.memory_space<vmem>>)
      %add3A_164 = arith.addi %add3A_37, %mul3A_159 : i32
      %dma_start3A_165 = arith.constant 0 : i32
      %dma_start3A_166 = tpu.memref_slice %arg4[%add3A_164, %dma_start3A_165] : memref<409600x64xf32, #tpu.memory_space<hbm>> -> memref<128x64xf32, #tpu.memory_space<hbm>>
      %dma_start3A_167 = arith.constant 0 : i32
      %dma_start3A_168 = tpu.memref_slice %arg4[%add3A_164, %dma_start3A_167] : memref<409600x64xf32, #tpu.memory_space<hbm>> -> memref<128x64xf32, #tpu.memory_space<hbm>>
      tpu.enqueue_dma source(%arg10 : memref<128x64xf32, #tpu.memory_space<vmem>>) target(%dma_start3A_168 : memref<128x64xf32, #tpu.memory_space<hbm>>) target_semaphore(%arg20 : memref<!tpu.dma_semaphore, #tpu.memory_space<semaphore_mem>>)
      %dma_wait3A_169 = arith.constant 0 : i32
      %dma_wait3A_170 = tpu.memref_slice %arg4[%add3A_119, %dma_wait3A_169] : memref<409600x64xf32, #tpu.memory_space<hbm>> -> memref<128x64xf32, #tpu.memory_space<hbm>>
      %dma_wait3A_171 = arith.constant 0 : i32
      %dma_wait3A_172 = tpu.memref_slice %arg4[%add3A_119, %dma_wait3A_171] : memref<409600x64xf32, #tpu.memory_space<hbm>> -> memref<128x64xf32, #tpu.memory_space<hbm>>
      tpu.wait_dma2 semaphore(%arg17 : memref<!tpu.dma_semaphore, #tpu.memory_space<semaphore_mem>>) src(%arg7 : memref<128x64xf32, #tpu.memory_space<vmem>>) dst(%dma_wait3A_172 : memref<128x64xf32, #tpu.memory_space<hbm>>)
      %dma_wait3A_173 = arith.constant 0 : i32
      %dma_wait3A_174 = tpu.memref_slice %arg4[%add3A_134, %dma_wait3A_173] : memref<409600x64xf32, #tpu.memory_space<hbm>> -> memref<128x64xf32, #tpu.memory_space<hbm>>
      %dma_wait3A_175 = arith.constant 0 : i32
      %dma_wait3A_176 = tpu.memref_slice %arg4[%add3A_134, %dma_wait3A_175] : memref<409600x64xf32, #tpu.memory_space<hbm>> -> memref<128x64xf32, #tpu.memory_space<hbm>>
      tpu.wait_dma2 semaphore(%arg18 : memref<!tpu.dma_semaphore, #tpu.memory_space<semaphore_mem>>) src(%arg8 : memref<128x64xf32, #tpu.memory_space<vmem>>) dst(%dma_wait3A_176 : memref<128x64xf32, #tpu.memory_space<hbm>>)
      %dma_wait3A_177 = arith.constant 0 : i32
      %dma_wait3A_178 = tpu.memref_slice %arg4[%add3A_149, %dma_wait3A_177] : memref<409600x64xf32, #tpu.memory_space<hbm>> -> memref<128x64xf32, #tpu.memory_space<hbm>>
      %dma_wait3A_179 = arith.constant 0 : i32
      %dma_wait3A_180 = tpu.memref_slice %arg4[%add3A_149, %dma_wait3A_179] : memref<409600x64xf32, #tpu.memory_space<hbm>> -> memref<128x64xf32, #tpu.memory_space<hbm>>
      tpu.wait_dma2 semaphore(%arg19 : memref<!tpu.dma_semaphore, #tpu.memory_space<semaphore_mem>>) src(%arg9 : memref<128x64xf32, #tpu.memory_space<vmem>>) dst(%dma_wait3A_180 : memref<128x64xf32, #tpu.memory_space<hbm>>)
      %dma_wait3A_181 = arith.constant 0 : i32
      %dma_wait3A_182 = tpu.memref_slice %arg4[%add3A_164, %dma_wait3A_181] : memref<409600x64xf32, #tpu.memory_space<hbm>> -> memref<128x64xf32, #tpu.memory_space<hbm>>
      %dma_wait3A_183 = arith.constant 0 : i32
      %dma_wait3A_184 = tpu.memref_slice %arg4[%add3A_164, %dma_wait3A_183] : memref<409600x64xf32, #tpu.memory_space<hbm>> -> memref<128x64xf32, #tpu.memory_space<hbm>>
      tpu.wait_dma2 semaphore(%arg20 : memref<!tpu.dma_semaphore, #tpu.memory_space<semaphore_mem>>) src(%arg10 : memref<128x64xf32, #tpu.memory_space<vmem>>) dst(%dma_wait3A_184 : memref<128x64xf32, #tpu.memory_space<hbm>>)
    }
    %scan3A_43 = arith.constant 5 : i32
    %add3A_44 = arith.constant 10240 : i32
    %add3A_45 = arith.addi %mul3A_2, %add3A_44 : i32
    %dma_start3A_46 = tpu.memref_slice %arg2[%add3A_45] : memref<409600xi32, #tpu.memory_space<hbm>> -> memref<2560xi32, #tpu.memory_space<hbm>>
    %dma_start3A_47 = tpu.memref_slice %arg2[%add3A_45] : memref<409600xi32, #tpu.memory_space<hbm>> -> memref<2560xi32, #tpu.memory_space<hbm>>
    tpu.enqueue_dma source(%dma_start3A_47 : memref<2560xi32, #tpu.memory_space<hbm>>) target(%arg5 : memref<2560xi32, #tpu.memory_space<vmem>>) target_semaphore(%arg11 : memref<!tpu.dma_semaphore, #tpu.memory_space<semaphore_mem>>)
    %dma_wait3A_48 = tpu.memref_slice %arg2[%add3A_31] : memref<409600xi32, #tpu.memory_space<hbm>> -> memref<2560xi32, #tpu.memory_space<hbm>>
    %dma_wait3A_49 = tpu.memref_slice %arg2[%add3A_31] : memref<409600xi32, #tpu.memory_space<hbm>> -> memref<2560xi32, #tpu.memory_space<hbm>>
    tpu.wait_dma2 semaphore(%arg12 : memref<!tpu.dma_semaphore, #tpu.memory_space<semaphore_mem>>) src(%dma_wait3A_49 : memref<2560xi32, #tpu.memory_space<hbm>>) dst(%arg6 : memref<2560xi32, #tpu.memory_space<vmem>>)
    %add3A_50 = arith.constant 7680 : i32
    %add3A_51 = arith.addi %mul3A_2, %add3A_50 : i32
    %scan3A_52 = arith.constant 0 : i32
    %scan3A_53 = arith.constant 0 : i32
    %scan3A_54 = arith.constant 5 : i32
    %scan3A_55 = arith.addi %scan3A_53, %scan3A_54 : i32
    %scan3A_56 = arith.constant 1 : i32
    scf.for %scan3A_68 = %scan3A_53 to %scan3A_55 step %scan3A_56  : i32 {
      %mul3A_69 = arith.constant 4 : i32
      %mul3A_70 = arith.muli %scan3A_68, %mul3A_69 : i32
      %add3A_71 = arith.constant 0 : i32
      %add3A_72 = arith.addi %mul3A_70, %add3A_71 : i32
      %mul3A_73 = arith.constant 128 : i32
      %mul3A_74 = arith.muli %add3A_72, %mul3A_73 : i32
      %dma_start3A_75 = tpu.memref_slice %arg6[%mul3A_74] : memref<2560xi32, #tpu.memory_space<vmem>> -> memref<128xi32, #tpu.memory_space<vmem>>
      %dma_start3A_76 = arith.constant 0 : i32
      %dma_start3A_77 = arith.constant 0 : i32
      %dma_start3A_78 = tpu.memref_slice %arg3[%dma_start3A_76, %dma_start3A_77] : memref<1000000x64xf32, #tpu.memory_space<hbm>> -> memref<1000000x64xf32, #tpu.memory_space<hbm>>
      tpu.enqueue_indirect_dma source(%dma_start3A_78 : memref<1000000x64xf32, #tpu.memory_space<hbm>>) target(%arg7 : memref<128x64xf32, #tpu.memory_space<vmem>>) offsets(%dma_start3A_75 : memref<128xi32, #tpu.memory_space<vmem>>) semaphore(%arg13 : memref<!tpu.dma_semaphore, #tpu.memory_space<semaphore_mem>>)
      %mul3A_79 = arith.constant 4 : i32
      %mul3A_80 = arith.muli %scan3A_68, %mul3A_79 : i32
      %add3A_81 = arith.constant 1 : i32
      %add3A_82 = arith.addi %mul3A_80, %add3A_81 : i32
      %mul3A_83 = arith.constant 128 : i32
      %mul3A_84 = arith.muli %add3A_82, %mul3A_83 : i32
      %dma_start3A_85 = tpu.memref_slice %arg6[%mul3A_84] : memref<2560xi32, #tpu.memory_space<vmem>> -> memref<128xi32, #tpu.memory_space<vmem>>
      %dma_start3A_86 = arith.constant 0 : i32
      %dma_start3A_87 = arith.constant 0 : i32
      %dma_start3A_88 = tpu.memref_slice %arg3[%dma_start3A_86, %dma_start3A_87] : memref<1000000x64xf32, #tpu.memory_space<hbm>> -> memref<1000000x64xf32, #tpu.memory_space<hbm>>
      tpu.enqueue_indirect_dma source(%dma_start3A_88 : memref<1000000x64xf32, #tpu.memory_space<hbm>>) target(%arg8 : memref<128x64xf32, #tpu.memory_space<vmem>>) offsets(%dma_start3A_85 : memref<128xi32, #tpu.memory_space<vmem>>) semaphore(%arg14 : memref<!tpu.dma_semaphore, #tpu.memory_space<semaphore_mem>>)
      %mul3A_89 = arith.constant 4 : i32
      %mul3A_90 = arith.muli %scan3A_68, %mul3A_89 : i32
      %add3A_91 = arith.constant 2 : i32
      %add3A_92 = arith.addi %mul3A_90, %add3A_91 : i32
      %mul3A_93 = arith.constant 128 : i32
      %mul3A_94 = arith.muli %add3A_92, %mul3A_93 : i32
      %dma_start3A_95 = tpu.memref_slice %arg6[%mul3A_94] : memref<2560xi32, #tpu.memory_space<vmem>> -> memref<128xi32, #tpu.memory_space<vmem>>
      %dma_start3A_96 = arith.constant 0 : i32
      %dma_start3A_97 = arith.constant 0 : i32
      %dma_start3A_98 = tpu.memref_slice %arg3[%dma_start3A_96, %dma_start3A_97] : memref<1000000x64xf32, #tpu.memory_space<hbm>> -> memref<1000000x64xf32, #tpu.memory_space<hbm>>
      tpu.enqueue_indirect_dma source(%dma_start3A_98 : memref<1000000x64xf32, #tpu.memory_space<hbm>>) target(%arg9 : memref<128x64xf32, #tpu.memory_space<vmem>>) offsets(%dma_start3A_95 : memref<128xi32, #tpu.memory_space<vmem>>) semaphore(%arg15 : memref<!tpu.dma_semaphore, #tpu.memory_space<semaphore_mem>>)
      %mul3A_99 = arith.constant 4 : i32
      %mul3A_100 = arith.muli %scan3A_68, %mul3A_99 : i32
      %add3A_101 = arith.constant 3 : i32
      %add3A_102 = arith.addi %mul3A_100, %add3A_101 : i32
      %mul3A_103 = arith.constant 128 : i32
      %mul3A_104 = arith.muli %add3A_102, %mul3A_103 : i32
      %dma_start3A_105 = tpu.memref_slice %arg6[%mul3A_104] : memref<2560xi32, #tpu.memory_space<vmem>> -> memref<128xi32, #tpu.memory_space<vmem>>
      %dma_start3A_106 = arith.constant 0 : i32
      %dma_start3A_107 = arith.constant 0 : i32
      %dma_start3A_108 = tpu.memref_slice %arg3[%dma_start3A_106, %dma_start3A_107] : memref<1000000x64xf32, #tpu.memory_space<hbm>> -> memref<1000000x64xf32, #tpu.memory_space<hbm>>
      tpu.enqueue_indirect_dma source(%dma_start3A_108 : memref<1000000x64xf32, #tpu.memory_space<hbm>>) target(%arg10 : memref<128x64xf32, #tpu.memory_space<vmem>>) offsets(%dma_start3A_105 : memref<128xi32, #tpu.memory_space<vmem>>) semaphore(%arg16 : memref<!tpu.dma_semaphore, #tpu.memory_space<semaphore_mem>>)
      %mul3A_109 = arith.constant 4 : i32
      %mul3A_110 = arith.muli %scan3A_68, %mul3A_109 : i32
      %add3A_111 = arith.constant 0 : i32
      %add3A_112 = arith.addi %mul3A_110, %add3A_111 : i32
      %mul3A_113 = arith.constant 128 : i32
      %mul3A_114 = arith.muli %add3A_112, %mul3A_113 : i32
      %dma_wait3A_115 = tpu.memref_slice %arg6[%mul3A_74] : memref<2560xi32, #tpu.memory_space<vmem>> -> memref<128xi32, #tpu.memory_space<vmem>>
      %dma_wait3A_116 = arith.constant 0 : i32
      %dma_wait3A_117 = arith.constant 0 : i32
      %dma_wait3A_118 = tpu.memref_slice %arg3[%dma_wait3A_116, %dma_wait3A_117] : memref<1000000x64xf32, #tpu.memory_space<hbm>> -> memref<1000000x64xf32, #tpu.memory_space<hbm>>
      tpu.wait_indirect_dma semaphore(%arg13 : memref<!tpu.dma_semaphore, #tpu.memory_space<semaphore_mem>>) src(%dma_wait3A_118 : memref<1000000x64xf32, #tpu.memory_space<hbm>>) dst(%arg7 : memref<128x64xf32, #tpu.memory_space<vmem>>)
      %add3A_119 = arith.addi %add3A_51, %mul3A_114 : i32
      %dma_start3A_120 = arith.constant 0 : i32
      %dma_start3A_121 = tpu.memref_slice %arg4[%add3A_119, %dma_start3A_120] : memref<409600x64xf32, #tpu.memory_space<hbm>> -> memref<128x64xf32, #tpu.memory_space<hbm>>
      %dma_start3A_122 = arith.constant 0 : i32
      %dma_start3A_123 = tpu.memref_slice %arg4[%add3A_119, %dma_start3A_122] : memref<409600x64xf32, #tpu.memory_space<hbm>> -> memref<128x64xf32, #tpu.memory_space<hbm>>
      tpu.enqueue_dma source(%arg7 : memref<128x64xf32, #tpu.memory_space<vmem>>) target(%dma_start3A_123 : memref<128x64xf32, #tpu.memory_space<hbm>>) target_semaphore(%arg17 : memref<!tpu.dma_semaphore, #tpu.memory_space<semaphore_mem>>)
      %mul3A_124 = arith.constant 4 : i32
      %mul3A_125 = arith.muli %scan3A_68, %mul3A_124 : i32
      %add3A_126 = arith.constant 1 : i32
      %add3A_127 = arith.addi %mul3A_125, %add3A_126 : i32
      %mul3A_128 = arith.constant 128 : i32
      %mul3A_129 = arith.muli %add3A_127, %mul3A_128 : i32
      %dma_wait3A_130 = tpu.memref_slice %arg6[%mul3A_84] : memref<2560xi32, #tpu.memory_space<vmem>> -> memref<128xi32, #tpu.memory_space<vmem>>
      %dma_wait3A_131 = arith.constant 0 : i32
      %dma_wait3A_132 = arith.constant 0 : i32
      %dma_wait3A_133 = tpu.memref_slice %arg3[%dma_wait3A_131, %dma_wait3A_132] : memref<1000000x64xf32, #tpu.memory_space<hbm>> -> memref<1000000x64xf32, #tpu.memory_space<hbm>>
      tpu.wait_indirect_dma semaphore(%arg14 : memref<!tpu.dma_semaphore, #tpu.memory_space<semaphore_mem>>) src(%dma_wait3A_133 : memref<1000000x64xf32, #tpu.memory_space<hbm>>) dst(%arg8 : memref<128x64xf32, #tpu.memory_space<vmem>>)
      %add3A_134 = arith.addi %add3A_51, %mul3A_129 : i32
      %dma_start3A_135 = arith.constant 0 : i32
      %dma_start3A_136 = tpu.memref_slice %arg4[%add3A_134, %dma_start3A_135] : memref<409600x64xf32, #tpu.memory_space<hbm>> -> memref<128x64xf32, #tpu.memory_space<hbm>>
      %dma_start3A_137 = arith.constant 0 : i32
      %dma_start3A_138 = tpu.memref_slice %arg4[%add3A_134, %dma_start3A_137] : memref<409600x64xf32, #tpu.memory_space<hbm>> -> memref<128x64xf32, #tpu.memory_space<hbm>>
      tpu.enqueue_dma source(%arg8 : memref<128x64xf32, #tpu.memory_space<vmem>>) target(%dma_start3A_138 : memref<128x64xf32, #tpu.memory_space<hbm>>) target_semaphore(%arg18 : memref<!tpu.dma_semaphore, #tpu.memory_space<semaphore_mem>>)
      %mul3A_139 = arith.constant 4 : i32
      %mul3A_140 = arith.muli %scan3A_68, %mul3A_139 : i32
      %add3A_141 = arith.constant 2 : i32
      %add3A_142 = arith.addi %mul3A_140, %add3A_141 : i32
      %mul3A_143 = arith.constant 128 : i32
      %mul3A_144 = arith.muli %add3A_142, %mul3A_143 : i32
      %dma_wait3A_145 = tpu.memref_slice %arg6[%mul3A_94] : memref<2560xi32, #tpu.memory_space<vmem>> -> memref<128xi32, #tpu.memory_space<vmem>>
      %dma_wait3A_146 = arith.constant 0 : i32
      %dma_wait3A_147 = arith.constant 0 : i32
      %dma_wait3A_148 = tpu.memref_slice %arg3[%dma_wait3A_146, %dma_wait3A_147] : memref<1000000x64xf32, #tpu.memory_space<hbm>> -> memref<1000000x64xf32, #tpu.memory_space<hbm>>
      tpu.wait_indirect_dma semaphore(%arg15 : memref<!tpu.dma_semaphore, #tpu.memory_space<semaphore_mem>>) src(%dma_wait3A_148 : memref<1000000x64xf32, #tpu.memory_space<hbm>>) dst(%arg9 : memref<128x64xf32, #tpu.memory_space<vmem>>)
      %add3A_149 = arith.addi %add3A_51, %mul3A_144 : i32
      %dma_start3A_150 = arith.constant 0 : i32
      %dma_start3A_151 = tpu.memref_slice %arg4[%add3A_149, %dma_start3A_150] : memref<409600x64xf32, #tpu.memory_space<hbm>> -> memref<128x64xf32, #tpu.memory_space<hbm>>
      %dma_start3A_152 = arith.constant 0 : i32
      %dma_start3A_153 = tpu.memref_slice %arg4[%add3A_149, %dma_start3A_152] : memref<409600x64xf32, #tpu.memory_space<hbm>> -> memref<128x64xf32, #tpu.memory_space<hbm>>
      tpu.enqueue_dma source(%arg9 : memref<128x64xf32, #tpu.memory_space<vmem>>) target(%dma_start3A_153 : memref<128x64xf32, #tpu.memory_space<hbm>>) target_semaphore(%arg19 : memref<!tpu.dma_semaphore, #tpu.memory_space<semaphore_mem>>)
      %mul3A_154 = arith.constant 4 : i32
      %mul3A_155 = arith.muli %scan3A_68, %mul3A_154 : i32
      %add3A_156 = arith.constant 3 : i32
      %add3A_157 = arith.addi %mul3A_155, %add3A_156 : i32
      %mul3A_158 = arith.constant 128 : i32
      %mul3A_159 = arith.muli %add3A_157, %mul3A_158 : i32
      %dma_wait3A_160 = tpu.memref_slice %arg6[%mul3A_104] : memref<2560xi32, #tpu.memory_space<vmem>> -> memref<128xi32, #tpu.memory_space<vmem>>
      %dma_wait3A_161 = arith.constant 0 : i32
      %dma_wait3A_162 = arith.constant 0 : i32
      %dma_wait3A_163 = tpu.memref_slice %arg3[%dma_wait3A_161, %dma_wait3A_162] : memref<1000000x64xf32, #tpu.memory_space<hbm>> -> memref<1000000x64xf32, #tpu.memory_space<hbm>>
      tpu.wait_indirect_dma semaphore(%arg16 : memref<!tpu.dma_semaphore, #tpu.memory_space<semaphore_mem>>) src(%dma_wait3A_163 : memref<1000000x64xf32, #tpu.memory_space<hbm>>) dst(%arg10 : memref<128x64xf32, #tpu.memory_space<vmem>>)
      %add3A_164 = arith.addi %add3A_51, %mul3A_159 : i32
      %dma_start3A_165 = arith.constant 0 : i32
      %dma_start3A_166 = tpu.memref_slice %arg4[%add3A_164, %dma_start3A_165] : memref<409600x64xf32, #tpu.memory_space<hbm>> -> memref<128x64xf32, #tpu.memory_space<hbm>>
      %dma_start3A_167 = arith.constant 0 : i32
      %dma_start3A_168 = tpu.memref_slice %arg4[%add3A_164, %dma_start3A_167] : memref<409600x64xf32, #tpu.memory_space<hbm>> -> memref<128x64xf32, #tpu.memory_space<hbm>>
      tpu.enqueue_dma source(%arg10 : memref<128x64xf32, #tpu.memory_space<vmem>>) target(%dma_start3A_168 : memref<128x64xf32, #tpu.memory_space<hbm>>) target_semaphore(%arg20 : memref<!tpu.dma_semaphore, #tpu.memory_space<semaphore_mem>>)
      %dma_wait3A_169 = arith.constant 0 : i32
      %dma_wait3A_170 = tpu.memref_slice %arg4[%add3A_119, %dma_wait3A_169] : memref<409600x64xf32, #tpu.memory_space<hbm>> -> memref<128x64xf32, #tpu.memory_space<hbm>>
      %dma_wait3A_171 = arith.constant 0 : i32
      %dma_wait3A_172 = tpu.memref_slice %arg4[%add3A_119, %dma_wait3A_171] : memref<409600x64xf32, #tpu.memory_space<hbm>> -> memref<128x64xf32, #tpu.memory_space<hbm>>
      tpu.wait_dma2 semaphore(%arg17 : memref<!tpu.dma_semaphore, #tpu.memory_space<semaphore_mem>>) src(%arg7 : memref<128x64xf32, #tpu.memory_space<vmem>>) dst(%dma_wait3A_172 : memref<128x64xf32, #tpu.memory_space<hbm>>)
      %dma_wait3A_173 = arith.constant 0 : i32
      %dma_wait3A_174 = tpu.memref_slice %arg4[%add3A_134, %dma_wait3A_173] : memref<409600x64xf32, #tpu.memory_space<hbm>> -> memref<128x64xf32, #tpu.memory_space<hbm>>
      %dma_wait3A_175 = arith.constant 0 : i32
      %dma_wait3A_176 = tpu.memref_slice %arg4[%add3A_134, %dma_wait3A_175] : memref<409600x64xf32, #tpu.memory_space<hbm>> -> memref<128x64xf32, #tpu.memory_space<hbm>>
      tpu.wait_dma2 semaphore(%arg18 : memref<!tpu.dma_semaphore, #tpu.memory_space<semaphore_mem>>) src(%arg8 : memref<128x64xf32, #tpu.memory_space<vmem>>) dst(%dma_wait3A_176 : memref<128x64xf32, #tpu.memory_space<hbm>>)
      %dma_wait3A_177 = arith.constant 0 : i32
      %dma_wait3A_178 = tpu.memref_slice %arg4[%add3A_149, %dma_wait3A_177] : memref<409600x64xf32, #tpu.memory_space<hbm>> -> memref<128x64xf32, #tpu.memory_space<hbm>>
      %dma_wait3A_179 = arith.constant 0 : i32
      %dma_wait3A_180 = tpu.memref_slice %arg4[%add3A_149, %dma_wait3A_179] : memref<409600x64xf32, #tpu.memory_space<hbm>> -> memref<128x64xf32, #tpu.memory_space<hbm>>
      tpu.wait_dma2 semaphore(%arg19 : memref<!tpu.dma_semaphore, #tpu.memory_space<semaphore_mem>>) src(%arg9 : memref<128x64xf32, #tpu.memory_space<vmem>>) dst(%dma_wait3A_180 : memref<128x64xf32, #tpu.memory_space<hbm>>)
      %dma_wait3A_181 = arith.constant 0 : i32
      %dma_wait3A_182 = tpu.memref_slice %arg4[%add3A_164, %dma_wait3A_181] : memref<409600x64xf32, #tpu.memory_space<hbm>> -> memref<128x64xf32, #tpu.memory_space<hbm>>
      %dma_wait3A_183 = arith.constant 0 : i32
      %dma_wait3A_184 = tpu.memref_slice %arg4[%add3A_164, %dma_wait3A_183] : memref<409600x64xf32, #tpu.memory_space<hbm>> -> memref<128x64xf32, #tpu.memory_space<hbm>>
      tpu.wait_dma2 semaphore(%arg20 : memref<!tpu.dma_semaphore, #tpu.memory_space<semaphore_mem>>) src(%arg10 : memref<128x64xf32, #tpu.memory_space<vmem>>) dst(%dma_wait3A_184 : memref<128x64xf32, #tpu.memory_space<hbm>>)
    }
    %scan3A_57 = arith.constant 5 : i32
    %dma_wait3A_58 = tpu.memref_slice %arg2[%add3A_45] : memref<409600xi32, #tpu.memory_space<hbm>> -> memref<2560xi32, #tpu.memory_space<hbm>>
    %dma_wait3A_59 = tpu.memref_slice %arg2[%add3A_45] : memref<409600xi32, #tpu.memory_space<hbm>> -> memref<2560xi32, #tpu.memory_space<hbm>>
    tpu.wait_dma2 semaphore(%arg11 : memref<!tpu.dma_semaphore, #tpu.memory_space<semaphore_mem>>) src(%dma_wait3A_59 : memref<2560xi32, #tpu.memory_space<hbm>>) dst(%arg5 : memref<2560xi32, #tpu.memory_space<vmem>>)
    %add3A_60 = arith.constant 10240 : i32
    %add3A_61 = arith.addi %mul3A_2, %add3A_60 : i32
    %scan3A_62 = arith.constant 0 : i32
    %scan3A_63 = arith.constant 0 : i32
    %scan3A_64 = arith.constant 5 : i32
    %scan3A_65 = arith.addi %scan3A_63, %scan3A_64 : i32
    %scan3A_66 = arith.constant 1 : i32
    scf.for %scan3A_68 = %scan3A_63 to %scan3A_65 step %scan3A_66  : i32 {
      %mul3A_69 = arith.constant 4 : i32
      %mul3A_70 = arith.muli %scan3A_68, %mul3A_69 : i32
      %add3A_71 = arith.constant 0 : i32
      %add3A_72 = arith.addi %mul3A_70, %add3A_71 : i32
      %mul3A_73 = arith.constant 128 : i32
      %mul3A_74 = arith.muli %add3A_72, %mul3A_73 : i32
      %dma_start3A_75 = tpu.memref_slice %arg5[%mul3A_74] : memref<2560xi32, #tpu.memory_space<vmem>> -> memref<128xi32, #tpu.memory_space<vmem>>
      %dma_start3A_76 = arith.constant 0 : i32
      %dma_start3A_77 = arith.constant 0 : i32
      %dma_start3A_78 = tpu.memref_slice %arg3[%dma_start3A_76, %dma_start3A_77] : memref<1000000x64xf32, #tpu.memory_space<hbm>> -> memref<1000000x64xf32, #tpu.memory_space<hbm>>
      tpu.enqueue_indirect_dma source(%dma_start3A_78 : memref<1000000x64xf32, #tpu.memory_space<hbm>>) target(%arg7 : memref<128x64xf32, #tpu.memory_space<vmem>>) offsets(%dma_start3A_75 : memref<128xi32, #tpu.memory_space<vmem>>) semaphore(%arg13 : memref<!tpu.dma_semaphore, #tpu.memory_space<semaphore_mem>>)
      %mul3A_79 = arith.constant 4 : i32
      %mul3A_80 = arith.muli %scan3A_68, %mul3A_79 : i32
      %add3A_81 = arith.constant 1 : i32
      %add3A_82 = arith.addi %mul3A_80, %add3A_81 : i32
      %mul3A_83 = arith.constant 128 : i32
      %mul3A_84 = arith.muli %add3A_82, %mul3A_83 : i32
      %dma_start3A_85 = tpu.memref_slice %arg5[%mul3A_84] : memref<2560xi32, #tpu.memory_space<vmem>> -> memref<128xi32, #tpu.memory_space<vmem>>
      %dma_start3A_86 = arith.constant 0 : i32
      %dma_start3A_87 = arith.constant 0 : i32
      %dma_start3A_88 = tpu.memref_slice %arg3[%dma_start3A_86, %dma_start3A_87] : memref<1000000x64xf32, #tpu.memory_space<hbm>> -> memref<1000000x64xf32, #tpu.memory_space<hbm>>
      tpu.enqueue_indirect_dma source(%dma_start3A_88 : memref<1000000x64xf32, #tpu.memory_space<hbm>>) target(%arg8 : memref<128x64xf32, #tpu.memory_space<vmem>>) offsets(%dma_start3A_85 : memref<128xi32, #tpu.memory_space<vmem>>) semaphore(%arg14 : memref<!tpu.dma_semaphore, #tpu.memory_space<semaphore_mem>>)
      %mul3A_89 = arith.constant 4 : i32
      %mul3A_90 = arith.muli %scan3A_68, %mul3A_89 : i32
      %add3A_91 = arith.constant 2 : i32
      %add3A_92 = arith.addi %mul3A_90, %add3A_91 : i32
      %mul3A_93 = arith.constant 128 : i32
      %mul3A_94 = arith.muli %add3A_92, %mul3A_93 : i32
      %dma_start3A_95 = tpu.memref_slice %arg5[%mul3A_94] : memref<2560xi32, #tpu.memory_space<vmem>> -> memref<128xi32, #tpu.memory_space<vmem>>
      %dma_start3A_96 = arith.constant 0 : i32
      %dma_start3A_97 = arith.constant 0 : i32
      %dma_start3A_98 = tpu.memref_slice %arg3[%dma_start3A_96, %dma_start3A_97] : memref<1000000x64xf32, #tpu.memory_space<hbm>> -> memref<1000000x64xf32, #tpu.memory_space<hbm>>
      tpu.enqueue_indirect_dma source(%dma_start3A_98 : memref<1000000x64xf32, #tpu.memory_space<hbm>>) target(%arg9 : memref<128x64xf32, #tpu.memory_space<vmem>>) offsets(%dma_start3A_95 : memref<128xi32, #tpu.memory_space<vmem>>) semaphore(%arg15 : memref<!tpu.dma_semaphore, #tpu.memory_space<semaphore_mem>>)
      %mul3A_99 = arith.constant 4 : i32
      %mul3A_100 = arith.muli %scan3A_68, %mul3A_99 : i32
      %add3A_101 = arith.constant 3 : i32
      %add3A_102 = arith.addi %mul3A_100, %add3A_101 : i32
      %mul3A_103 = arith.constant 128 : i32
      %mul3A_104 = arith.muli %add3A_102, %mul3A_103 : i32
      %dma_start3A_105 = tpu.memref_slice %arg5[%mul3A_104] : memref<2560xi32, #tpu.memory_space<vmem>> -> memref<128xi32, #tpu.memory_space<vmem>>
      %dma_start3A_106 = arith.constant 0 : i32
      %dma_start3A_107 = arith.constant 0 : i32
      %dma_start3A_108 = tpu.memref_slice %arg3[%dma_start3A_106, %dma_start3A_107] : memref<1000000x64xf32, #tpu.memory_space<hbm>> -> memref<1000000x64xf32, #tpu.memory_space<hbm>>
      tpu.enqueue_indirect_dma source(%dma_start3A_108 : memref<1000000x64xf32, #tpu.memory_space<hbm>>) target(%arg10 : memref<128x64xf32, #tpu.memory_space<vmem>>) offsets(%dma_start3A_105 : memref<128xi32, #tpu.memory_space<vmem>>) semaphore(%arg16 : memref<!tpu.dma_semaphore, #tpu.memory_space<semaphore_mem>>)
      %mul3A_109 = arith.constant 4 : i32
      %mul3A_110 = arith.muli %scan3A_68, %mul3A_109 : i32
      %add3A_111 = arith.constant 0 : i32
      %add3A_112 = arith.addi %mul3A_110, %add3A_111 : i32
      %mul3A_113 = arith.constant 128 : i32
      %mul3A_114 = arith.muli %add3A_112, %mul3A_113 : i32
      %dma_wait3A_115 = tpu.memref_slice %arg5[%mul3A_74] : memref<2560xi32, #tpu.memory_space<vmem>> -> memref<128xi32, #tpu.memory_space<vmem>>
      %dma_wait3A_116 = arith.constant 0 : i32
      %dma_wait3A_117 = arith.constant 0 : i32
      %dma_wait3A_118 = tpu.memref_slice %arg3[%dma_wait3A_116, %dma_wait3A_117] : memref<1000000x64xf32, #tpu.memory_space<hbm>> -> memref<1000000x64xf32, #tpu.memory_space<hbm>>
      tpu.wait_indirect_dma semaphore(%arg13 : memref<!tpu.dma_semaphore, #tpu.memory_space<semaphore_mem>>) src(%dma_wait3A_118 : memref<1000000x64xf32, #tpu.memory_space<hbm>>) dst(%arg7 : memref<128x64xf32, #tpu.memory_space<vmem>>)
      %add3A_119 = arith.addi %add3A_61, %mul3A_114 : i32
      %dma_start3A_120 = arith.constant 0 : i32
      %dma_start3A_121 = tpu.memref_slice %arg4[%add3A_119, %dma_start3A_120] : memref<409600x64xf32, #tpu.memory_space<hbm>> -> memref<128x64xf32, #tpu.memory_space<hbm>>
      %dma_start3A_122 = arith.constant 0 : i32
      %dma_start3A_123 = tpu.memref_slice %arg4[%add3A_119, %dma_start3A_122] : memref<409600x64xf32, #tpu.memory_space<hbm>> -> memref<128x64xf32, #tpu.memory_space<hbm>>
      tpu.enqueue_dma source(%arg7 : memref<128x64xf32, #tpu.memory_space<vmem>>) target(%dma_start3A_123 : memref<128x64xf32, #tpu.memory_space<hbm>>) target_semaphore(%arg17 : memref<!tpu.dma_semaphore, #tpu.memory_space<semaphore_mem>>)
      %mul3A_124 = arith.constant 4 : i32
      %mul3A_125 = arith.muli %scan3A_68, %mul3A_124 : i32
      %add3A_126 = arith.constant 1 : i32
      %add3A_127 = arith.addi %mul3A_125, %add3A_126 : i32
      %mul3A_128 = arith.constant 128 : i32
      %mul3A_129 = arith.muli %add3A_127, %mul3A_128 : i32
      %dma_wait3A_130 = tpu.memref_slice %arg5[%mul3A_84] : memref<2560xi32, #tpu.memory_space<vmem>> -> memref<128xi32, #tpu.memory_space<vmem>>
      %dma_wait3A_131 = arith.constant 0 : i32
      %dma_wait3A_132 = arith.constant 0 : i32
      %dma_wait3A_133 = tpu.memref_slice %arg3[%dma_wait3A_131, %dma_wait3A_132] : memref<1000000x64xf32, #tpu.memory_space<hbm>> -> memref<1000000x64xf32, #tpu.memory_space<hbm>>
      tpu.wait_indirect_dma semaphore(%arg14 : memref<!tpu.dma_semaphore, #tpu.memory_space<semaphore_mem>>) src(%dma_wait3A_133 : memref<1000000x64xf32, #tpu.memory_space<hbm>>) dst(%arg8 : memref<128x64xf32, #tpu.memory_space<vmem>>)
      %add3A_134 = arith.addi %add3A_61, %mul3A_129 : i32
      %dma_start3A_135 = arith.constant 0 : i32
      %dma_start3A_136 = tpu.memref_slice %arg4[%add3A_134, %dma_start3A_135] : memref<409600x64xf32, #tpu.memory_space<hbm>> -> memref<128x64xf32, #tpu.memory_space<hbm>>
      %dma_start3A_137 = arith.constant 0 : i32
      %dma_start3A_138 = tpu.memref_slice %arg4[%add3A_134, %dma_start3A_137] : memref<409600x64xf32, #tpu.memory_space<hbm>> -> memref<128x64xf32, #tpu.memory_space<hbm>>
      tpu.enqueue_dma source(%arg8 : memref<128x64xf32, #tpu.memory_space<vmem>>) target(%dma_start3A_138 : memref<128x64xf32, #tpu.memory_space<hbm>>) target_semaphore(%arg18 : memref<!tpu.dma_semaphore, #tpu.memory_space<semaphore_mem>>)
      %mul3A_139 = arith.constant 4 : i32
      %mul3A_140 = arith.muli %scan3A_68, %mul3A_139 : i32
      %add3A_141 = arith.constant 2 : i32
      %add3A_142 = arith.addi %mul3A_140, %add3A_141 : i32
      %mul3A_143 = arith.constant 128 : i32
      %mul3A_144 = arith.muli %add3A_142, %mul3A_143 : i32
      %dma_wait3A_145 = tpu.memref_slice %arg5[%mul3A_94] : memref<2560xi32, #tpu.memory_space<vmem>> -> memref<128xi32, #tpu.memory_space<vmem>>
      %dma_wait3A_146 = arith.constant 0 : i32
      %dma_wait3A_147 = arith.constant 0 : i32
      %dma_wait3A_148 = tpu.memref_slice %arg3[%dma_wait3A_146, %dma_wait3A_147] : memref<1000000x64xf32, #tpu.memory_space<hbm>> -> memref<1000000x64xf32, #tpu.memory_space<hbm>>
      tpu.wait_indirect_dma semaphore(%arg15 : memref<!tpu.dma_semaphore, #tpu.memory_space<semaphore_mem>>) src(%dma_wait3A_148 : memref<1000000x64xf32, #tpu.memory_space<hbm>>) dst(%arg9 : memref<128x64xf32, #tpu.memory_space<vmem>>)
      %add3A_149 = arith.addi %add3A_61, %mul3A_144 : i32
      %dma_start3A_150 = arith.constant 0 : i32
      %dma_start3A_151 = tpu.memref_slice %arg4[%add3A_149, %dma_start3A_150] : memref<409600x64xf32, #tpu.memory_space<hbm>> -> memref<128x64xf32, #tpu.memory_space<hbm>>
      %dma_start3A_152 = arith.constant 0 : i32
      %dma_start3A_153 = tpu.memref_slice %arg4[%add3A_149, %dma_start3A_152] : memref<409600x64xf32, #tpu.memory_space<hbm>> -> memref<128x64xf32, #tpu.memory_space<hbm>>
      tpu.enqueue_dma source(%arg9 : memref<128x64xf32, #tpu.memory_space<vmem>>) target(%dma_start3A_153 : memref<128x64xf32, #tpu.memory_space<hbm>>) target_semaphore(%arg19 : memref<!tpu.dma_semaphore, #tpu.memory_space<semaphore_mem>>)
      %mul3A_154 = arith.constant 4 : i32
      %mul3A_155 = arith.muli %scan3A_68, %mul3A_154 : i32
      %add3A_156 = arith.constant 3 : i32
      %add3A_157 = arith.addi %mul3A_155, %add3A_156 : i32
      %mul3A_158 = arith.constant 128 : i32
      %mul3A_159 = arith.muli %add3A_157, %mul3A_158 : i32
      %dma_wait3A_160 = tpu.memref_slice %arg5[%mul3A_104] : memref<2560xi32, #tpu.memory_space<vmem>> -> memref<128xi32, #tpu.memory_space<vmem>>
      %dma_wait3A_161 = arith.constant 0 : i32
      %dma_wait3A_162 = arith.constant 0 : i32
      %dma_wait3A_163 = tpu.memref_slice %arg3[%dma_wait3A_161, %dma_wait3A_162] : memref<1000000x64xf32, #tpu.memory_space<hbm>> -> memref<1000000x64xf32, #tpu.memory_space<hbm>>
      tpu.wait_indirect_dma semaphore(%arg16 : memref<!tpu.dma_semaphore, #tpu.memory_space<semaphore_mem>>) src(%dma_wait3A_163 : memref<1000000x64xf32, #tpu.memory_space<hbm>>) dst(%arg10 : memref<128x64xf32, #tpu.memory_space<vmem>>)
      %add3A_164 = arith.addi %add3A_61, %mul3A_159 : i32
      %dma_start3A_165 = arith.constant 0 : i32
      %dma_start3A_166 = tpu.memref_slice %arg4[%add3A_164, %dma_start3A_165] : memref<409600x64xf32, #tpu.memory_space<hbm>> -> memref<128x64xf32, #tpu.memory_space<hbm>>
      %dma_start3A_167 = arith.constant 0 : i32
      %dma_start3A_168 = tpu.memref_slice %arg4[%add3A_164, %dma_start3A_167] : memref<409600x64xf32, #tpu.memory_space<hbm>> -> memref<128x64xf32, #tpu.memory_space<hbm>>
      tpu.enqueue_dma source(%arg10 : memref<128x64xf32, #tpu.memory_space<vmem>>) target(%dma_start3A_168 : memref<128x64xf32, #tpu.memory_space<hbm>>) target_semaphore(%arg20 : memref<!tpu.dma_semaphore, #tpu.memory_space<semaphore_mem>>)
      %dma_wait3A_169 = arith.constant 0 : i32
      %dma_wait3A_170 = tpu.memref_slice %arg4[%add3A_119, %dma_wait3A_169] : memref<409600x64xf32, #tpu.memory_space<hbm>> -> memref<128x64xf32, #tpu.memory_space<hbm>>
      %dma_wait3A_171 = arith.constant 0 : i32
      %dma_wait3A_172 = tpu.memref_slice %arg4[%add3A_119, %dma_wait3A_171] : memref<409600x64xf32, #tpu.memory_space<hbm>> -> memref<128x64xf32, #tpu.memory_space<hbm>>
      tpu.wait_dma2 semaphore(%arg17 : memref<!tpu.dma_semaphore, #tpu.memory_space<semaphore_mem>>) src(%arg7 : memref<128x64xf32, #tpu.memory_space<vmem>>) dst(%dma_wait3A_172 : memref<128x64xf32, #tpu.memory_space<hbm>>)
      %dma_wait3A_173 = arith.constant 0 : i32
      %dma_wait3A_174 = tpu.memref_slice %arg4[%add3A_134, %dma_wait3A_173] : memref<409600x64xf32, #tpu.memory_space<hbm>> -> memref<128x64xf32, #tpu.memory_space<hbm>>
      %dma_wait3A_175 = arith.constant 0 : i32
      %dma_wait3A_176 = tpu.memref_slice %arg4[%add3A_134, %dma_wait3A_175] : memref<409600x64xf32, #tpu.memory_space<hbm>> -> memref<128x64xf32, #tpu.memory_space<hbm>>
      tpu.wait_dma2 semaphore(%arg18 : memref<!tpu.dma_semaphore, #tpu.memory_space<semaphore_mem>>) src(%arg8 : memref<128x64xf32, #tpu.memory_space<vmem>>) dst(%dma_wait3A_176 : memref<128x64xf32, #tpu.memory_space<hbm>>)
      %dma_wait3A_177 = arith.constant 0 : i32
      %dma_wait3A_178 = tpu.memref_slice %arg4[%add3A_149, %dma_wait3A_177] : memref<409600x64xf32, #tpu.memory_space<hbm>> -> memref<128x64xf32, #tpu.memory_space<hbm>>
      %dma_wait3A_179 = arith.constant 0 : i32
      %dma_wait3A_180 = tpu.memref_slice %arg4[%add3A_149, %dma_wait3A_179] : memref<409600x64xf32, #tpu.memory_space<hbm>> -> memref<128x64xf32, #tpu.memory_space<hbm>>
      tpu.wait_dma2 semaphore(%arg19 : memref<!tpu.dma_semaphore, #tpu.memory_space<semaphore_mem>>) src(%arg9 : memref<128x64xf32, #tpu.memory_space<vmem>>) dst(%dma_wait3A_180 : memref<128x64xf32, #tpu.memory_space<hbm>>)
      %dma_wait3A_181 = arith.constant 0 : i32
      %dma_wait3A_182 = tpu.memref_slice %arg4[%add3A_164, %dma_wait3A_181] : memref<409600x64xf32, #tpu.memory_space<hbm>> -> memref<128x64xf32, #tpu.memory_space<hbm>>
      %dma_wait3A_183 = arith.constant 0 : i32
      %dma_wait3A_184 = tpu.memref_slice %arg4[%add3A_164, %dma_wait3A_183] : memref<409600x64xf32, #tpu.memory_space<hbm>> -> memref<128x64xf32, #tpu.memory_space<hbm>>
      tpu.wait_dma2 semaphore(%arg20 : memref<!tpu.dma_semaphore, #tpu.memory_space<semaphore_mem>>) src(%arg10 : memref<128x64xf32, #tpu.memory_space<vmem>>) dst(%dma_wait3A_184 : memref<128x64xf32, #tpu.memory_space<hbm>>)
    }
    %scan3A_67 = arith.constant 5 : i32
    return
  }
}

#map = affine_map<(d0, d1) -> (0)>
#map1 = affine_map<(d0, d1) -> (0, 0)>
module attributes {stable_mosaic.version = 14 : i64} {
  func.func @gather_kernel(%arg0: i32, %arg1: i32, %arg2: memref<409600xi32, #tpu.memory_space<hbm>>, %arg3: memref<1000000x64xf32, #tpu.memory_space<hbm>>, %arg4: memref<409600x64xf32, #tpu.memory_space<hbm>>, %arg5: memref<2560xi32, #tpu.memory_space<vmem>>, %arg6: memref<2560xi32, #tpu.memory_space<vmem>>, %arg7: memref<128x64xf32, #tpu.memory_space<vmem>>, %arg8: memref<128x64xf32, #tpu.memory_space<vmem>>, %arg9: memref<128x64xf32, #tpu.memory_space<vmem>>, %arg10: memref<128x64xf32, #tpu.memory_space<vmem>>, %arg11: memref<!tpu.dma_semaphore, #tpu.memory_space<semaphore_mem>>, %arg12: memref<!tpu.dma_semaphore, #tpu.memory_space<semaphore_mem>>, %arg13: memref<!tpu.dma_semaphore, #tpu.memory_space<semaphore_mem>>, %arg14: memref<!tpu.dma_semaphore, #tpu.memory_space<semaphore_mem>>, %arg15: memref<!tpu.dma_semaphore, #tpu.memory_space<semaphore_mem>>, %arg16: memref<!tpu.dma_semaphore, #tpu.memory_space<semaphore_mem>>, %arg17: memref<!tpu.dma_semaphore, #tpu.memory_space<semaphore_mem>>, %arg18: memref<!tpu.dma_semaphore, #tpu.memory_space<semaphore_mem>>, %arg19: memref<!tpu.dma_semaphore, #tpu.memory_space<semaphore_mem>>, %arg20: memref<!tpu.dma_semaphore, #tpu.memory_space<semaphore_mem>>) attributes {dimension_semantics = [#tpu.dimension_semantics<core_parallel>, #tpu.dimension_semantics<subcore_parallel>], iteration_bounds = array<i64: 2, 16>, scalar_prefetch = 0 : i64, scratch_operands = 16 : i64, tpu.core_type = #tpu.core_type<sc_vector_subcore>, window_params = [{transform_indices = #map}, {transform_indices = #map1}, {transform_indices = #map1}]} {
    %mul3A = arith.constant 2 : i32
    %mul3A_0 = arith.muli %arg1, %mul3A : i32
    %add3A = arith.addi %mul3A_0, %arg0 : i32
    %mul3A_1 = arith.constant 12800 : i32
    %mul3A_2 = arith.muli %add3A, %mul3A_1 : i32
    %dma_start3A = tpu.memref_slice %arg2[%mul3A_2] : memref<409600xi32, #tpu.memory_space<hbm>> -> memref<2560xi32, #tpu.memory_space<hbm>>
    %dma_start3A_3 = tpu.memref_slice %arg2[%mul3A_2] : memref<409600xi32, #tpu.memory_space<hbm>> -> memref<2560xi32, #tpu.memory_space<hbm>>
    tpu.enqueue_dma source(%dma_start3A_3 : memref<2560xi32, #tpu.memory_space<hbm>>) target(%arg5 : memref<2560xi32, #tpu.memory_space<vmem>>) target_semaphore(%arg11 : memref<!tpu.dma_semaphore, #tpu.memory_space<semaphore_mem>>)
    %add3A_4 = arith.constant 2560 : i32
    %add3A_5 = arith.addi %mul3A_2, %add3A_4 : i32
    %dma_start3A_6 = tpu.memref_slice %arg2[%add3A_5] : memref<409600xi32, #tpu.memory_space<hbm>> -> memref<2560xi32, #tpu.memory_space<hbm>>
    %dma_start3A_7 = tpu.memref_slice %arg2[%add3A_5] : memref<409600xi32, #tpu.memory_space<hbm>> -> memref<2560xi32, #tpu.memory_space<hbm>>
    tpu.enqueue_dma source(%dma_start3A_7 : memref<2560xi32, #tpu.memory_space<hbm>>) target(%arg6 : memref<2560xi32, #tpu.memory_space<vmem>>) target_semaphore(%arg12 : memref<!tpu.dma_semaphore, #tpu.memory_space<semaphore_mem>>)
    %dma_wait3A = tpu.memref_slice %arg2[%mul3A_2] : memref<409600xi32, #tpu.memory_space<hbm>> -> memref<2560xi32, #tpu.memory_space<hbm>>
    %dma_wait3A_8 = tpu.memref_slice %arg2[%mul3A_2] : memref<409600xi32, #tpu.memory_space<hbm>> -> memref<2560xi32, #tpu.memory_space<hbm>>
    tpu.wait_dma2 semaphore(%arg11 : memref<!tpu.dma_semaphore, #tpu.memory_space<semaphore_mem>>) src(%dma_wait3A_8 : memref<2560xi32, #tpu.memory_space<hbm>>) dst(%arg5 : memref<2560xi32, #tpu.memory_space<vmem>>)
    %add3A_9 = arith.constant 0 : i32
    %add3A_10 = arith.addi %mul3A_2, %add3A_9 : i32
    %scan3A = arith.constant 0 : i32
    %scan3A_11 = arith.constant 0 : i32
    %scan3A_12 = arith.constant 5 : i32
    %scan3A_13 = arith.addi %scan3A_11, %scan3A_12 : i32
    %scan3A_14 = arith.constant 1 : i32
    scf.for %scan3A_68 = %scan3A_11 to %scan3A_13 step %scan3A_14  : i32 {
      %mul3A_69 = arith.constant 4 : i32
      %mul3A_70 = arith.muli %scan3A_68, %mul3A_69 : i32
      %add3A_71 = arith.constant 0 : i32
      %add3A_72 = arith.addi %mul3A_70, %add3A_71 : i32
      %mul3A_73 = arith.constant 128 : i32
      %mul3A_74 = arith.muli %add3A_72, %mul3A_73 : i32
      %dma_start3A_75 = tpu.memref_slice %arg5[%mul3A_74] : memref<2560xi32, #tpu.memory_space<vmem>> -> memref<128xi32, #tpu.memory_space<vmem>>
      %dma_start3A_76 = arith.constant 0 : i32
      %dma_start3A_77 = arith.constant 0 : i32
      %dma_start3A_78 = tpu.memref_slice %arg3[%dma_start3A_76, %dma_start3A_77] : memref<1000000x64xf32, #tpu.memory_space<hbm>> -> memref<1000000x64xf32, #tpu.memory_space<hbm>>
      tpu.enqueue_indirect_dma source(%dma_start3A_78 : memref<1000000x64xf32, #tpu.memory_space<hbm>>) target(%arg7 : memref<128x64xf32, #tpu.memory_space<vmem>>) offsets(%dma_start3A_75 : memref<128xi32, #tpu.memory_space<vmem>>) semaphore(%arg13 : memref<!tpu.dma_semaphore, #tpu.memory_space<semaphore_mem>>)
      %mul3A_79 = arith.constant 4 : i32
      %mul3A_80 = arith.muli %scan3A_68, %mul3A_79 : i32
      %add3A_81 = arith.constant 1 : i32
      %add3A_82 = arith.addi %mul3A_80, %add3A_81 : i32
      %mul3A_83 = arith.constant 128 : i32
      %mul3A_84 = arith.muli %add3A_82, %mul3A_83 : i32
      %dma_start3A_85 = tpu.memref_slice %arg5[%mul3A_84] : memref<2560xi32, #tpu.memory_space<vmem>> -> memref<128xi32, #tpu.memory_space<vmem>>
      %dma_start3A_86 = arith.constant 0 : i32
      %dma_start3A_87 = arith.constant 0 : i32
      %dma_start3A_88 = tpu.memref_slice %arg3[%dma_start3A_86, %dma_start3A_87] : memref<1000000x64xf32, #tpu.memory_space<hbm>> -> memref<1000000x64xf32, #tpu.memory_space<hbm>>
      tpu.enqueue_indirect_dma source(%dma_start3A_88 : memref<1000000x64xf32, #tpu.memory_space<hbm>>) target(%arg8 : memref<128x64xf32, #tpu.memory_space<vmem>>) offsets(%dma_start3A_85 : memref<128xi32, #tpu.memory_space<vmem>>) semaphore(%arg14 : memref<!tpu.dma_semaphore, #tpu.memory_space<semaphore_mem>>)
      %mul3A_89 = arith.constant 4 : i32
      %mul3A_90 = arith.muli %scan3A_68, %mul3A_89 : i32
      %add3A_91 = arith.constant 2 : i32
      %add3A_92 = arith.addi %mul3A_90, %add3A_91 : i32
      %mul3A_93 = arith.constant 128 : i32
      %mul3A_94 = arith.muli %add3A_92, %mul3A_93 : i32
      %dma_start3A_95 = tpu.memref_slice %arg5[%mul3A_94] : memref<2560xi32, #tpu.memory_space<vmem>> -> memref<128xi32, #tpu.memory_space<vmem>>
      %dma_start3A_96 = arith.constant 0 : i32
      %dma_start3A_97 = arith.constant 0 : i32
      %dma_start3A_98 = tpu.memref_slice %arg3[%dma_start3A_96, %dma_start3A_97] : memref<1000000x64xf32, #tpu.memory_space<hbm>> -> memref<1000000x64xf32, #tpu.memory_space<hbm>>
      tpu.enqueue_indirect_dma source(%dma_start3A_98 : memref<1000000x64xf32, #tpu.memory_space<hbm>>) target(%arg9 : memref<128x64xf32, #tpu.memory_space<vmem>>) offsets(%dma_start3A_95 : memref<128xi32, #tpu.memory_space<vmem>>) semaphore(%arg15 : memref<!tpu.dma_semaphore, #tpu.memory_space<semaphore_mem>>)
      %mul3A_99 = arith.constant 4 : i32
      %mul3A_100 = arith.muli %scan3A_68, %mul3A_99 : i32
      %add3A_101 = arith.constant 3 : i32
      %add3A_102 = arith.addi %mul3A_100, %add3A_101 : i32
      %mul3A_103 = arith.constant 128 : i32
      %mul3A_104 = arith.muli %add3A_102, %mul3A_103 : i32
      %dma_start3A_105 = tpu.memref_slice %arg5[%mul3A_104] : memref<2560xi32, #tpu.memory_space<vmem>> -> memref<128xi32, #tpu.memory_space<vmem>>
      %dma_start3A_106 = arith.constant 0 : i32
      %dma_start3A_107 = arith.constant 0 : i32
      %dma_start3A_108 = tpu.memref_slice %arg3[%dma_start3A_106, %dma_start3A_107] : memref<1000000x64xf32, #tpu.memory_space<hbm>> -> memref<1000000x64xf32, #tpu.memory_space<hbm>>
      tpu.enqueue_indirect_dma source(%dma_start3A_108 : memref<1000000x64xf32, #tpu.memory_space<hbm>>) target(%arg10 : memref<128x64xf32, #tpu.memory_space<vmem>>) offsets(%dma_start3A_105 : memref<128xi32, #tpu.memory_space<vmem>>) semaphore(%arg16 : memref<!tpu.dma_semaphore, #tpu.memory_space<semaphore_mem>>)
      %mul3A_109 = arith.constant 4 : i32
      %mul3A_110 = arith.muli %scan3A_68, %mul3A_109 : i32
      %add3A_111 = arith.constant 0 : i32
      %add3A_112 = arith.addi %mul3A_110, %add3A_111 : i32
      %mul3A_113 = arith.constant 128 : i32
      %mul3A_114 = arith.muli %add3A_112, %mul3A_113 : i32
      %dma_wait3A_115 = tpu.memref_slice %arg5[%mul3A_74] : memref<2560xi32, #tpu.memory_space<vmem>> -> memref<128xi32, #tpu.memory_space<vmem>>
      %dma_wait3A_116 = arith.constant 0 : i32
      %dma_wait3A_117 = arith.constant 0 : i32
      %dma_wait3A_118 = tpu.memref_slice %arg3[%dma_wait3A_116, %dma_wait3A_117] : memref<1000000x64xf32, #tpu.memory_space<hbm>> -> memref<1000000x64xf32, #tpu.memory_space<hbm>>
      tpu.wait_indirect_dma semaphore(%arg13 : memref<!tpu.dma_semaphore, #tpu.memory_space<semaphore_mem>>) src(%dma_wait3A_118 : memref<1000000x64xf32, #tpu.memory_space<hbm>>) dst(%arg7 : memref<128x64xf32, #tpu.memory_space<vmem>>)
      %add3A_119 = arith.addi %add3A_10, %mul3A_114 : i32
      %dma_start3A_120 = arith.constant 0 : i32
      %dma_start3A_121 = tpu.memref_slice %arg4[%add3A_119, %dma_start3A_120] : memref<409600x64xf32, #tpu.memory_space<hbm>> -> memref<128x64xf32, #tpu.memory_space<hbm>>
      %dma_start3A_122 = arith.constant 0 : i32
      %dma_start3A_123 = tpu.memref_slice %arg4[%add3A_119, %dma_start3A_122] : memref<409600x64xf32, #tpu.memory_space<hbm>> -> memref<128x64xf32, #tpu.memory_space<hbm>>
      tpu.enqueue_dma source(%arg7 : memref<128x64xf32, #tpu.memory_space<vmem>>) target(%dma_start3A_123 : memref<128x64xf32, #tpu.memory_space<hbm>>) target_semaphore(%arg17 : memref<!tpu.dma_semaphore, #tpu.memory_space<semaphore_mem>>)
      %mul3A_124 = arith.constant 4 : i32
      %mul3A_125 = arith.muli %scan3A_68, %mul3A_124 : i32
      %add3A_126 = arith.constant 1 : i32
      %add3A_127 = arith.addi %mul3A_125, %add3A_126 : i32
      %mul3A_128 = arith.constant 128 : i32
      %mul3A_129 = arith.muli %add3A_127, %mul3A_128 : i32
      %dma_wait3A_130 = tpu.memref_slice %arg5[%mul3A_84] : memref<2560xi32, #tpu.memory_space<vmem>> -> memref<128xi32, #tpu.memory_space<vmem>>
      %dma_wait3A_131 = arith.constant 0 : i32
      %dma_wait3A_132 = arith.constant 0 : i32
      %dma_wait3A_133 = tpu.memref_slice %arg3[%dma_wait3A_131, %dma_wait3A_132] : memref<1000000x64xf32, #tpu.memory_space<hbm>> -> memref<1000000x64xf32, #tpu.memory_space<hbm>>
      tpu.wait_indirect_dma semaphore(%arg14 : memref<!tpu.dma_semaphore, #tpu.memory_space<semaphore_mem>>) src(%dma_wait3A_133 : memref<1000000x64xf32, #tpu.memory_space<hbm>>) dst(%arg8 : memref<128x64xf32, #tpu.memory_space<vmem>>)
      %add3A_134 = arith.addi %add3A_10, %mul3A_129 : i32
      %dma_start3A_135 = arith.constant 0 : i32
      %dma_start3A_136 = tpu.memref_slice %arg4[%add3A_134, %dma_start3A_135] : memref<409600x64xf32, #tpu.memory_space<hbm>> -> memref<128x64xf32, #tpu.memory_space<hbm>>
      %dma_start3A_137 = arith.constant 0 : i32
      %dma_start3A_138 = tpu.memref_slice %arg4[%add3A_134, %dma_start3A_137] : memref<409600x64xf32, #tpu.memory_space<hbm>> -> memref<128x64xf32, #tpu.memory_space<hbm>>
      tpu.enqueue_dma source(%arg8 : memref<128x64xf32, #tpu.memory_space<vmem>>) target(%dma_start3A_138 : memref<128x64xf32, #tpu.memory_space<hbm>>) target_semaphore(%arg18 : memref<!tpu.dma_semaphore, #tpu.memory_space<semaphore_mem>>)
      %mul3A_139 = arith.constant 4 : i32
      %mul3A_140 = arith.muli %scan3A_68, %mul3A_139 : i32
      %add3A_141 = arith.constant 2 : i32
      %add3A_142 = arith.addi %mul3A_140, %add3A_141 : i32
      %mul3A_143 = arith.constant 128 : i32
      %mul3A_144 = arith.muli %add3A_142, %mul3A_143 : i32
      %dma_wait3A_145 = tpu.memref_slice %arg5[%mul3A_94] : memref<2560xi32, #tpu.memory_space<vmem>> -> memref<128xi32, #tpu.memory_space<vmem>>
      %dma_wait3A_146 = arith.constant 0 : i32
      %dma_wait3A_147 = arith.constant 0 : i32
      %dma_wait3A_148 = tpu.memref_slice %arg3[%dma_wait3A_146, %dma_wait3A_147] : memref<1000000x64xf32, #tpu.memory_space<hbm>> -> memref<1000000x64xf32, #tpu.memory_space<hbm>>
      tpu.wait_indirect_dma semaphore(%arg15 : memref<!tpu.dma_semaphore, #tpu.memory_space<semaphore_mem>>) src(%dma_wait3A_148 : memref<1000000x64xf32, #tpu.memory_space<hbm>>) dst(%arg9 : memref<128x64xf32, #tpu.memory_space<vmem>>)
      %add3A_149 = arith.addi %add3A_10, %mul3A_144 : i32
      %dma_start3A_150 = arith.constant 0 : i32
      %dma_start3A_151 = tpu.memref_slice %arg4[%add3A_149, %dma_start3A_150] : memref<409600x64xf32, #tpu.memory_space<hbm>> -> memref<128x64xf32, #tpu.memory_space<hbm>>
      %dma_start3A_152 = arith.constant 0 : i32
      %dma_start3A_153 = tpu.memref_slice %arg4[%add3A_149, %dma_start3A_152] : memref<409600x64xf32, #tpu.memory_space<hbm>> -> memref<128x64xf32, #tpu.memory_space<hbm>>
      tpu.enqueue_dma source(%arg9 : memref<128x64xf32, #tpu.memory_space<vmem>>) target(%dma_start3A_153 : memref<128x64xf32, #tpu.memory_space<hbm>>) target_semaphore(%arg19 : memref<!tpu.dma_semaphore, #tpu.memory_space<semaphore_mem>>)
      %mul3A_154 = arith.constant 4 : i32
      %mul3A_155 = arith.muli %scan3A_68, %mul3A_154 : i32
      %add3A_156 = arith.constant 3 : i32
      %add3A_157 = arith.addi %mul3A_155, %add3A_156 : i32
      %mul3A_158 = arith.constant 128 : i32
      %mul3A_159 = arith.muli %add3A_157, %mul3A_158 : i32
      %dma_wait3A_160 = tpu.memref_slice %arg5[%mul3A_104] : memref<2560xi32, #tpu.memory_space<vmem>> -> memref<128xi32, #tpu.memory_space<vmem>>
      %dma_wait3A_161 = arith.constant 0 : i32
      %dma_wait3A_162 = arith.constant 0 : i32
      %dma_wait3A_163 = tpu.memref_slice %arg3[%dma_wait3A_161, %dma_wait3A_162] : memref<1000000x64xf32, #tpu.memory_space<hbm>> -> memref<1000000x64xf32, #tpu.memory_space<hbm>>
      tpu.wait_indirect_dma semaphore(%arg16 : memref<!tpu.dma_semaphore, #tpu.memory_space<semaphore_mem>>) src(%dma_wait3A_163 : memref<1000000x64xf32, #tpu.memory_space<hbm>>) dst(%arg10 : memref<128x64xf32, #tpu.memory_space<vmem>>)
      %add3A_164 = arith.addi %add3A_10, %mul3A_159 : i32
      %dma_start3A_165 = arith.constant 0 : i32
      %dma_start3A_166 = tpu.memref_slice %arg4[%add3A_164, %dma_start3A_165] : memref<409600x64xf32, #tpu.memory_space<hbm>> -> memref<128x64xf32, #tpu.memory_space<hbm>>
      %dma_start3A_167 = arith.constant 0 : i32
      %dma_start3A_168 = tpu.memref_slice %arg4[%add3A_164, %dma_start3A_167] : memref<409600x64xf32, #tpu.memory_space<hbm>> -> memref<128x64xf32, #tpu.memory_space<hbm>>
      tpu.enqueue_dma source(%arg10 : memref<128x64xf32, #tpu.memory_space<vmem>>) target(%dma_start3A_168 : memref<128x64xf32, #tpu.memory_space<hbm>>) target_semaphore(%arg20 : memref<!tpu.dma_semaphore, #tpu.memory_space<semaphore_mem>>)
      %dma_wait3A_169 = arith.constant 0 : i32
      %dma_wait3A_170 = tpu.memref_slice %arg4[%add3A_119, %dma_wait3A_169] : memref<409600x64xf32, #tpu.memory_space<hbm>> -> memref<128x64xf32, #tpu.memory_space<hbm>>
      %dma_wait3A_171 = arith.constant 0 : i32
      %dma_wait3A_172 = tpu.memref_slice %arg4[%add3A_119, %dma_wait3A_171] : memref<409600x64xf32, #tpu.memory_space<hbm>> -> memref<128x64xf32, #tpu.memory_space<hbm>>
      tpu.wait_dma2 semaphore(%arg17 : memref<!tpu.dma_semaphore, #tpu.memory_space<semaphore_mem>>) src(%arg7 : memref<128x64xf32, #tpu.memory_space<vmem>>) dst(%dma_wait3A_172 : memref<128x64xf32, #tpu.memory_space<hbm>>)
      %dma_wait3A_173 = arith.constant 0 : i32
      %dma_wait3A_174 = tpu.memref_slice %arg4[%add3A_134, %dma_wait3A_173] : memref<409600x64xf32, #tpu.memory_space<hbm>> -> memref<128x64xf32, #tpu.memory_space<hbm>>
      %dma_wait3A_175 = arith.constant 0 : i32
      %dma_wait3A_176 = tpu.memref_slice %arg4[%add3A_134, %dma_wait3A_175] : memref<409600x64xf32, #tpu.memory_space<hbm>> -> memref<128x64xf32, #tpu.memory_space<hbm>>
      tpu.wait_dma2 semaphore(%arg18 : memref<!tpu.dma_semaphore, #tpu.memory_space<semaphore_mem>>) src(%arg8 : memref<128x64xf32, #tpu.memory_space<vmem>>) dst(%dma_wait3A_176 : memref<128x64xf32, #tpu.memory_space<hbm>>)
      %dma_wait3A_177 = arith.constant 0 : i32
      %dma_wait3A_178 = tpu.memref_slice %arg4[%add3A_149, %dma_wait3A_177] : memref<409600x64xf32, #tpu.memory_space<hbm>> -> memref<128x64xf32, #tpu.memory_space<hbm>>
      %dma_wait3A_179 = arith.constant 0 : i32
      %dma_wait3A_180 = tpu.memref_slice %arg4[%add3A_149, %dma_wait3A_179] : memref<409600x64xf32, #tpu.memory_space<hbm>> -> memref<128x64xf32, #tpu.memory_space<hbm>>
      tpu.wait_dma2 semaphore(%arg19 : memref<!tpu.dma_semaphore, #tpu.memory_space<semaphore_mem>>) src(%arg9 : memref<128x64xf32, #tpu.memory_space<vmem>>) dst(%dma_wait3A_180 : memref<128x64xf32, #tpu.memory_space<hbm>>)
      %dma_wait3A_181 = arith.constant 0 : i32
      %dma_wait3A_182 = tpu.memref_slice %arg4[%add3A_164, %dma_wait3A_181] : memref<409600x64xf32, #tpu.memory_space<hbm>> -> memref<128x64xf32, #tpu.memory_space<hbm>>
      %dma_wait3A_183 = arith.constant 0 : i32
      %dma_wait3A_184 = tpu.memref_slice %arg4[%add3A_164, %dma_wait3A_183] : memref<409600x64xf32, #tpu.memory_space<hbm>> -> memref<128x64xf32, #tpu.memory_space<hbm>>
      tpu.wait_dma2 semaphore(%arg20 : memref<!tpu.dma_semaphore, #tpu.memory_space<semaphore_mem>>) src(%arg10 : memref<128x64xf32, #tpu.memory_space<vmem>>) dst(%dma_wait3A_184 : memref<128x64xf32, #tpu.memory_space<hbm>>)
    }
    %scan3A_15 = arith.constant 5 : i32
    %add3A_16 = arith.constant 5120 : i32
    %add3A_17 = arith.addi %mul3A_2, %add3A_16 : i32
    %dma_start3A_18 = tpu.memref_slice %arg2[%add3A_17] : memref<409600xi32, #tpu.memory_space<hbm>> -> memref<2560xi32, #tpu.memory_space<hbm>>
    %dma_start3A_19 = tpu.memref_slice %arg2[%add3A_17] : memref<409600xi32, #tpu.memory_space<hbm>> -> memref<2560xi32, #tpu.memory_space<hbm>>
    tpu.enqueue_dma source(%dma_start3A_19 : memref<2560xi32, #tpu.memory_space<hbm>>) target(%arg5 : memref<2560xi32, #tpu.memory_space<vmem>>) target_semaphore(%arg11 : memref<!tpu.dma_semaphore, #tpu.memory_space<semaphore_mem>>)
    %dma_wait3A_20 = tpu.memref_slice %arg2[%add3A_5] : memref<409600xi32, #tpu.memory_space<hbm>> -> memref<2560xi32, #tpu.memory_space<hbm>>
    %dma_wait3A_21 = tpu.memref_slice %arg2[%add3A_5] : memref<409600xi32, #tpu.memory_space<hbm>> -> memref<2560xi32, #tpu.memory_space<hbm>>
    tpu.wait_dma2 semaphore(%arg12 : memref<!tpu.dma_semaphore, #tpu.memory_space<semaphore_mem>>) src(%dma_wait3A_21 : memref<2560xi32, #tpu.memory_space<hbm>>) dst(%arg6 : memref<2560xi32, #tpu.memory_space<vmem>>)
    %add3A_22 = arith.constant 2560 : i32
    %add3A_23 = arith.addi %mul3A_2, %add3A_22 : i32
    %scan3A_24 = arith.constant 0 : i32
    %scan3A_25 = arith.constant 0 : i32
    %scan3A_26 = arith.constant 5 : i32
    %scan3A_27 = arith.addi %scan3A_25, %scan3A_26 : i32
    %scan3A_28 = arith.constant 1 : i32
    scf.for %scan3A_68 = %scan3A_25 to %scan3A_27 step %scan3A_28  : i32 {
      %mul3A_69 = arith.constant 4 : i32
      %mul3A_70 = arith.muli %scan3A_68, %mul3A_69 : i32
      %add3A_71 = arith.constant 0 : i32
      %add3A_72 = arith.addi %mul3A_70, %add3A_71 : i32
      %mul3A_73 = arith.constant 128 : i32
      %mul3A_74 = arith.muli %add3A_72, %mul3A_73 : i32
      %dma_start3A_75 = tpu.memref_slice %arg6[%mul3A_74] : memref<2560xi32, #tpu.memory_space<vmem>> -> memref<128xi32, #tpu.memory_space<vmem>>
      %dma_start3A_76 = arith.constant 0 : i32
      %dma_start3A_77 = arith.constant 0 : i32
      %dma_start3A_78 = tpu.memref_slice %arg3[%dma_start3A_76, %dma_start3A_77] : memref<1000000x64xf32, #tpu.memory_space<hbm>> -> memref<1000000x64xf32, #tpu.memory_space<hbm>>
      tpu.enqueue_indirect_dma source(%dma_start3A_78 : memref<1000000x64xf32, #tpu.memory_space<hbm>>) target(%arg7 : memref<128x64xf32, #tpu.memory_space<vmem>>) offsets(%dma_start3A_75 : memref<128xi32, #tpu.memory_space<vmem>>) semaphore(%arg13 : memref<!tpu.dma_semaphore, #tpu.memory_space<semaphore_mem>>)
      %mul3A_79 = arith.constant 4 : i32
      %mul3A_80 = arith.muli %scan3A_68, %mul3A_79 : i32
      %add3A_81 = arith.constant 1 : i32
      %add3A_82 = arith.addi %mul3A_80, %add3A_81 : i32
      %mul3A_83 = arith.constant 128 : i32
      %mul3A_84 = arith.muli %add3A_82, %mul3A_83 : i32
      %dma_start3A_85 = tpu.memref_slice %arg6[%mul3A_84] : memref<2560xi32, #tpu.memory_space<vmem>> -> memref<128xi32, #tpu.memory_space<vmem>>
      %dma_start3A_86 = arith.constant 0 : i32
      %dma_start3A_87 = arith.constant 0 : i32
      %dma_start3A_88 = tpu.memref_slice %arg3[%dma_start3A_86, %dma_start3A_87] : memref<1000000x64xf32, #tpu.memory_space<hbm>> -> memref<1000000x64xf32, #tpu.memory_space<hbm>>
      tpu.enqueue_indirect_dma source(%dma_start3A_88 : memref<1000000x64xf32, #tpu.memory_space<hbm>>) target(%arg8 : memref<128x64xf32, #tpu.memory_space<vmem>>) offsets(%dma_start3A_85 : memref<128xi32, #tpu.memory_space<vmem>>) semaphore(%arg14 : memref<!tpu.dma_semaphore, #tpu.memory_space<semaphore_mem>>)
      %mul3A_89 = arith.constant 4 : i32
      %mul3A_90 = arith.muli %scan3A_68, %mul3A_89 : i32
      %add3A_91 = arith.constant 2 : i32
      %add3A_92 = arith.addi %mul3A_90, %add3A_91 : i32
      %mul3A_93 = arith.constant 128 : i32
      %mul3A_94 = arith.muli %add3A_92, %mul3A_93 : i32
      %dma_start3A_95 = tpu.memref_slice %arg6[%mul3A_94] : memref<2560xi32, #tpu.memory_space<vmem>> -> memref<128xi32, #tpu.memory_space<vmem>>
      %dma_start3A_96 = arith.constant 0 : i32
      %dma_start3A_97 = arith.constant 0 : i32
      %dma_start3A_98 = tpu.memref_slice %arg3[%dma_start3A_96, %dma_start3A_97] : memref<1000000x64xf32, #tpu.memory_space<hbm>> -> memref<1000000x64xf32, #tpu.memory_space<hbm>>
      tpu.enqueue_indirect_dma source(%dma_start3A_98 : memref<1000000x64xf32, #tpu.memory_space<hbm>>) target(%arg9 : memref<128x64xf32, #tpu.memory_space<vmem>>) offsets(%dma_start3A_95 : memref<128xi32, #tpu.memory_space<vmem>>) semaphore(%arg15 : memref<!tpu.dma_semaphore, #tpu.memory_space<semaphore_mem>>)
      %mul3A_99 = arith.constant 4 : i32
      %mul3A_100 = arith.muli %scan3A_68, %mul3A_99 : i32
      %add3A_101 = arith.constant 3 : i32
      %add3A_102 = arith.addi %mul3A_100, %add3A_101 : i32
      %mul3A_103 = arith.constant 128 : i32
      %mul3A_104 = arith.muli %add3A_102, %mul3A_103 : i32
      %dma_start3A_105 = tpu.memref_slice %arg6[%mul3A_104] : memref<2560xi32, #tpu.memory_space<vmem>> -> memref<128xi32, #tpu.memory_space<vmem>>
      %dma_start3A_106 = arith.constant 0 : i32
      %dma_start3A_107 = arith.constant 0 : i32
      %dma_start3A_108 = tpu.memref_slice %arg3[%dma_start3A_106, %dma_start3A_107] : memref<1000000x64xf32, #tpu.memory_space<hbm>> -> memref<1000000x64xf32, #tpu.memory_space<hbm>>
      tpu.enqueue_indirect_dma source(%dma_start3A_108 : memref<1000000x64xf32, #tpu.memory_space<hbm>>) target(%arg10 : memref<128x64xf32, #tpu.memory_space<vmem>>) offsets(%dma_start3A_105 : memref<128xi32, #tpu.memory_space<vmem>>) semaphore(%arg16 : memref<!tpu.dma_semaphore, #tpu.memory_space<semaphore_mem>>)
      %mul3A_109 = arith.constant 4 : i32
      %mul3A_110 = arith.muli %scan3A_68, %mul3A_109 : i32
      %add3A_111 = arith.constant 0 : i32
      %add3A_112 = arith.addi %mul3A_110, %add3A_111 : i32
      %mul3A_113 = arith.constant 128 : i32
      %mul3A_114 = arith.muli %add3A_112, %mul3A_113 : i32
      %dma_wait3A_115 = tpu.memref_slice %arg6[%mul3A_74] : memref<2560xi32, #tpu.memory_space<vmem>> -> memref<128xi32, #tpu.memory_space<vmem>>
      %dma_wait3A_116 = arith.constant 0 : i32
      %dma_wait3A_117 = arith.constant 0 : i32
      %dma_wait3A_118 = tpu.memref_slice %arg3[%dma_wait3A_116, %dma_wait3A_117] : memref<1000000x64xf32, #tpu.memory_space<hbm>> -> memref<1000000x64xf32, #tpu.memory_space<hbm>>
      tpu.wait_indirect_dma semaphore(%arg13 : memref<!tpu.dma_semaphore, #tpu.memory_space<semaphore_mem>>) src(%dma_wait3A_118 : memref<1000000x64xf32, #tpu.memory_space<hbm>>) dst(%arg7 : memref<128x64xf32, #tpu.memory_space<vmem>>)
      %add3A_119 = arith.addi %add3A_23, %mul3A_114 : i32
      %dma_start3A_120 = arith.constant 0 : i32
      %dma_start3A_121 = tpu.memref_slice %arg4[%add3A_119, %dma_start3A_120] : memref<409600x64xf32, #tpu.memory_space<hbm>> -> memref<128x64xf32, #tpu.memory_space<hbm>>
      %dma_start3A_122 = arith.constant 0 : i32
      %dma_start3A_123 = tpu.memref_slice %arg4[%add3A_119, %dma_start3A_122] : memref<409600x64xf32, #tpu.memory_space<hbm>> -> memref<128x64xf32, #tpu.memory_space<hbm>>
      tpu.enqueue_dma source(%arg7 : memref<128x64xf32, #tpu.memory_space<vmem>>) target(%dma_start3A_123 : memref<128x64xf32, #tpu.memory_space<hbm>>) target_semaphore(%arg17 : memref<!tpu.dma_semaphore, #tpu.memory_space<semaphore_mem>>)
      %mul3A_124 = arith.constant 4 : i32
      %mul3A_125 = arith.muli %scan3A_68, %mul3A_124 : i32
      %add3A_126 = arith.constant 1 : i32
      %add3A_127 = arith.addi %mul3A_125, %add3A_126 : i32
      %mul3A_128 = arith.constant 128 : i32
      %mul3A_129 = arith.muli %add3A_127, %mul3A_128 : i32
      %dma_wait3A_130 = tpu.memref_slice %arg6[%mul3A_84] : memref<2560xi32, #tpu.memory_space<vmem>> -> memref<128xi32, #tpu.memory_space<vmem>>
      %dma_wait3A_131 = arith.constant 0 : i32
      %dma_wait3A_132 = arith.constant 0 : i32
      %dma_wait3A_133 = tpu.memref_slice %arg3[%dma_wait3A_131, %dma_wait3A_132] : memref<1000000x64xf32, #tpu.memory_space<hbm>> -> memref<1000000x64xf32, #tpu.memory_space<hbm>>
      tpu.wait_indirect_dma semaphore(%arg14 : memref<!tpu.dma_semaphore, #tpu.memory_space<semaphore_mem>>) src(%dma_wait3A_133 : memref<1000000x64xf32, #tpu.memory_space<hbm>>) dst(%arg8 : memref<128x64xf32, #tpu.memory_space<vmem>>)
      %add3A_134 = arith.addi %add3A_23, %mul3A_129 : i32
      %dma_start3A_135 = arith.constant 0 : i32
      %dma_start3A_136 = tpu.memref_slice %arg4[%add3A_134, %dma_start3A_135] : memref<409600x64xf32, #tpu.memory_space<hbm>> -> memref<128x64xf32, #tpu.memory_space<hbm>>
      %dma_start3A_137 = arith.constant 0 : i32
      %dma_start3A_138 = tpu.memref_slice %arg4[%add3A_134, %dma_start3A_137] : memref<409600x64xf32, #tpu.memory_space<hbm>> -> memref<128x64xf32, #tpu.memory_space<hbm>>
      tpu.enqueue_dma source(%arg8 : memref<128x64xf32, #tpu.memory_space<vmem>>) target(%dma_start3A_138 : memref<128x64xf32, #tpu.memory_space<hbm>>) target_semaphore(%arg18 : memref<!tpu.dma_semaphore, #tpu.memory_space<semaphore_mem>>)
      %mul3A_139 = arith.constant 4 : i32
      %mul3A_140 = arith.muli %scan3A_68, %mul3A_139 : i32
      %add3A_141 = arith.constant 2 : i32
      %add3A_142 = arith.addi %mul3A_140, %add3A_141 : i32
      %mul3A_143 = arith.constant 128 : i32
      %mul3A_144 = arith.muli %add3A_142, %mul3A_143 : i32
      %dma_wait3A_145 = tpu.memref_slice %arg6[%mul3A_94] : memref<2560xi32, #tpu.memory_space<vmem>> -> memref<128xi32, #tpu.memory_space<vmem>>
      %dma_wait3A_146 = arith.constant 0 : i32
      %dma_wait3A_147 = arith.constant 0 : i32
      %dma_wait3A_148 = tpu.memref_slice %arg3[%dma_wait3A_146, %dma_wait3A_147] : memref<1000000x64xf32, #tpu.memory_space<hbm>> -> memref<1000000x64xf32, #tpu.memory_space<hbm>>
      tpu.wait_indirect_dma semaphore(%arg15 : memref<!tpu.dma_semaphore, #tpu.memory_space<semaphore_mem>>) src(%dma_wait3A_148 : memref<1000000x64xf32, #tpu.memory_space<hbm>>) dst(%arg9 : memref<128x64xf32, #tpu.memory_space<vmem>>)
      %add3A_149 = arith.addi %add3A_23, %mul3A_144 : i32
      %dma_start3A_150 = arith.constant 0 : i32
      %dma_start3A_151 = tpu.memref_slice %arg4[%add3A_149, %dma_start3A_150] : memref<409600x64xf32, #tpu.memory_space<hbm>> -> memref<128x64xf32, #tpu.memory_space<hbm>>
      %dma_start3A_152 = arith.constant 0 : i32
      %dma_start3A_153 = tpu.memref_slice %arg4[%add3A_149, %dma_start3A_152] : memref<409600x64xf32, #tpu.memory_space<hbm>> -> memref<128x64xf32, #tpu.memory_space<hbm>>
      tpu.enqueue_dma source(%arg9 : memref<128x64xf32, #tpu.memory_space<vmem>>) target(%dma_start3A_153 : memref<128x64xf32, #tpu.memory_space<hbm>>) target_semaphore(%arg19 : memref<!tpu.dma_semaphore, #tpu.memory_space<semaphore_mem>>)
      %mul3A_154 = arith.constant 4 : i32
      %mul3A_155 = arith.muli %scan3A_68, %mul3A_154 : i32
      %add3A_156 = arith.constant 3 : i32
      %add3A_157 = arith.addi %mul3A_155, %add3A_156 : i32
      %mul3A_158 = arith.constant 128 : i32
      %mul3A_159 = arith.muli %add3A_157, %mul3A_158 : i32
      %dma_wait3A_160 = tpu.memref_slice %arg6[%mul3A_104] : memref<2560xi32, #tpu.memory_space<vmem>> -> memref<128xi32, #tpu.memory_space<vmem>>
      %dma_wait3A_161 = arith.constant 0 : i32
      %dma_wait3A_162 = arith.constant 0 : i32
      %dma_wait3A_163 = tpu.memref_slice %arg3[%dma_wait3A_161, %dma_wait3A_162] : memref<1000000x64xf32, #tpu.memory_space<hbm>> -> memref<1000000x64xf32, #tpu.memory_space<hbm>>
      tpu.wait_indirect_dma semaphore(%arg16 : memref<!tpu.dma_semaphore, #tpu.memory_space<semaphore_mem>>) src(%dma_wait3A_163 : memref<1000000x64xf32, #tpu.memory_space<hbm>>) dst(%arg10 : memref<128x64xf32, #tpu.memory_space<vmem>>)
      %add3A_164 = arith.addi %add3A_23, %mul3A_159 : i32
      %dma_start3A_165 = arith.constant 0 : i32
      %dma_start3A_166 = tpu.memref_slice %arg4[%add3A_164, %dma_start3A_165] : memref<409600x64xf32, #tpu.memory_space<hbm>> -> memref<128x64xf32, #tpu.memory_space<hbm>>
      %dma_start3A_167 = arith.constant 0 : i32
      %dma_start3A_168 = tpu.memref_slice %arg4[%add3A_164, %dma_start3A_167] : memref<409600x64xf32, #tpu.memory_space<hbm>> -> memref<128x64xf32, #tpu.memory_space<hbm>>
      tpu.enqueue_dma source(%arg10 : memref<128x64xf32, #tpu.memory_space<vmem>>) target(%dma_start3A_168 : memref<128x64xf32, #tpu.memory_space<hbm>>) target_semaphore(%arg20 : memref<!tpu.dma_semaphore, #tpu.memory_space<semaphore_mem>>)
      %dma_wait3A_169 = arith.constant 0 : i32
      %dma_wait3A_170 = tpu.memref_slice %arg4[%add3A_119, %dma_wait3A_169] : memref<409600x64xf32, #tpu.memory_space<hbm>> -> memref<128x64xf32, #tpu.memory_space<hbm>>
      %dma_wait3A_171 = arith.constant 0 : i32
      %dma_wait3A_172 = tpu.memref_slice %arg4[%add3A_119, %dma_wait3A_171] : memref<409600x64xf32, #tpu.memory_space<hbm>> -> memref<128x64xf32, #tpu.memory_space<hbm>>
      tpu.wait_dma2 semaphore(%arg17 : memref<!tpu.dma_semaphore, #tpu.memory_space<semaphore_mem>>) src(%arg7 : memref<128x64xf32, #tpu.memory_space<vmem>>) dst(%dma_wait3A_172 : memref<128x64xf32, #tpu.memory_space<hbm>>)
      %dma_wait3A_173 = arith.constant 0 : i32
      %dma_wait3A_174 = tpu.memref_slice %arg4[%add3A_134, %dma_wait3A_173] : memref<409600x64xf32, #tpu.memory_space<hbm>> -> memref<128x64xf32, #tpu.memory_space<hbm>>
      %dma_wait3A_175 = arith.constant 0 : i32
      %dma_wait3A_176 = tpu.memref_slice %arg4[%add3A_134, %dma_wait3A_175] : memref<409600x64xf32, #tpu.memory_space<hbm>> -> memref<128x64xf32, #tpu.memory_space<hbm>>
      tpu.wait_dma2 semaphore(%arg18 : memref<!tpu.dma_semaphore, #tpu.memory_space<semaphore_mem>>) src(%arg8 : memref<128x64xf32, #tpu.memory_space<vmem>>) dst(%dma_wait3A_176 : memref<128x64xf32, #tpu.memory_space<hbm>>)
      %dma_wait3A_177 = arith.constant 0 : i32
      %dma_wait3A_178 = tpu.memref_slice %arg4[%add3A_149, %dma_wait3A_177] : memref<409600x64xf32, #tpu.memory_space<hbm>> -> memref<128x64xf32, #tpu.memory_space<hbm>>
      %dma_wait3A_179 = arith.constant 0 : i32
      %dma_wait3A_180 = tpu.memref_slice %arg4[%add3A_149, %dma_wait3A_179] : memref<409600x64xf32, #tpu.memory_space<hbm>> -> memref<128x64xf32, #tpu.memory_space<hbm>>
      tpu.wait_dma2 semaphore(%arg19 : memref<!tpu.dma_semaphore, #tpu.memory_space<semaphore_mem>>) src(%arg9 : memref<128x64xf32, #tpu.memory_space<vmem>>) dst(%dma_wait3A_180 : memref<128x64xf32, #tpu.memory_space<hbm>>)
      %dma_wait3A_181 = arith.constant 0 : i32
      %dma_wait3A_182 = tpu.memref_slice %arg4[%add3A_164, %dma_wait3A_181] : memref<409600x64xf32, #tpu.memory_space<hbm>> -> memref<128x64xf32, #tpu.memory_space<hbm>>
      %dma_wait3A_183 = arith.constant 0 : i32
      %dma_wait3A_184 = tpu.memref_slice %arg4[%add3A_164, %dma_wait3A_183] : memref<409600x64xf32, #tpu.memory_space<hbm>> -> memref<128x64xf32, #tpu.memory_space<hbm>>
      tpu.wait_dma2 semaphore(%arg20 : memref<!tpu.dma_semaphore, #tpu.memory_space<semaphore_mem>>) src(%arg10 : memref<128x64xf32, #tpu.memory_space<vmem>>) dst(%dma_wait3A_184 : memref<128x64xf32, #tpu.memory_space<hbm>>)
    }
    %scan3A_29 = arith.constant 5 : i32
    %add3A_30 = arith.constant 7680 : i32
    %add3A_31 = arith.addi %mul3A_2, %add3A_30 : i32
    %dma_start3A_32 = tpu.memref_slice %arg2[%add3A_31] : memref<409600xi32, #tpu.memory_space<hbm>> -> memref<2560xi32, #tpu.memory_space<hbm>>
    %dma_start3A_33 = tpu.memref_slice %arg2[%add3A_31] : memref<409600xi32, #tpu.memory_space<hbm>> -> memref<2560xi32, #tpu.memory_space<hbm>>
    tpu.enqueue_dma source(%dma_start3A_33 : memref<2560xi32, #tpu.memory_space<hbm>>) target(%arg6 : memref<2560xi32, #tpu.memory_space<vmem>>) target_semaphore(%arg12 : memref<!tpu.dma_semaphore, #tpu.memory_space<semaphore_mem>>)
    %dma_wait3A_34 = tpu.memref_slice %arg2[%add3A_17] : memref<409600xi32, #tpu.memory_space<hbm>> -> memref<2560xi32, #tpu.memory_space<hbm>>
    %dma_wait3A_35 = tpu.memref_slice %arg2[%add3A_17] : memref<409600xi32, #tpu.memory_space<hbm>> -> memref<2560xi32, #tpu.memory_space<hbm>>
    tpu.wait_dma2 semaphore(%arg11 : memref<!tpu.dma_semaphore, #tpu.memory_space<semaphore_mem>>) src(%dma_wait3A_35 : memref<2560xi32, #tpu.memory_space<hbm>>) dst(%arg5 : memref<2560xi32, #tpu.memory_space<vmem>>)
    %add3A_36 = arith.constant 5120 : i32
    %add3A_37 = arith.addi %mul3A_2, %add3A_36 : i32
    %scan3A_38 = arith.constant 0 : i32
    %scan3A_39 = arith.constant 0 : i32
    %scan3A_40 = arith.constant 5 : i32
    %scan3A_41 = arith.addi %scan3A_39, %scan3A_40 : i32
    %scan3A_42 = arith.constant 1 : i32
    scf.for %scan3A_68 = %scan3A_39 to %scan3A_41 step %scan3A_42  : i32 {
      %mul3A_69 = arith.constant 4 : i32
      %mul3A_70 = arith.muli %scan3A_68, %mul3A_69 : i32
      %add3A_71 = arith.constant 0 : i32
      %add3A_72 = arith.addi %mul3A_70, %add3A_71 : i32
      %mul3A_73 = arith.constant 128 : i32
      %mul3A_74 = arith.muli %add3A_72, %mul3A_73 : i32
      %dma_start3A_75 = tpu.memref_slice %arg5[%mul3A_74] : memref<2560xi32, #tpu.memory_space<vmem>> -> memref<128xi32, #tpu.memory_space<vmem>>
      %dma_start3A_76 = arith.constant 0 : i32
      %dma_start3A_77 = arith.constant 0 : i32
      %dma_start3A_78 = tpu.memref_slice %arg3[%dma_start3A_76, %dma_start3A_77] : memref<1000000x64xf32, #tpu.memory_space<hbm>> -> memref<1000000x64xf32, #tpu.memory_space<hbm>>
      tpu.enqueue_indirect_dma source(%dma_start3A_78 : memref<1000000x64xf32, #tpu.memory_space<hbm>>) target(%arg7 : memref<128x64xf32, #tpu.memory_space<vmem>>) offsets(%dma_start3A_75 : memref<128xi32, #tpu.memory_space<vmem>>) semaphore(%arg13 : memref<!tpu.dma_semaphore, #tpu.memory_space<semaphore_mem>>)
      %mul3A_79 = arith.constant 4 : i32
      %mul3A_80 = arith.muli %scan3A_68, %mul3A_79 : i32
      %add3A_81 = arith.constant 1 : i32
      %add3A_82 = arith.addi %mul3A_80, %add3A_81 : i32
      %mul3A_83 = arith.constant 128 : i32
      %mul3A_84 = arith.muli %add3A_82, %mul3A_83 : i32
      %dma_start3A_85 = tpu.memref_slice %arg5[%mul3A_84] : memref<2560xi32, #tpu.memory_space<vmem>> -> memref<128xi32, #tpu.memory_space<vmem>>
      %dma_start3A_86 = arith.constant 0 : i32
      %dma_start3A_87 = arith.constant 0 : i32
      %dma_start3A_88 = tpu.memref_slice %arg3[%dma_start3A_86, %dma_start3A_87] : memref<1000000x64xf32, #tpu.memory_space<hbm>> -> memref<1000000x64xf32, #tpu.memory_space<hbm>>
      tpu.enqueue_indirect_dma source(%dma_start3A_88 : memref<1000000x64xf32, #tpu.memory_space<hbm>>) target(%arg8 : memref<128x64xf32, #tpu.memory_space<vmem>>) offsets(%dma_start3A_85 : memref<128xi32, #tpu.memory_space<vmem>>) semaphore(%arg14 : memref<!tpu.dma_semaphore, #tpu.memory_space<semaphore_mem>>)
      %mul3A_89 = arith.constant 4 : i32
      %mul3A_90 = arith.muli %scan3A_68, %mul3A_89 : i32
      %add3A_91 = arith.constant 2 : i32
      %add3A_92 = arith.addi %mul3A_90, %add3A_91 : i32
      %mul3A_93 = arith.constant 128 : i32
      %mul3A_94 = arith.muli %add3A_92, %mul3A_93 : i32
      %dma_start3A_95 = tpu.memref_slice %arg5[%mul3A_94] : memref<2560xi32, #tpu.memory_space<vmem>> -> memref<128xi32, #tpu.memory_space<vmem>>
      %dma_start3A_96 = arith.constant 0 : i32
      %dma_start3A_97 = arith.constant 0 : i32
      %dma_start3A_98 = tpu.memref_slice %arg3[%dma_start3A_96, %dma_start3A_97] : memref<1000000x64xf32, #tpu.memory_space<hbm>> -> memref<1000000x64xf32, #tpu.memory_space<hbm>>
      tpu.enqueue_indirect_dma source(%dma_start3A_98 : memref<1000000x64xf32, #tpu.memory_space<hbm>>) target(%arg9 : memref<128x64xf32, #tpu.memory_space<vmem>>) offsets(%dma_start3A_95 : memref<128xi32, #tpu.memory_space<vmem>>) semaphore(%arg15 : memref<!tpu.dma_semaphore, #tpu.memory_space<semaphore_mem>>)
      %mul3A_99 = arith.constant 4 : i32
      %mul3A_100 = arith.muli %scan3A_68, %mul3A_99 : i32
      %add3A_101 = arith.constant 3 : i32
      %add3A_102 = arith.addi %mul3A_100, %add3A_101 : i32
      %mul3A_103 = arith.constant 128 : i32
      %mul3A_104 = arith.muli %add3A_102, %mul3A_103 : i32
      %dma_start3A_105 = tpu.memref_slice %arg5[%mul3A_104] : memref<2560xi32, #tpu.memory_space<vmem>> -> memref<128xi32, #tpu.memory_space<vmem>>
      %dma_start3A_106 = arith.constant 0 : i32
      %dma_start3A_107 = arith.constant 0 : i32
      %dma_start3A_108 = tpu.memref_slice %arg3[%dma_start3A_106, %dma_start3A_107] : memref<1000000x64xf32, #tpu.memory_space<hbm>> -> memref<1000000x64xf32, #tpu.memory_space<hbm>>
      tpu.enqueue_indirect_dma source(%dma_start3A_108 : memref<1000000x64xf32, #tpu.memory_space<hbm>>) target(%arg10 : memref<128x64xf32, #tpu.memory_space<vmem>>) offsets(%dma_start3A_105 : memref<128xi32, #tpu.memory_space<vmem>>) semaphore(%arg16 : memref<!tpu.dma_semaphore, #tpu.memory_space<semaphore_mem>>)
      %mul3A_109 = arith.constant 4 : i32
      %mul3A_110 = arith.muli %scan3A_68, %mul3A_109 : i32
      %add3A_111 = arith.constant 0 : i32
      %add3A_112 = arith.addi %mul3A_110, %add3A_111 : i32
      %mul3A_113 = arith.constant 128 : i32
      %mul3A_114 = arith.muli %add3A_112, %mul3A_113 : i32
      %dma_wait3A_115 = tpu.memref_slice %arg5[%mul3A_74] : memref<2560xi32, #tpu.memory_space<vmem>> -> memref<128xi32, #tpu.memory_space<vmem>>
      %dma_wait3A_116 = arith.constant 0 : i32
      %dma_wait3A_117 = arith.constant 0 : i32
      %dma_wait3A_118 = tpu.memref_slice %arg3[%dma_wait3A_116, %dma_wait3A_117] : memref<1000000x64xf32, #tpu.memory_space<hbm>> -> memref<1000000x64xf32, #tpu.memory_space<hbm>>
      tpu.wait_indirect_dma semaphore(%arg13 : memref<!tpu.dma_semaphore, #tpu.memory_space<semaphore_mem>>) src(%dma_wait3A_118 : memref<1000000x64xf32, #tpu.memory_space<hbm>>) dst(%arg7 : memref<128x64xf32, #tpu.memory_space<vmem>>)
      %add3A_119 = arith.addi %add3A_37, %mul3A_114 : i32
      %dma_start3A_120 = arith.constant 0 : i32
      %dma_start3A_121 = tpu.memref_slice %arg4[%add3A_119, %dma_start3A_120] : memref<409600x64xf32, #tpu.memory_space<hbm>> -> memref<128x64xf32, #tpu.memory_space<hbm>>
      %dma_start3A_122 = arith.constant 0 : i32
      %dma_start3A_123 = tpu.memref_slice %arg4[%add3A_119, %dma_start3A_122] : memref<409600x64xf32, #tpu.memory_space<hbm>> -> memref<128x64xf32, #tpu.memory_space<hbm>>
      tpu.enqueue_dma source(%arg7 : memref<128x64xf32, #tpu.memory_space<vmem>>) target(%dma_start3A_123 : memref<128x64xf32, #tpu.memory_space<hbm>>) target_semaphore(%arg17 : memref<!tpu.dma_semaphore, #tpu.memory_space<semaphore_mem>>)
      %mul3A_124 = arith.constant 4 : i32
      %mul3A_125 = arith.muli %scan3A_68, %mul3A_124 : i32
      %add3A_126 = arith.constant 1 : i32
      %add3A_127 = arith.addi %mul3A_125, %add3A_126 : i32
      %mul3A_128 = arith.constant 128 : i32
      %mul3A_129 = arith.muli %add3A_127, %mul3A_128 : i32
      %dma_wait3A_130 = tpu.memref_slice %arg5[%mul3A_84] : memref<2560xi32, #tpu.memory_space<vmem>> -> memref<128xi32, #tpu.memory_space<vmem>>
      %dma_wait3A_131 = arith.constant 0 : i32
      %dma_wait3A_132 = arith.constant 0 : i32
      %dma_wait3A_133 = tpu.memref_slice %arg3[%dma_wait3A_131, %dma_wait3A_132] : memref<1000000x64xf32, #tpu.memory_space<hbm>> -> memref<1000000x64xf32, #tpu.memory_space<hbm>>
      tpu.wait_indirect_dma semaphore(%arg14 : memref<!tpu.dma_semaphore, #tpu.memory_space<semaphore_mem>>) src(%dma_wait3A_133 : memref<1000000x64xf32, #tpu.memory_space<hbm>>) dst(%arg8 : memref<128x64xf32, #tpu.memory_space<vmem>>)
      %add3A_134 = arith.addi %add3A_37, %mul3A_129 : i32
      %dma_start3A_135 = arith.constant 0 : i32
      %dma_start3A_136 = tpu.memref_slice %arg4[%add3A_134, %dma_start3A_135] : memref<409600x64xf32, #tpu.memory_space<hbm>> -> memref<128x64xf32, #tpu.memory_space<hbm>>
      %dma_start3A_137 = arith.constant 0 : i32
      %dma_start3A_138 = tpu.memref_slice %arg4[%add3A_134, %dma_start3A_137] : memref<409600x64xf32, #tpu.memory_space<hbm>> -> memref<128x64xf32, #tpu.memory_space<hbm>>
      tpu.enqueue_dma source(%arg8 : memref<128x64xf32, #tpu.memory_space<vmem>>) target(%dma_start3A_138 : memref<128x64xf32, #tpu.memory_space<hbm>>) target_semaphore(%arg18 : memref<!tpu.dma_semaphore, #tpu.memory_space<semaphore_mem>>)
      %mul3A_139 = arith.constant 4 : i32
      %mul3A_140 = arith.muli %scan3A_68, %mul3A_139 : i32
      %add3A_141 = arith.constant 2 : i32
      %add3A_142 = arith.addi %mul3A_140, %add3A_141 : i32
      %mul3A_143 = arith.constant 128 : i32
      %mul3A_144 = arith.muli %add3A_142, %mul3A_143 : i32
      %dma_wait3A_145 = tpu.memref_slice %arg5[%mul3A_94] : memref<2560xi32, #tpu.memory_space<vmem>> -> memref<128xi32, #tpu.memory_space<vmem>>
      %dma_wait3A_146 = arith.constant 0 : i32
      %dma_wait3A_147 = arith.constant 0 : i32
      %dma_wait3A_148 = tpu.memref_slice %arg3[%dma_wait3A_146, %dma_wait3A_147] : memref<1000000x64xf32, #tpu.memory_space<hbm>> -> memref<1000000x64xf32, #tpu.memory_space<hbm>>
      tpu.wait_indirect_dma semaphore(%arg15 : memref<!tpu.dma_semaphore, #tpu.memory_space<semaphore_mem>>) src(%dma_wait3A_148 : memref<1000000x64xf32, #tpu.memory_space<hbm>>) dst(%arg9 : memref<128x64xf32, #tpu.memory_space<vmem>>)
      %add3A_149 = arith.addi %add3A_37, %mul3A_144 : i32
      %dma_start3A_150 = arith.constant 0 : i32
      %dma_start3A_151 = tpu.memref_slice %arg4[%add3A_149, %dma_start3A_150] : memref<409600x64xf32, #tpu.memory_space<hbm>> -> memref<128x64xf32, #tpu.memory_space<hbm>>
      %dma_start3A_152 = arith.constant 0 : i32
      %dma_start3A_153 = tpu.memref_slice %arg4[%add3A_149, %dma_start3A_152] : memref<409600x64xf32, #tpu.memory_space<hbm>> -> memref<128x64xf32, #tpu.memory_space<hbm>>
      tpu.enqueue_dma source(%arg9 : memref<128x64xf32, #tpu.memory_space<vmem>>) target(%dma_start3A_153 : memref<128x64xf32, #tpu.memory_space<hbm>>) target_semaphore(%arg19 : memref<!tpu.dma_semaphore, #tpu.memory_space<semaphore_mem>>)
      %mul3A_154 = arith.constant 4 : i32
      %mul3A_155 = arith.muli %scan3A_68, %mul3A_154 : i32
      %add3A_156 = arith.constant 3 : i32
      %add3A_157 = arith.addi %mul3A_155, %add3A_156 : i32
      %mul3A_158 = arith.constant 128 : i32
      %mul3A_159 = arith.muli %add3A_157, %mul3A_158 : i32
      %dma_wait3A_160 = tpu.memref_slice %arg5[%mul3A_104] : memref<2560xi32, #tpu.memory_space<vmem>> -> memref<128xi32, #tpu.memory_space<vmem>>
      %dma_wait3A_161 = arith.constant 0 : i32
      %dma_wait3A_162 = arith.constant 0 : i32
      %dma_wait3A_163 = tpu.memref_slice %arg3[%dma_wait3A_161, %dma_wait3A_162] : memref<1000000x64xf32, #tpu.memory_space<hbm>> -> memref<1000000x64xf32, #tpu.memory_space<hbm>>
      tpu.wait_indirect_dma semaphore(%arg16 : memref<!tpu.dma_semaphore, #tpu.memory_space<semaphore_mem>>) src(%dma_wait3A_163 : memref<1000000x64xf32, #tpu.memory_space<hbm>>) dst(%arg10 : memref<128x64xf32, #tpu.memory_space<vmem>>)
      %add3A_164 = arith.addi %add3A_37, %mul3A_159 : i32
      %dma_start3A_165 = arith.constant 0 : i32
      %dma_start3A_166 = tpu.memref_slice %arg4[%add3A_164, %dma_start3A_165] : memref<409600x64xf32, #tpu.memory_space<hbm>> -> memref<128x64xf32, #tpu.memory_space<hbm>>
      %dma_start3A_167 = arith.constant 0 : i32
      %dma_start3A_168 = tpu.memref_slice %arg4[%add3A_164, %dma_start3A_167] : memref<409600x64xf32, #tpu.memory_space<hbm>> -> memref<128x64xf32, #tpu.memory_space<hbm>>
      tpu.enqueue_dma source(%arg10 : memref<128x64xf32, #tpu.memory_space<vmem>>) target(%dma_start3A_168 : memref<128x64xf32, #tpu.memory_space<hbm>>) target_semaphore(%arg20 : memref<!tpu.dma_semaphore, #tpu.memory_space<semaphore_mem>>)
      %dma_wait3A_169 = arith.constant 0 : i32
      %dma_wait3A_170 = tpu.memref_slice %arg4[%add3A_119, %dma_wait3A_169] : memref<409600x64xf32, #tpu.memory_space<hbm>> -> memref<128x64xf32, #tpu.memory_space<hbm>>
      %dma_wait3A_171 = arith.constant 0 : i32
      %dma_wait3A_172 = tpu.memref_slice %arg4[%add3A_119, %dma_wait3A_171] : memref<409600x64xf32, #tpu.memory_space<hbm>> -> memref<128x64xf32, #tpu.memory_space<hbm>>
      tpu.wait_dma2 semaphore(%arg17 : memref<!tpu.dma_semaphore, #tpu.memory_space<semaphore_mem>>) src(%arg7 : memref<128x64xf32, #tpu.memory_space<vmem>>) dst(%dma_wait3A_172 : memref<128x64xf32, #tpu.memory_space<hbm>>)
      %dma_wait3A_173 = arith.constant 0 : i32
      %dma_wait3A_174 = tpu.memref_slice %arg4[%add3A_134, %dma_wait3A_173] : memref<409600x64xf32, #tpu.memory_space<hbm>> -> memref<128x64xf32, #tpu.memory_space<hbm>>
      %dma_wait3A_175 = arith.constant 0 : i32
      %dma_wait3A_176 = tpu.memref_slice %arg4[%add3A_134, %dma_wait3A_175] : memref<409600x64xf32, #tpu.memory_space<hbm>> -> memref<128x64xf32, #tpu.memory_space<hbm>>
      tpu.wait_dma2 semaphore(%arg18 : memref<!tpu.dma_semaphore, #tpu.memory_space<semaphore_mem>>) src(%arg8 : memref<128x64xf32, #tpu.memory_space<vmem>>) dst(%dma_wait3A_176 : memref<128x64xf32, #tpu.memory_space<hbm>>)
      %dma_wait3A_177 = arith.constant 0 : i32
      %dma_wait3A_178 = tpu.memref_slice %arg4[%add3A_149, %dma_wait3A_177] : memref<409600x64xf32, #tpu.memory_space<hbm>> -> memref<128x64xf32, #tpu.memory_space<hbm>>
      %dma_wait3A_179 = arith.constant 0 : i32
      %dma_wait3A_180 = tpu.memref_slice %arg4[%add3A_149, %dma_wait3A_179] : memref<409600x64xf32, #tpu.memory_space<hbm>> -> memref<128x64xf32, #tpu.memory_space<hbm>>
      tpu.wait_dma2 semaphore(%arg19 : memref<!tpu.dma_semaphore, #tpu.memory_space<semaphore_mem>>) src(%arg9 : memref<128x64xf32, #tpu.memory_space<vmem>>) dst(%dma_wait3A_180 : memref<128x64xf32, #tpu.memory_space<hbm>>)
      %dma_wait3A_181 = arith.constant 0 : i32
      %dma_wait3A_182 = tpu.memref_slice %arg4[%add3A_164, %dma_wait3A_181] : memref<409600x64xf32, #tpu.memory_space<hbm>> -> memref<128x64xf32, #tpu.memory_space<hbm>>
      %dma_wait3A_183 = arith.constant 0 : i32
      %dma_wait3A_184 = tpu.memref_slice %arg4[%add3A_164, %dma_wait3A_183] : memref<409600x64xf32, #tpu.memory_space<hbm>> -> memref<128x64xf32, #tpu.memory_space<hbm>>
      tpu.wait_dma2 semaphore(%arg20 : memref<!tpu.dma_semaphore, #tpu.memory_space<semaphore_mem>>) src(%arg10 : memref<128x64xf32, #tpu.memory_space<vmem>>) dst(%dma_wait3A_184 : memref<128x64xf32, #tpu.memory_space<hbm>>)
    }
    %scan3A_43 = arith.constant 5 : i32
    %add3A_44 = arith.constant 10240 : i32
    %add3A_45 = arith.addi %mul3A_2, %add3A_44 : i32
    %dma_start3A_46 = tpu.memref_slice %arg2[%add3A_45] : memref<409600xi32, #tpu.memory_space<hbm>> -> memref<2560xi32, #tpu.memory_space<hbm>>
    %dma_start3A_47 = tpu.memref_slice %arg2[%add3A_45] : memref<409600xi32, #tpu.memory_space<hbm>> -> memref<2560xi32, #tpu.memory_space<hbm>>
    tpu.enqueue_dma source(%dma_start3A_47 : memref<2560xi32, #tpu.memory_space<hbm>>) target(%arg5 : memref<2560xi32, #tpu.memory_space<vmem>>) target_semaphore(%arg11 : memref<!tpu.dma_semaphore, #tpu.memory_space<semaphore_mem>>)
    %dma_wait3A_48 = tpu.memref_slice %arg2[%add3A_31] : memref<409600xi32, #tpu.memory_space<hbm>> -> memref<2560xi32, #tpu.memory_space<hbm>>
    %dma_wait3A_49 = tpu.memref_slice %arg2[%add3A_31] : memref<409600xi32, #tpu.memory_space<hbm>> -> memref<2560xi32, #tpu.memory_space<hbm>>
    tpu.wait_dma2 semaphore(%arg12 : memref<!tpu.dma_semaphore, #tpu.memory_space<semaphore_mem>>) src(%dma_wait3A_49 : memref<2560xi32, #tpu.memory_space<hbm>>) dst(%arg6 : memref<2560xi32, #tpu.memory_space<vmem>>)
    %add3A_50 = arith.constant 7680 : i32
    %add3A_51 = arith.addi %mul3A_2, %add3A_50 : i32
    %scan3A_52 = arith.constant 0 : i32
    %scan3A_53 = arith.constant 0 : i32
    %scan3A_54 = arith.constant 5 : i32
    %scan3A_55 = arith.addi %scan3A_53, %scan3A_54 : i32
    %scan3A_56 = arith.constant 1 : i32
    scf.for %scan3A_68 = %scan3A_53 to %scan3A_55 step %scan3A_56  : i32 {
      %mul3A_69 = arith.constant 4 : i32
      %mul3A_70 = arith.muli %scan3A_68, %mul3A_69 : i32
      %add3A_71 = arith.constant 0 : i32
      %add3A_72 = arith.addi %mul3A_70, %add3A_71 : i32
      %mul3A_73 = arith.constant 128 : i32
      %mul3A_74 = arith.muli %add3A_72, %mul3A_73 : i32
      %dma_start3A_75 = tpu.memref_slice %arg6[%mul3A_74] : memref<2560xi32, #tpu.memory_space<vmem>> -> memref<128xi32, #tpu.memory_space<vmem>>
      %dma_start3A_76 = arith.constant 0 : i32
      %dma_start3A_77 = arith.constant 0 : i32
      %dma_start3A_78 = tpu.memref_slice %arg3[%dma_start3A_76, %dma_start3A_77] : memref<1000000x64xf32, #tpu.memory_space<hbm>> -> memref<1000000x64xf32, #tpu.memory_space<hbm>>
      tpu.enqueue_indirect_dma source(%dma_start3A_78 : memref<1000000x64xf32, #tpu.memory_space<hbm>>) target(%arg7 : memref<128x64xf32, #tpu.memory_space<vmem>>) offsets(%dma_start3A_75 : memref<128xi32, #tpu.memory_space<vmem>>) semaphore(%arg13 : memref<!tpu.dma_semaphore, #tpu.memory_space<semaphore_mem>>)
      %mul3A_79 = arith.constant 4 : i32
      %mul3A_80 = arith.muli %scan3A_68, %mul3A_79 : i32
      %add3A_81 = arith.constant 1 : i32
      %add3A_82 = arith.addi %mul3A_80, %add3A_81 : i32
      %mul3A_83 = arith.constant 128 : i32
      %mul3A_84 = arith.muli %add3A_82, %mul3A_83 : i32
      %dma_start3A_85 = tpu.memref_slice %arg6[%mul3A_84] : memref<2560xi32, #tpu.memory_space<vmem>> -> memref<128xi32, #tpu.memory_space<vmem>>
      %dma_start3A_86 = arith.constant 0 : i32
      %dma_start3A_87 = arith.constant 0 : i32
      %dma_start3A_88 = tpu.memref_slice %arg3[%dma_start3A_86, %dma_start3A_87] : memref<1000000x64xf32, #tpu.memory_space<hbm>> -> memref<1000000x64xf32, #tpu.memory_space<hbm>>
      tpu.enqueue_indirect_dma source(%dma_start3A_88 : memref<1000000x64xf32, #tpu.memory_space<hbm>>) target(%arg8 : memref<128x64xf32, #tpu.memory_space<vmem>>) offsets(%dma_start3A_85 : memref<128xi32, #tpu.memory_space<vmem>>) semaphore(%arg14 : memref<!tpu.dma_semaphore, #tpu.memory_space<semaphore_mem>>)
      %mul3A_89 = arith.constant 4 : i32
      %mul3A_90 = arith.muli %scan3A_68, %mul3A_89 : i32
      %add3A_91 = arith.constant 2 : i32
      %add3A_92 = arith.addi %mul3A_90, %add3A_91 : i32
      %mul3A_93 = arith.constant 128 : i32
      %mul3A_94 = arith.muli %add3A_92, %mul3A_93 : i32
      %dma_start3A_95 = tpu.memref_slice %arg6[%mul3A_94] : memref<2560xi32, #tpu.memory_space<vmem>> -> memref<128xi32, #tpu.memory_space<vmem>>
      %dma_start3A_96 = arith.constant 0 : i32
      %dma_start3A_97 = arith.constant 0 : i32
      %dma_start3A_98 = tpu.memref_slice %arg3[%dma_start3A_96, %dma_start3A_97] : memref<1000000x64xf32, #tpu.memory_space<hbm>> -> memref<1000000x64xf32, #tpu.memory_space<hbm>>
      tpu.enqueue_indirect_dma source(%dma_start3A_98 : memref<1000000x64xf32, #tpu.memory_space<hbm>>) target(%arg9 : memref<128x64xf32, #tpu.memory_space<vmem>>) offsets(%dma_start3A_95 : memref<128xi32, #tpu.memory_space<vmem>>) semaphore(%arg15 : memref<!tpu.dma_semaphore, #tpu.memory_space<semaphore_mem>>)
      %mul3A_99 = arith.constant 4 : i32
      %mul3A_100 = arith.muli %scan3A_68, %mul3A_99 : i32
      %add3A_101 = arith.constant 3 : i32
      %add3A_102 = arith.addi %mul3A_100, %add3A_101 : i32
      %mul3A_103 = arith.constant 128 : i32
      %mul3A_104 = arith.muli %add3A_102, %mul3A_103 : i32
      %dma_start3A_105 = tpu.memref_slice %arg6[%mul3A_104] : memref<2560xi32, #tpu.memory_space<vmem>> -> memref<128xi32, #tpu.memory_space<vmem>>
      %dma_start3A_106 = arith.constant 0 : i32
      %dma_start3A_107 = arith.constant 0 : i32
      %dma_start3A_108 = tpu.memref_slice %arg3[%dma_start3A_106, %dma_start3A_107] : memref<1000000x64xf32, #tpu.memory_space<hbm>> -> memref<1000000x64xf32, #tpu.memory_space<hbm>>
      tpu.enqueue_indirect_dma source(%dma_start3A_108 : memref<1000000x64xf32, #tpu.memory_space<hbm>>) target(%arg10 : memref<128x64xf32, #tpu.memory_space<vmem>>) offsets(%dma_start3A_105 : memref<128xi32, #tpu.memory_space<vmem>>) semaphore(%arg16 : memref<!tpu.dma_semaphore, #tpu.memory_space<semaphore_mem>>)
      %mul3A_109 = arith.constant 4 : i32
      %mul3A_110 = arith.muli %scan3A_68, %mul3A_109 : i32
      %add3A_111 = arith.constant 0 : i32
      %add3A_112 = arith.addi %mul3A_110, %add3A_111 : i32
      %mul3A_113 = arith.constant 128 : i32
      %mul3A_114 = arith.muli %add3A_112, %mul3A_113 : i32
      %dma_wait3A_115 = tpu.memref_slice %arg6[%mul3A_74] : memref<2560xi32, #tpu.memory_space<vmem>> -> memref<128xi32, #tpu.memory_space<vmem>>
      %dma_wait3A_116 = arith.constant 0 : i32
      %dma_wait3A_117 = arith.constant 0 : i32
      %dma_wait3A_118 = tpu.memref_slice %arg3[%dma_wait3A_116, %dma_wait3A_117] : memref<1000000x64xf32, #tpu.memory_space<hbm>> -> memref<1000000x64xf32, #tpu.memory_space<hbm>>
      tpu.wait_indirect_dma semaphore(%arg13 : memref<!tpu.dma_semaphore, #tpu.memory_space<semaphore_mem>>) src(%dma_wait3A_118 : memref<1000000x64xf32, #tpu.memory_space<hbm>>) dst(%arg7 : memref<128x64xf32, #tpu.memory_space<vmem>>)
      %add3A_119 = arith.addi %add3A_51, %mul3A_114 : i32
      %dma_start3A_120 = arith.constant 0 : i32
      %dma_start3A_121 = tpu.memref_slice %arg4[%add3A_119, %dma_start3A_120] : memref<409600x64xf32, #tpu.memory_space<hbm>> -> memref<128x64xf32, #tpu.memory_space<hbm>>
      %dma_start3A_122 = arith.constant 0 : i32
      %dma_start3A_123 = tpu.memref_slice %arg4[%add3A_119, %dma_start3A_122] : memref<409600x64xf32, #tpu.memory_space<hbm>> -> memref<128x64xf32, #tpu.memory_space<hbm>>
      tpu.enqueue_dma source(%arg7 : memref<128x64xf32, #tpu.memory_space<vmem>>) target(%dma_start3A_123 : memref<128x64xf32, #tpu.memory_space<hbm>>) target_semaphore(%arg17 : memref<!tpu.dma_semaphore, #tpu.memory_space<semaphore_mem>>)
      %mul3A_124 = arith.constant 4 : i32
      %mul3A_125 = arith.muli %scan3A_68, %mul3A_124 : i32
      %add3A_126 = arith.constant 1 : i32
      %add3A_127 = arith.addi %mul3A_125, %add3A_126 : i32
      %mul3A_128 = arith.constant 128 : i32
      %mul3A_129 = arith.muli %add3A_127, %mul3A_128 : i32
      %dma_wait3A_130 = tpu.memref_slice %arg6[%mul3A_84] : memref<2560xi32, #tpu.memory_space<vmem>> -> memref<128xi32, #tpu.memory_space<vmem>>
      %dma_wait3A_131 = arith.constant 0 : i32
      %dma_wait3A_132 = arith.constant 0 : i32
      %dma_wait3A_133 = tpu.memref_slice %arg3[%dma_wait3A_131, %dma_wait3A_132] : memref<1000000x64xf32, #tpu.memory_space<hbm>> -> memref<1000000x64xf32, #tpu.memory_space<hbm>>
      tpu.wait_indirect_dma semaphore(%arg14 : memref<!tpu.dma_semaphore, #tpu.memory_space<semaphore_mem>>) src(%dma_wait3A_133 : memref<1000000x64xf32, #tpu.memory_space<hbm>>) dst(%arg8 : memref<128x64xf32, #tpu.memory_space<vmem>>)
      %add3A_134 = arith.addi %add3A_51, %mul3A_129 : i32
      %dma_start3A_135 = arith.constant 0 : i32
      %dma_start3A_136 = tpu.memref_slice %arg4[%add3A_134, %dma_start3A_135] : memref<409600x64xf32, #tpu.memory_space<hbm>> -> memref<128x64xf32, #tpu.memory_space<hbm>>
      %dma_start3A_137 = arith.constant 0 : i32
      %dma_start3A_138 = tpu.memref_slice %arg4[%add3A_134, %dma_start3A_137] : memref<409600x64xf32, #tpu.memory_space<hbm>> -> memref<128x64xf32, #tpu.memory_space<hbm>>
      tpu.enqueue_dma source(%arg8 : memref<128x64xf32, #tpu.memory_space<vmem>>) target(%dma_start3A_138 : memref<128x64xf32, #tpu.memory_space<hbm>>) target_semaphore(%arg18 : memref<!tpu.dma_semaphore, #tpu.memory_space<semaphore_mem>>)
      %mul3A_139 = arith.constant 4 : i32
      %mul3A_140 = arith.muli %scan3A_68, %mul3A_139 : i32
      %add3A_141 = arith.constant 2 : i32
      %add3A_142 = arith.addi %mul3A_140, %add3A_141 : i32
      %mul3A_143 = arith.constant 128 : i32
      %mul3A_144 = arith.muli %add3A_142, %mul3A_143 : i32
      %dma_wait3A_145 = tpu.memref_slice %arg6[%mul3A_94] : memref<2560xi32, #tpu.memory_space<vmem>> -> memref<128xi32, #tpu.memory_space<vmem>>
      %dma_wait3A_146 = arith.constant 0 : i32
      %dma_wait3A_147 = arith.constant 0 : i32
      %dma_wait3A_148 = tpu.memref_slice %arg3[%dma_wait3A_146, %dma_wait3A_147] : memref<1000000x64xf32, #tpu.memory_space<hbm>> -> memref<1000000x64xf32, #tpu.memory_space<hbm>>
      tpu.wait_indirect_dma semaphore(%arg15 : memref<!tpu.dma_semaphore, #tpu.memory_space<semaphore_mem>>) src(%dma_wait3A_148 : memref<1000000x64xf32, #tpu.memory_space<hbm>>) dst(%arg9 : memref<128x64xf32, #tpu.memory_space<vmem>>)
      %add3A_149 = arith.addi %add3A_51, %mul3A_144 : i32
      %dma_start3A_150 = arith.constant 0 : i32
      %dma_start3A_151 = tpu.memref_slice %arg4[%add3A_149, %dma_start3A_150] : memref<409600x64xf32, #tpu.memory_space<hbm>> -> memref<128x64xf32, #tpu.memory_space<hbm>>
      %dma_start3A_152 = arith.constant 0 : i32
      %dma_start3A_153 = tpu.memref_slice %arg4[%add3A_149, %dma_start3A_152] : memref<409600x64xf32, #tpu.memory_space<hbm>> -> memref<128x64xf32, #tpu.memory_space<hbm>>
      tpu.enqueue_dma source(%arg9 : memref<128x64xf32, #tpu.memory_space<vmem>>) target(%dma_start3A_153 : memref<128x64xf32, #tpu.memory_space<hbm>>) target_semaphore(%arg19 : memref<!tpu.dma_semaphore, #tpu.memory_space<semaphore_mem>>)
      %mul3A_154 = arith.constant 4 : i32
      %mul3A_155 = arith.muli %scan3A_68, %mul3A_154 : i32
      %add3A_156 = arith.constant 3 : i32
      %add3A_157 = arith.addi %mul3A_155, %add3A_156 : i32
      %mul3A_158 = arith.constant 128 : i32
      %mul3A_159 = arith.muli %add3A_157, %mul3A_158 : i32
      %dma_wait3A_160 = tpu.memref_slice %arg6[%mul3A_104] : memref<2560xi32, #tpu.memory_space<vmem>> -> memref<128xi32, #tpu.memory_space<vmem>>
      %dma_wait3A_161 = arith.constant 0 : i32
      %dma_wait3A_162 = arith.constant 0 : i32
      %dma_wait3A_163 = tpu.memref_slice %arg3[%dma_wait3A_161, %dma_wait3A_162] : memref<1000000x64xf32, #tpu.memory_space<hbm>> -> memref<1000000x64xf32, #tpu.memory_space<hbm>>
      tpu.wait_indirect_dma semaphore(%arg16 : memref<!tpu.dma_semaphore, #tpu.memory_space<semaphore_mem>>) src(%dma_wait3A_163 : memref<1000000x64xf32, #tpu.memory_space<hbm>>) dst(%arg10 : memref<128x64xf32, #tpu.memory_space<vmem>>)
      %add3A_164 = arith.addi %add3A_51, %mul3A_159 : i32
      %dma_start3A_165 = arith.constant 0 : i32
      %dma_start3A_166 = tpu.memref_slice %arg4[%add3A_164, %dma_start3A_165] : memref<409600x64xf32, #tpu.memory_space<hbm>> -> memref<128x64xf32, #tpu.memory_space<hbm>>
      %dma_start3A_167 = arith.constant 0 : i32
      %dma_start3A_168 = tpu.memref_slice %arg4[%add3A_164, %dma_start3A_167] : memref<409600x64xf32, #tpu.memory_space<hbm>> -> memref<128x64xf32, #tpu.memory_space<hbm>>
      tpu.enqueue_dma source(%arg10 : memref<128x64xf32, #tpu.memory_space<vmem>>) target(%dma_start3A_168 : memref<128x64xf32, #tpu.memory_space<hbm>>) target_semaphore(%arg20 : memref<!tpu.dma_semaphore, #tpu.memory_space<semaphore_mem>>)
      %dma_wait3A_169 = arith.constant 0 : i32
      %dma_wait3A_170 = tpu.memref_slice %arg4[%add3A_119, %dma_wait3A_169] : memref<409600x64xf32, #tpu.memory_space<hbm>> -> memref<128x64xf32, #tpu.memory_space<hbm>>
      %dma_wait3A_171 = arith.constant 0 : i32
      %dma_wait3A_172 = tpu.memref_slice %arg4[%add3A_119, %dma_wait3A_171] : memref<409600x64xf32, #tpu.memory_space<hbm>> -> memref<128x64xf32, #tpu.memory_space<hbm>>
      tpu.wait_dma2 semaphore(%arg17 : memref<!tpu.dma_semaphore, #tpu.memory_space<semaphore_mem>>) src(%arg7 : memref<128x64xf32, #tpu.memory_space<vmem>>) dst(%dma_wait3A_172 : memref<128x64xf32, #tpu.memory_space<hbm>>)
      %dma_wait3A_173 = arith.constant 0 : i32
      %dma_wait3A_174 = tpu.memref_slice %arg4[%add3A_134, %dma_wait3A_173] : memref<409600x64xf32, #tpu.memory_space<hbm>> -> memref<128x64xf32, #tpu.memory_space<hbm>>
      %dma_wait3A_175 = arith.constant 0 : i32
      %dma_wait3A_176 = tpu.memref_slice %arg4[%add3A_134, %dma_wait3A_175] : memref<409600x64xf32, #tpu.memory_space<hbm>> -> memref<128x64xf32, #tpu.memory_space<hbm>>
      tpu.wait_dma2 semaphore(%arg18 : memref<!tpu.dma_semaphore, #tpu.memory_space<semaphore_mem>>) src(%arg8 : memref<128x64xf32, #tpu.memory_space<vmem>>) dst(%dma_wait3A_176 : memref<128x64xf32, #tpu.memory_space<hbm>>)
      %dma_wait3A_177 = arith.constant 0 : i32
      %dma_wait3A_178 = tpu.memref_slice %arg4[%add3A_149, %dma_wait3A_177] : memref<409600x64xf32, #tpu.memory_space<hbm>> -> memref<128x64xf32, #tpu.memory_space<hbm>>
      %dma_wait3A_179 = arith.constant 0 : i32
      %dma_wait3A_180 = tpu.memref_slice %arg4[%add3A_149, %dma_wait3A_179] : memref<409600x64xf32, #tpu.memory_space<hbm>> -> memref<128x64xf32, #tpu.memory_space<hbm>>
      tpu.wait_dma2 semaphore(%arg19 : memref<!tpu.dma_semaphore, #tpu.memory_space<semaphore_mem>>) src(%arg9 : memref<128x64xf32, #tpu.memory_space<vmem>>) dst(%dma_wait3A_180 : memref<128x64xf32, #tpu.memory_space<hbm>>)
      %dma_wait3A_181 = arith.constant 0 : i32
      %dma_wait3A_182 = tpu.memref_slice %arg4[%add3A_164, %dma_wait3A_181] : memref<409600x64xf32, #tpu.memory_space<hbm>> -> memref<128x64xf32, #tpu.memory_space<hbm>>
      %dma_wait3A_183 = arith.constant 0 : i32
      %dma_wait3A_184 = tpu.memref_slice %arg4[%add3A_164, %dma_wait3A_183] : memref<409600x64xf32, #tpu.memory_space<hbm>> -> memref<128x64xf32, #tpu.memory_space<hbm>>
      tpu.wait_dma2 semaphore(%arg20 : memref<!tpu.dma_semaphore, #tpu.memory_space<semaphore_mem>>) src(%arg10 : memref<128x64xf32, #tpu.memory_space<vmem>>) dst(%dma_wait3A_184 : memref<128x64xf32, #tpu.memory_space<hbm>>)
    }
    %scan3A_57 = arith.constant 5 : i32
    %dma_wait3A_58 = tpu.memref_slice %arg2[%add3A_45] : memref<409600xi32, #tpu.memory_space<hbm>> -> memref<2560xi32, #tpu.memory_space<hbm>>
    %dma_wait3A_59 = tpu.memref_slice %arg2[%add3A_45] : memref<409600xi32, #tpu.memory_space<hbm>> -> memref<2560xi32, #tpu.memory_space<hbm>>
    tpu.wait_dma2 semaphore(%arg11 : memref<!tpu.dma_semaphore, #tpu.memory_space<semaphore_mem>>) src(%dma_wait3A_59 : memref<2560xi32, #tpu.memory_space<hbm>>) dst(%arg5 : memref<2560xi32, #tpu.memory_space<vmem>>)
    %add3A_60 = arith.constant 10240 : i32
    %add3A_61 = arith.addi %mul3A_2, %add3A_60 : i32
    %scan3A_62 = arith.constant 0 : i32
    %scan3A_63 = arith.constant 0 : i32
    %scan3A_64 = arith.constant 5 : i32
    %scan3A_65 = arith.addi %scan3A_63, %scan3A_64 : i32
    %scan3A_66 = arith.constant 1 : i32
    scf.for %scan3A_68 = %scan3A_63 to %scan3A_65 step %scan3A_66  : i32 {
      %mul3A_69 = arith.constant 4 : i32
      %mul3A_70 = arith.muli %scan3A_68, %mul3A_69 : i32
      %add3A_71 = arith.constant 0 : i32
      %add3A_72 = arith.addi %mul3A_70, %add3A_71 : i32
      %mul3A_73 = arith.constant 128 : i32
      %mul3A_74 = arith.muli %add3A_72, %mul3A_73 : i32
      %dma_start3A_75 = tpu.memref_slice %arg5[%mul3A_74] : memref<2560xi32, #tpu.memory_space<vmem>> -> memref<128xi32, #tpu.memory_space<vmem>>
      %dma_start3A_76 = arith.constant 0 : i32
      %dma_start3A_77 = arith.constant 0 : i32
      %dma_start3A_78 = tpu.memref_slice %arg3[%dma_start3A_76, %dma_start3A_77] : memref<1000000x64xf32, #tpu.memory_space<hbm>> -> memref<1000000x64xf32, #tpu.memory_space<hbm>>
      tpu.enqueue_indirect_dma source(%dma_start3A_78 : memref<1000000x64xf32, #tpu.memory_space<hbm>>) target(%arg7 : memref<128x64xf32, #tpu.memory_space<vmem>>) offsets(%dma_start3A_75 : memref<128xi32, #tpu.memory_space<vmem>>) semaphore(%arg13 : memref<!tpu.dma_semaphore, #tpu.memory_space<semaphore_mem>>)
      %mul3A_79 = arith.constant 4 : i32
      %mul3A_80 = arith.muli %scan3A_68, %mul3A_79 : i32
      %add3A_81 = arith.constant 1 : i32
      %add3A_82 = arith.addi %mul3A_80, %add3A_81 : i32
      %mul3A_83 = arith.constant 128 : i32
      %mul3A_84 = arith.muli %add3A_82, %mul3A_83 : i32
      %dma_start3A_85 = tpu.memref_slice %arg5[%mul3A_84] : memref<2560xi32, #tpu.memory_space<vmem>> -> memref<128xi32, #tpu.memory_space<vmem>>
      %dma_start3A_86 = arith.constant 0 : i32
      %dma_start3A_87 = arith.constant 0 : i32
      %dma_start3A_88 = tpu.memref_slice %arg3[%dma_start3A_86, %dma_start3A_87] : memref<1000000x64xf32, #tpu.memory_space<hbm>> -> memref<1000000x64xf32, #tpu.memory_space<hbm>>
      tpu.enqueue_indirect_dma source(%dma_start3A_88 : memref<1000000x64xf32, #tpu.memory_space<hbm>>) target(%arg8 : memref<128x64xf32, #tpu.memory_space<vmem>>) offsets(%dma_start3A_85 : memref<128xi32, #tpu.memory_space<vmem>>) semaphore(%arg14 : memref<!tpu.dma_semaphore, #tpu.memory_space<semaphore_mem>>)
      %mul3A_89 = arith.constant 4 : i32
      %mul3A_90 = arith.muli %scan3A_68, %mul3A_89 : i32
      %add3A_91 = arith.constant 2 : i32
      %add3A_92 = arith.addi %mul3A_90, %add3A_91 : i32
      %mul3A_93 = arith.constant 128 : i32
      %mul3A_94 = arith.muli %add3A_92, %mul3A_93 : i32
      %dma_start3A_95 = tpu.memref_slice %arg5[%mul3A_94] : memref<2560xi32, #tpu.memory_space<vmem>> -> memref<128xi32, #tpu.memory_space<vmem>>
      %dma_start3A_96 = arith.constant 0 : i32
      %dma_start3A_97 = arith.constant 0 : i32
      %dma_start3A_98 = tpu.memref_slice %arg3[%dma_start3A_96, %dma_start3A_97] : memref<1000000x64xf32, #tpu.memory_space<hbm>> -> memref<1000000x64xf32, #tpu.memory_space<hbm>>
      tpu.enqueue_indirect_dma source(%dma_start3A_98 : memref<1000000x64xf32, #tpu.memory_space<hbm>>) target(%arg9 : memref<128x64xf32, #tpu.memory_space<vmem>>) offsets(%dma_start3A_95 : memref<128xi32, #tpu.memory_space<vmem>>) semaphore(%arg15 : memref<!tpu.dma_semaphore, #tpu.memory_space<semaphore_mem>>)
      %mul3A_99 = arith.constant 4 : i32
      %mul3A_100 = arith.muli %scan3A_68, %mul3A_99 : i32
      %add3A_101 = arith.constant 3 : i32
      %add3A_102 = arith.addi %mul3A_100, %add3A_101 : i32
      %mul3A_103 = arith.constant 128 : i32
      %mul3A_104 = arith.muli %add3A_102, %mul3A_103 : i32
      %dma_start3A_105 = tpu.memref_slice %arg5[%mul3A_104] : memref<2560xi32, #tpu.memory_space<vmem>> -> memref<128xi32, #tpu.memory_space<vmem>>
      %dma_start3A_106 = arith.constant 0 : i32
      %dma_start3A_107 = arith.constant 0 : i32
      %dma_start3A_108 = tpu.memref_slice %arg3[%dma_start3A_106, %dma_start3A_107] : memref<1000000x64xf32, #tpu.memory_space<hbm>> -> memref<1000000x64xf32, #tpu.memory_space<hbm>>
      tpu.enqueue_indirect_dma source(%dma_start3A_108 : memref<1000000x64xf32, #tpu.memory_space<hbm>>) target(%arg10 : memref<128x64xf32, #tpu.memory_space<vmem>>) offsets(%dma_start3A_105 : memref<128xi32, #tpu.memory_space<vmem>>) semaphore(%arg16 : memref<!tpu.dma_semaphore, #tpu.memory_space<semaphore_mem>>)
      %mul3A_109 = arith.constant 4 : i32
      %mul3A_110 = arith.muli %scan3A_68, %mul3A_109 : i32
      %add3A_111 = arith.constant 0 : i32
      %add3A_112 = arith.addi %mul3A_110, %add3A_111 : i32
      %mul3A_113 = arith.constant 128 : i32
      %mul3A_114 = arith.muli %add3A_112, %mul3A_113 : i32
      %dma_wait3A_115 = tpu.memref_slice %arg5[%mul3A_74] : memref<2560xi32, #tpu.memory_space<vmem>> -> memref<128xi32, #tpu.memory_space<vmem>>
      %dma_wait3A_116 = arith.constant 0 : i32
      %dma_wait3A_117 = arith.constant 0 : i32
      %dma_wait3A_118 = tpu.memref_slice %arg3[%dma_wait3A_116, %dma_wait3A_117] : memref<1000000x64xf32, #tpu.memory_space<hbm>> -> memref<1000000x64xf32, #tpu.memory_space<hbm>>
      tpu.wait_indirect_dma semaphore(%arg13 : memref<!tpu.dma_semaphore, #tpu.memory_space<semaphore_mem>>) src(%dma_wait3A_118 : memref<1000000x64xf32, #tpu.memory_space<hbm>>) dst(%arg7 : memref<128x64xf32, #tpu.memory_space<vmem>>)
      %add3A_119 = arith.addi %add3A_61, %mul3A_114 : i32
      %dma_start3A_120 = arith.constant 0 : i32
      %dma_start3A_121 = tpu.memref_slice %arg4[%add3A_119, %dma_start3A_120] : memref<409600x64xf32, #tpu.memory_space<hbm>> -> memref<128x64xf32, #tpu.memory_space<hbm>>
      %dma_start3A_122 = arith.constant 0 : i32
      %dma_start3A_123 = tpu.memref_slice %arg4[%add3A_119, %dma_start3A_122] : memref<409600x64xf32, #tpu.memory_space<hbm>> -> memref<128x64xf32, #tpu.memory_space<hbm>>
      tpu.enqueue_dma source(%arg7 : memref<128x64xf32, #tpu.memory_space<vmem>>) target(%dma_start3A_123 : memref<128x64xf32, #tpu.memory_space<hbm>>) target_semaphore(%arg17 : memref<!tpu.dma_semaphore, #tpu.memory_space<semaphore_mem>>)
      %mul3A_124 = arith.constant 4 : i32
      %mul3A_125 = arith.muli %scan3A_68, %mul3A_124 : i32
      %add3A_126 = arith.constant 1 : i32
      %add3A_127 = arith.addi %mul3A_125, %add3A_126 : i32
      %mul3A_128 = arith.constant 128 : i32
      %mul3A_129 = arith.muli %add3A_127, %mul3A_128 : i32
      %dma_wait3A_130 = tpu.memref_slice %arg5[%mul3A_84] : memref<2560xi32, #tpu.memory_space<vmem>> -> memref<128xi32, #tpu.memory_space<vmem>>
      %dma_wait3A_131 = arith.constant 0 : i32
      %dma_wait3A_132 = arith.constant 0 : i32
      %dma_wait3A_133 = tpu.memref_slice %arg3[%dma_wait3A_131, %dma_wait3A_132] : memref<1000000x64xf32, #tpu.memory_space<hbm>> -> memref<1000000x64xf32, #tpu.memory_space<hbm>>
      tpu.wait_indirect_dma semaphore(%arg14 : memref<!tpu.dma_semaphore, #tpu.memory_space<semaphore_mem>>) src(%dma_wait3A_133 : memref<1000000x64xf32, #tpu.memory_space<hbm>>) dst(%arg8 : memref<128x64xf32, #tpu.memory_space<vmem>>)
      %add3A_134 = arith.addi %add3A_61, %mul3A_129 : i32
      %dma_start3A_135 = arith.constant 0 : i32
      %dma_start3A_136 = tpu.memref_slice %arg4[%add3A_134, %dma_start3A_135] : memref<409600x64xf32, #tpu.memory_space<hbm>> -> memref<128x64xf32, #tpu.memory_space<hbm>>
      %dma_start3A_137 = arith.constant 0 : i32
      %dma_start3A_138 = tpu.memref_slice %arg4[%add3A_134, %dma_start3A_137] : memref<409600x64xf32, #tpu.memory_space<hbm>> -> memref<128x64xf32, #tpu.memory_space<hbm>>
      tpu.enqueue_dma source(%arg8 : memref<128x64xf32, #tpu.memory_space<vmem>>) target(%dma_start3A_138 : memref<128x64xf32, #tpu.memory_space<hbm>>) target_semaphore(%arg18 : memref<!tpu.dma_semaphore, #tpu.memory_space<semaphore_mem>>)
      %mul3A_139 = arith.constant 4 : i32
      %mul3A_140 = arith.muli %scan3A_68, %mul3A_139 : i32
      %add3A_141 = arith.constant 2 : i32
      %add3A_142 = arith.addi %mul3A_140, %add3A_141 : i32
      %mul3A_143 = arith.constant 128 : i32
      %mul3A_144 = arith.muli %add3A_142, %mul3A_143 : i32
      %dma_wait3A_145 = tpu.memref_slice %arg5[%mul3A_94] : memref<2560xi32, #tpu.memory_space<vmem>> -> memref<128xi32, #tpu.memory_space<vmem>>
      %dma_wait3A_146 = arith.constant 0 : i32
      %dma_wait3A_147 = arith.constant 0 : i32
      %dma_wait3A_148 = tpu.memref_slice %arg3[%dma_wait3A_146, %dma_wait3A_147] : memref<1000000x64xf32, #tpu.memory_space<hbm>> -> memref<1000000x64xf32, #tpu.memory_space<hbm>>
      tpu.wait_indirect_dma semaphore(%arg15 : memref<!tpu.dma_semaphore, #tpu.memory_space<semaphore_mem>>) src(%dma_wait3A_148 : memref<1000000x64xf32, #tpu.memory_space<hbm>>) dst(%arg9 : memref<128x64xf32, #tpu.memory_space<vmem>>)
      %add3A_149 = arith.addi %add3A_61, %mul3A_144 : i32
      %dma_start3A_150 = arith.constant 0 : i32
      %dma_start3A_151 = tpu.memref_slice %arg4[%add3A_149, %dma_start3A_150] : memref<409600x64xf32, #tpu.memory_space<hbm>> -> memref<128x64xf32, #tpu.memory_space<hbm>>
      %dma_start3A_152 = arith.constant 0 : i32
      %dma_start3A_153 = tpu.memref_slice %arg4[%add3A_149, %dma_start3A_152] : memref<409600x64xf32, #tpu.memory_space<hbm>> -> memref<128x64xf32, #tpu.memory_space<hbm>>
      tpu.enqueue_dma source(%arg9 : memref<128x64xf32, #tpu.memory_space<vmem>>) target(%dma_start3A_153 : memref<128x64xf32, #tpu.memory_space<hbm>>) target_semaphore(%arg19 : memref<!tpu.dma_semaphore, #tpu.memory_space<semaphore_mem>>)
      %mul3A_154 = arith.constant 4 : i32
      %mul3A_155 = arith.muli %scan3A_68, %mul3A_154 : i32
      %add3A_156 = arith.constant 3 : i32
      %add3A_157 = arith.addi %mul3A_155, %add3A_156 : i32
      %mul3A_158 = arith.constant 128 : i32
      %mul3A_159 = arith.muli %add3A_157, %mul3A_158 : i32
      %dma_wait3A_160 = tpu.memref_slice %arg5[%mul3A_104] : memref<2560xi32, #tpu.memory_space<vmem>> -> memref<128xi32, #tpu.memory_space<vmem>>
      %dma_wait3A_161 = arith.constant 0 : i32
      %dma_wait3A_162 = arith.constant 0 : i32
      %dma_wait3A_163 = tpu.memref_slice %arg3[%dma_wait3A_161, %dma_wait3A_162] : memref<1000000x64xf32, #tpu.memory_space<hbm>> -> memref<1000000x64xf32, #tpu.memory_space<hbm>>
      tpu.wait_indirect_dma semaphore(%arg16 : memref<!tpu.dma_semaphore, #tpu.memory_space<semaphore_mem>>) src(%dma_wait3A_163 : memref<1000000x64xf32, #tpu.memory_space<hbm>>) dst(%arg10 : memref<128x64xf32, #tpu.memory_space<vmem>>)
      %add3A_164 = arith.addi %add3A_61, %mul3A_159 : i32
      %dma_start3A_165 = arith.constant 0 : i32
      %dma_start3A_166 = tpu.memref_slice %arg4[%add3A_164, %dma_start3A_165] : memref<409600x64xf32, #tpu.memory_space<hbm>> -> memref<128x64xf32, #tpu.memory_space<hbm>>
      %dma_start3A_167 = arith.constant 0 : i32
      %dma_start3A_168 = tpu.memref_slice %arg4[%add3A_164, %dma_start3A_167] : memref<409600x64xf32, #tpu.memory_space<hbm>> -> memref<128x64xf32, #tpu.memory_space<hbm>>
      tpu.enqueue_dma source(%arg10 : memref<128x64xf32, #tpu.memory_space<vmem>>) target(%dma_start3A_168 : memref<128x64xf32, #tpu.memory_space<hbm>>) target_semaphore(%arg20 : memref<!tpu.dma_semaphore, #tpu.memory_space<semaphore_mem>>)
      %dma_wait3A_169 = arith.constant 0 : i32
      %dma_wait3A_170 = tpu.memref_slice %arg4[%add3A_119, %dma_wait3A_169] : memref<409600x64xf32, #tpu.memory_space<hbm>> -> memref<128x64xf32, #tpu.memory_space<hbm>>
      %dma_wait3A_171 = arith.constant 0 : i32
      %dma_wait3A_172 = tpu.memref_slice %arg4[%add3A_119, %dma_wait3A_171] : memref<409600x64xf32, #tpu.memory_space<hbm>> -> memref<128x64xf32, #tpu.memory_space<hbm>>
      tpu.wait_dma2 semaphore(%arg17 : memref<!tpu.dma_semaphore, #tpu.memory_space<semaphore_mem>>) src(%arg7 : memref<128x64xf32, #tpu.memory_space<vmem>>) dst(%dma_wait3A_172 : memref<128x64xf32, #tpu.memory_space<hbm>>)
      %dma_wait3A_173 = arith.constant 0 : i32
      %dma_wait3A_174 = tpu.memref_slice %arg4[%add3A_134, %dma_wait3A_173] : memref<409600x64xf32, #tpu.memory_space<hbm>> -> memref<128x64xf32, #tpu.memory_space<hbm>>
      %dma_wait3A_175 = arith.constant 0 : i32
      %dma_wait3A_176 = tpu.memref_slice %arg4[%add3A_134, %dma_wait3A_175] : memref<409600x64xf32, #tpu.memory_space<hbm>> -> memref<128x64xf32, #tpu.memory_space<hbm>>
      tpu.wait_dma2 semaphore(%arg18 : memref<!tpu.dma_semaphore, #tpu.memory_space<semaphore_mem>>) src(%arg8 : memref<128x64xf32, #tpu.memory_space<vmem>>) dst(%dma_wait3A_176 : memref<128x64xf32, #tpu.memory_space<hbm>>)
      %dma_wait3A_177 = arith.constant 0 : i32
      %dma_wait3A_178 = tpu.memref_slice %arg4[%add3A_149, %dma_wait3A_177] : memref<409600x64xf32, #tpu.memory_space<hbm>> -> memref<128x64xf32, #tpu.memory_space<hbm>>
      %dma_wait3A_179 = arith.constant 0 : i32
      %dma_wait3A_180 = tpu.memref_slice %arg4[%add3A_149, %dma_wait3A_179] : memref<409600x64xf32, #tpu.memory_space<hbm>> -> memref<128x64xf32, #tpu.memory_space<hbm>>
      tpu.wait_dma2 semaphore(%arg19 : memref<!tpu.dma_semaphore, #tpu.memory_space<semaphore_mem>>) src(%arg9 : memref<128x64xf32, #tpu.memory_space<vmem>>) dst(%dma_wait3A_180 : memref<128x64xf32, #tpu.memory_space<hbm>>)
      %dma_wait3A_181 = arith.constant 0 : i32
      %dma_wait3A_182 = tpu.memref_slice %arg4[%add3A_164, %dma_wait3A_181] : memref<409600x64xf32, #tpu.memory_space<hbm>> -> memref<128x64xf32, #tpu.memory_space<hbm>>
      %dma_wait3A_183 = arith.constant 0 : i32
      %dma_wait3A_184 = tpu.memref_slice %arg4[%add3A_164, %dma_wait3A_183] : memref<409600x64xf32, #tpu.memory_space<hbm>> -> memref<128x64xf32, #tpu.memory_space<hbm>>
      tpu.wait_dma2 semaphore(%arg20 : memref<!tpu.dma_semaphore, #tpu.memory_space<semaphore_mem>>) src(%arg10 : memref<128x64xf32, #tpu.memory_space<vmem>>) dst(%dma_wait3A_184 : memref<128x64xf32, #tpu.memory_space<hbm>>)
    }
    %scan3A_67 = arith.constant 5 : i32
    return
  }
}

</mosaic_0001>

<sc_bundles>
// kernel: kernel.4.cloned.1.call-start
scs
__scs_entry_jumppad:
0x0: {  	(pc) =	sbr.rel $0x88, $3  }
0x1: {  	(tag) =	ssettag $0x0;
	lr =	simm.s32 $0x1  }
0x2: {  	[smem:$0x3F9F] =	sst lr;
	_ =	strace $0xD0000000  }
0x3: {  	_ = 	snop  }
0x4: {  	_ = 	snop  }
0x5: {  	_ = 	snop  }
0x6: {  	_ = 	snop  }
0x7: {  	_ = 	snop  }
__scs_overlays_trampoline_lowered:
0x8: {  	[smem:$0x3FAE] =	sst s0  }
0x9: {  	[smem:$0x3FAF] =	sst s1  }
0xa: {  	[smem:$0x3FB0] =	sst s2  }
0xb: {  	[smem:$0x3FB1] =	sst s3  }
0xc: {  	[smem:$0x3FB2] =	sst s4  }
0xd: {  	[smem:$0x3FB3] =	sst s5  }
0xe: {  	[smem:$0x3FB4] =	sst s6  }
0xf: {  	[smem:$0x3FB5] =	sst s7  }
0x10: {  	[smem:$0x3FB6] =	sst s8  }
0x11: {  	[smem:$0x3FB7] =	sst s9;
	s0 =	simm.s32 @!p0 $0x0  }
0x12: {  	s1 =	sld [smem:$0x3F9D];
	s0 =	simm.s32 @p0 $0x1  }
0x13: {  	[smem:$0x3FB8] =	sst s0;
	s0 =	simm.s32 @!p1 $0x0  }
0x14: {  	s2 =	sld [smem:$0x3F9C];
	s0 =	simm.s32 @p1 $0x1  }
0x15: {  	[smem:$0x3FB9] =	sst s0;
	s0 =	simm.s32 @!p2 $0x0  }
0x16: {  	s3 =	sld [smem:$0x3FDB];
	s0 =	simm.s32 @p2 $0x1  }
0x17: {  	s4 =	simm.s32 $0x1BF5;
	[smem:$0x3FBB] =	sst s0  }
0x18: {  	s0 =	sld [smem:$0x3F9E];
	_ =	swait.ge [sflag:s4], $0x0  }
0x19: {  	s7 =	sld [smem:$0x3F9F]  }
0x1a: {  	s8 =	sadd.s32 $0xFFFFE003, lr  }
0x1b: {  	s9 =	sadd.s32 $0xFFFFFEF7, lr;
	s5 =	simm.s32 $0xFFFFFFFF;
	p2 =	slt.u32 s8, $0xFFFFF086  }
0x1c: {  	p1 =	slt.u32 s9, $0xF7A;
	s5 =	simm.s32 @!p2 $0x0  }
0x1d: {  	s5 =	simm.s32 @p1 $0x1;
	p0 =	seq.s32 s7, s2  }
0x1e: {  	s7 =	smul.u32 @!p0 $0xF7A, s2;
	p2 =	seq.s32 @!p0 s5, $0x0  }
0x1f: {  	s9 =	smul.u32 $0xF7A, s1;
	s8 =	simm.s32 @!p0 $0x1BF5;
	p2 =	por !p2, p0  }
0x20: {  	[sflag:s8] =	ssyncset.s32 @!p0 $0xFFFFF086;
	s6 =	sadd.s32 @!p0 s3, s7;
	s7 =	simm.s32 @!p0 $0x108  }
0x21: {  	s3 =	sadd.s32 s3, s9;
	s6 =	sadd.s32 @!p0 $0x88, s6;
	s7 =	simm.s32 @p2 $0x1082  }
0x22: {  	[simem:s7], [sflag:s8] =	dma.local @!p0 [hbm:s6], $0xF7A  }
0x23: {  	s9 =	sor.u32 $0xD0000000, s2;
	s6 =	simm.s32 $0x108;
	_ =	swait.ge @!p0 [sflag:s8], $0x0  }
0x24: {  	s3 =	sadd.s32 $0x88, s3;
	s6 =	simm.s32 @!p1 $0x1082;
	[sflag:s4] =	ssyncset.s32 $0xFFFFF086  }
0x25: {  	[simem:s6], [sflag:s4] =	dma.local [hbm:s3], $0xF7A  }
0x26: {  	[smem:$0x3F9F] =	sst s1;
	(tag) =	ssettag s2;
	_ =	strace s9  }
0x27: {  	s1 =	sld [smem:$0x3FAF]  }
0x28: {  	s2 =	sld [smem:$0x3FB0]  }
0x29: {  	s4 =	sld [smem:$0x3FB2]  }
0x2a: {  	p0 =	seq.s32 s5, $0x0;
	s5 =	sld [smem:$0x3FB3]  }
0x2b: {  	s6 =	sld [smem:$0x3FB4]  }
0x2c: {  	s7 =	sld [smem:$0x3FB5]  }
0x2d: {  	s3 =	simm.s32 $0x108;
	s8 =	sld [smem:$0x3FB6]  }
0x2e: {  	s3 =	simm.s32 @!p0 $0x1082;
	s9 =	sld [smem:$0x3FB7]  }
0x2f: {  	lr =	sadd.s32 s0, s3;
	s0 =	sld [smem:$0x3FAE]  }
0x30: {  	s3 =	sld [smem:$0x3FB1]  }
0x31: {  	[smem:$0x3FBA] =	sst s10  }
0x32: {  	s10 =	sld [smem:$0x3FB8];
	_ =	sdelay $0x3  }
0x33: {  	p0 =	seq.s32 s10, $0x1;
	s10 =	sld [smem:$0x3FBA];
	_ =	sdelay $0x3  }
0x34: {  	[smem:$0x3FBA] =	sst s10  }
0x35: {  	s10 =	sld [smem:$0x3FB9];
	_ =	sdelay $0x3  }
0x36: {  	p1 =	seq.s32 s10, $0x1;
	s10 =	sld [smem:$0x3FBA];
	_ =	sdelay $0x3  }
0x37: {  	[smem:$0x3FBA] =	sst s10  }
0x38: {  	s10 =	sld [smem:$0x3FBB]  }
0x39: {  	_ = 	snop;
	(pc) =	sbr.ind lr, $3  }
0x3a: {  	_ = 	snop  }
0x3b: {  	_ = 	snop  }
0x3c: {  	p2 =	seq.s32 s10, $0x1;
	s10 =	sld [smem:$0x3FBA]  }
0x3d: {  	_ =	shalt  }
0x3e: {  	_ =	shalt  }
0x3f: {  	_ =	shalt  }
0x40: {  	_ =	shalt  }
0x41: {  	_ =	shalt  }
0x42: {  	_ =	shalt  }
0x43: {  	_ =	shalt  }
0x44: {  	_ =	shalt  }
0x45: {  	_ =	shalt  }
0x46: {  	_ =	shalt  }
0x47: {  	_ =	shalt  }
0x48: {  	_ =	shalt  }
0x49: {  	_ =	shalt  }
0x4a: {  	_ =	shalt  }
0x4b: {  	_ =	shalt  }
0x4c: {  	_ =	shalt  }
0x4d: {  	_ =	shalt  }
0x4e: {  	_ =	shalt  }
0x4f: {  	_ =	shalt  }
0x50: {  	_ =	shalt  }
0x51: {  	_ =	shalt  }
0x52: {  	_ =	shalt  }
0x53: {  	_ =	shalt  }
0x54: {  	_ =	shalt  }
0x55: {  	_ =	shalt  }
0x56: {  	_ =	shalt  }
0x57: {  	_ =	shalt  }
0x58: {  	_ =	shalt  }
0x59: {  	_ =	shalt  }
0x5a: {  	_ =	shalt  }
0x5b: {  	_ =	shalt  }
0x5c: {  	_ =	shalt  }
0x5d: {  	_ =	shalt  }
0x5e: {  	_ =	shalt  }
0x5f: {  	_ =	shalt  }
0x60: {  	_ =	shalt  }
0x61: {  	_ =	shalt  }
0x62: {  	_ =	shalt  }
0x63: {  	_ =	shalt  }
0x64: {  	_ =	shalt  }
0x65: {  	_ =	shalt  }
0x66: {  	_ =	shalt  }
0x67: {  	_ =	shalt  }
0x68: {  	_ =	shalt  }
0x69: {  	_ =	shalt  }
0x6a: {  	_ =	shalt  }
0x6b: {  	_ =	shalt  }
0x6c: {  	_ =	shalt  }
0x6d: {  	_ =	shalt  }
0x6e: {  	_ =	shalt  }
0x6f: {  	_ =	shalt  }
0x70: {  	_ =	shalt  }
0x71: {  	_ =	shalt  }
0x72: {  	_ =	shalt  }
0x73: {  	_ =	shalt  }
0x74: {  	_ =	shalt  }
0x75: {  	_ =	shalt  }
0x76: {  	_ =	shalt  }
0x77: {  	_ =	shalt  }
0x78: {  	_ =	shalt  }
0x79: {  	_ =	shalt  }
0x7a: {  	_ =	shalt  }
0x7b: {  	_ =	shalt  }
0x7c: {  	_ =	shalt  }
0x7d: {  	_ =	shalt  }
0x7e: {  	_ =	shalt  }
0x7f: {  	_ =	shalt  }
0x80: {  	_ =	shalt  }
0x81: {  	_ =	shalt  }
0x82: {  	_ =	shalt  }
0x83: {  	_ =	shalt  }
0x84: {  	_ =	shalt  }
0x85: {  	_ =	shalt  }
0x86: {  	_ =	shalt  }
0x87: {  	_ =	shalt  }
.Lfunc_end0:
.L_simem_size_0:
called_computation.2_lowered:
.L_overlay_start_0:
0x88: {  	s2 =	sld [smem:$0x3FD9]  }
0x89: {  	s3 =	sld [smem:$0x3FFE];
	_ =	sdelay $0x1  }
0x8a: {  	s1 =	srdreg.scid  }
0x8b: {  	s0 =	sand.u32 $0x1, s1  }
0x8c: {  	s17 =	sshll.u32 s0, $0xA;
	s2 =	sadd.s32 s3, s2  }
0x8d: {  	s2 =	sadd.s32 s2, s17  }
0x8e: {  	[smem:$0x3FC6] =	sst s2  }
0x8f: {  	_ = 	snop  }
0x90: {  	s18 =	sld [smem:$0x3FD0];
	(tm) =	ssettm $0x1  }
0x91: {  	s19 =	sld [smem:$0x3FFB];
	_ =	sdelay $0x3  }
0x92: {  	_ =	strace s19  }
0x93: {  	s2 =	sld [smem:$0x3FFC];
	_ =	sdelay $0x3  }
0x94: {  	_ =	strace s2  }
0x95: {  	s2 =	sld [smem:$0x3FFD];
	_ =	sdelay $0x3  }
0x96: {  	_ =	strace s2  }
0x97: {  	_ =	strace $0x8FFFFFFF  }
0x98: {  	s20 =	sld [smem:$0x3FDB];
	_ =	sdelay $0x1  }
0x99: {  	s4 =	simm.s32 $_scs_section_size  }
0x9a: {  	s5 =	simm.s32 $_size__tile_overlayer_lowered;
	s6 =	simm.s32 $_tile_overlayer_lowered  }
0x9b: {  	s7 =	simm.s32 $0x1BFF;
	s21 =	sshll.u32 s6, $0x1;
	s4 =	sadd.s32 s4, s20  }
0x9c: {  	s22 =	simm.s32 $0x0;
	s5 =	sshll.u32 s5, $0x1;
	s6 =	sadd.s32 s21, s4  }
0x9d: {  	[timem:s22], [sflag:s7] =	dma.local [hbm:s6], s5  }
0x9e: {  	_ =	swait.ge [sflag:s7], s5  }
0x9f: {  	s5 =	ssub.s32 $0x0, s5;
	[sflag:s7] =	ssyncset.done $0x0  }
0xa0: {  	[sflag:s7] =	ssyncadd.s32 s5;
	_ =	sdelay $0x1  }
0xa1: {  	s23 =	simm.s32 $0x1B8B  }
0xa2: {  	_ =	swait.ge [sflag:s23], $0x1  }
0xa3: {  	[sflag:s23] =	ssyncset.done $0x0  }
0xa4: {  	[sflag:s23] =	ssyncadd.s32 $0xFFFFFFFF  }
0xa5: {  	s5 =	sld [smem:$0x0]  }
0xa6: {  	s6 =	sand.u32 $0xFFFFFFFE, s1  }
0xa7: {  	p0 =	sne.s32 s1, s6  }
0xa8: {  	s6 =	sshll.u32 @p0 s6, $0xE  }
0xa9: {  	s6 =	sadd.s32 @p0 $0x11B8D, s6;
	s7 =	sshll.u32 @p0 s5, $0x11  }
0xaa: {  	s6 =	sor.u32 @p0 s7, s6  }
0xab: {  	[sflag:s6] =	ssyncadd.remote.s32 @p0 $0x1;
	_ =	sdelay $0x1  }
0xac: {  	s6 =	simm.s32 @p0 $0x1B8D  }
0xad: {  	_ =	swait.eq @p0 [sflag:s6], $0x1  }
0xae: {  	[sflag:s6] =	ssyncadd.s32 @p0 $0xFFFFFFFF  }
0xaf: {  	s7 =	sshll.u32 @!p0 s1, $0xE  }
0xb0: {  	s7 =	sor.u32 @!p0 $0x4000, s7;
	s6 =	simm.s32 @!p0 $0x1B8D  }
0xb1: {  	s5 =	sshll.u32 @!p0 s5, $0x11;
	s7 =	sadd.s32 @!p0 $0x11B8D, s7;
	_ =	swait.eq @!p0 [sflag:s6], $0x1  }
0xb2: {  	s5 =	sor.u32 @!p0 s5, s7;
	[sflag:s6] =	ssyncadd.s32 @!p0 $0xFFFFFFFF  }
0xb3: {  	s25 =	simm.s32 $0x1B8E;
	s24 =	sld [smem:$0x3FFE];
	[sflag:s5] =	ssyncadd.remote.s32 @!p0 $0x1  }
0xb4: {  	s26 =	simm.s32 $execute0_lowered;
	[smem:$0x3FD2] =	sst s25  }
0xb5: {  	s6 =	sshll.u32 s26, $0x1;
	_ =	strace $0x80000049;
	[dreg:$0x1] =	wrdreg $0xFFFFFFFF  }
0xb6: {  	s28 =	simm.s32 $_size_execute0_lowered;
	s4 =	sadd.s32 s4, s6;
	[dreg:$0x0] =	wrdreg $0x0  }
0xb7: {  	s6 =	sshll.u32 s28, $0x1;
	[dreg:$0x2] =	wrdreg s4  }
0xb8: {  	[dreg:$0x3] =	wrdreg s6  }
0xb9: {  	[dreg:$0x4] =	wrdreg $0xC0  }
0xba: {  	_ =	task [dreg:s22], $0x5FFFF  }
0xbb: {  	[dreg:$0x1] =	wrdreg $0xFFFFFFFF  }
0xbc: {  	[dreg:$0x0] =	wrdreg $0x60  }
0xbd: {  	[dreg:$0x2] =	wrdreg s24  }
0xbe: {  	[dreg:$0x3] =	wrdreg s18  }
0xbf: {  	[dreg:$0x4] =	wrdreg $0xA  }
0xc0: {  	_ =	task.clear_ibuf [dreg:s22], $0x5FFFF;
	_ =	strace $0x90000049  }
0xc1: {  	s29 =	simm.s32 $0xA;
	_ =	strace $0x8000004B  }
0xc2: {  	_ =	swait.ge [sflag:s29], $0x1  }
0xc3: {  	[sflag:s29] =	ssyncadd.s32 $0xFFFFFFFF  }
0xc4: {  	_ =	strace $0x9000004B  }
0xc5: {  	_ =	sfence  }
0xc6: {  	s30 =	sld [smem:$0x0];
	_ =	sdelay $0x2  }
0xc7: {  	s31 =	sshll.u32 s1, $0xD;
	s1 =	sshrl.u32 s1, $0x2  }
0xc8: {  	s4 =	sand.u32 $0x4000, s31;
	s1 =	sadd.s32 s1, s30  }
0xc9: {  	s0 =	sor.u32 s4, s0;
	s1 =	sshll.u32 s1, $0x11  }
0xca: {  	s0 =	sor.u32 s1, s0  }
0xcb: {  	s0 =	sadd.s32 $0x8F2B, s0  }
0xcc: {  	[sflag:s0] =	ssyncadd.remote.s32 $0x1  }
0xcd: {  	_ =	sfence.sel $0xFFFF  }
0xce: {  	[dreg:$0x0] =	wrdreg $0xFFFFFFFF;
	(pc) =	sbr.abs _section_cstart, $3  }
0xcf: {  	[dreg:$0x1] =	wrdreg $0xFFFFFFFF  }
0xd0: {  	_ =	task.clear_ibuf [dreg:s22], $0x2FFFF;
	_ =	strace $0x9FFFFFFF  }
0xd1: {  	(tm) =	ssettm $0x7FFFFFFF  }
tec
execute0_lowered:
.L_overlay_start_1:
0x0: {  	(tag) =	ssettag $0x1  }
0x1: {  	s1 =	srdreg.scid;
	s10 =	stileid.u32  }
0x2: {  	s0 =	rddreg [dreg:$0x0];
	s1 =	sand.u32 $0x1, s1;
	s3 =	sshll.u32 s10, $0x1  }
0x3: {  	s4 =	rddreg [dreg:$0x1];
	s3 =	sor.u32 s1, s3  }
0x4: {  	s2 =	simm.s32 $0x0;
	s5 =	ssub.s32 $0x2, s1;
	s3 =	smul.u32 $0x3200, s3  }
0x5: {  	[smem:$0x7FF] =	sst s2;
	s6 =	smul.u32 $0x6400, s10;
	s8 =	sshrl.u32 s5, $0x1  }
0x6: {  	_ =	strace $0x8000004A;
	s23 =	ssub.s32 s5, s8;
	s3 =	sshrl.u32 s3, $0x3  }
0x7: {  	s7 =	sadd.s32 s3, s0;
	s3 =	sadd.s32 $0xF43A00, s0;
	s0 =	smax.u32 s23, $0x1  }
0x8: {  	s9 =	smul.u32 $0x3200, s1;
	s24 =	sadd.s32 $0x32DE00, s7;
	[dreg:$0x8] =	wrdreg s0  }
0x9: {  	s25 =	sadd.s32 $0x32DF40, s7;
	[dreg:$0x3] =	wrdreg s24  }
0xa: {  	s8 =	sadd.s32 s9, s6;
	s26 =	sadd.s32 $0x32E080, s7;
	[dreg:$0x4] =	wrdreg s25  }
0xb: {  	s5 =	sshll.u32 s8, $0x3;
	s9 =	sadd.s32 $0x32E1C0, s7;
	[dreg:$0x5] =	wrdreg s26  }
0xc: {  	s5 =	sadd.s32 s4, s5;
	s7 =	sadd.s32 $0x32E300, s7;
	[dreg:$0x6] =	wrdreg s9  }
0xd: {  	s10 =	smul.u32 $0x32000, s10;
	s11 =	sadd.s32 $0x800, s5;
	[dreg:$0x7] =	wrdreg s7  }
0xe: {  	s1 =	smul.u32 $0x19000, s1;
	s13 =	sadd.s32 $0x400, s5;
	[dreg:$0x9] =	wrdreg s11  }
0xf: {  	s12 =	sadd.s32 s10, s4;
	s14 =	sadd.s32 $0xC00, s5;
	[dreg:$0xa] =	wrdreg s13  }
0x10: {  	s0 =	sadd.s32 s1, s12;
	[dreg:$0xb] =	wrdreg s14  }
0x11: {  	s31 =	simm.s32 $0x5;
	s15 =	sadd.s32 $0x5800, s5;
	[dreg:$0xc] =	wrdreg s0  }
0x12: {  	s10 =	simm.s32 $0x6;
	s16 =	sadd.s32 $0x5400, s5;
	[dreg:$0xd] =	wrdreg s15  }
0x13: {  	s6 =	simm.s32 $0x5400;
	s17 =	sadd.s32 $0x5C00, s5;
	[dreg:$0xe] =	wrdreg s16  }
0x14: {  	s8 =	simm.s32 $0x3;
	s18 =	sadd.s32 $0x5000, s5;
	[dreg:$0xf] =	wrdreg s17  }
0x15: {  	s4 =	simm.s32 $0x1400;
	s19 =	sadd.s32 $0xA800, s5;
	[dreg:$0x10] =	wrdreg s18  }
0x16: {  	s20 =	sadd.s32 $0xA400, s5;
	s21 =	sadd.s32 $0xAC00, s5;
	[dreg:$0x11] =	wrdreg s19  }
0x17: {  	s22 =	sadd.s32 $0xA000, s5;
	s23 =	sadd.s32 $0xF800, s5;
	[dreg:$0x12] =	wrdreg s20  }
0x18: {  	s28 =	sadd.s32 $0x14400, s5;
	s29 =	sadd.s32 $0x14C00, s5;
	[dreg:$0x13] =	wrdreg s21  }
0x19: {  	s30 =	sadd.s32 $0x14000, s5;
	s1 =	simm.s32 $0x1;
	[dreg:$0x14] =	wrdreg s22  }
0x1a: {  	s12 =	simm.s32 $0x8;
	[dreg:$0x15] =	wrdreg s23;
	s24 =	sadd.s32 $0xF400, s5  }
0x1b: {  	s25 =	sadd.s32 $0xFC00, s5;
	s26 =	sadd.s32 $0xF000, s5;
	s0 =	simm.s32 $0x80  }
0x1c: {  	s7 =	simm.s32 $0x7400;
	s9 =	simm.s32 $0x4;
	s11 =	simm.s32 $0x7  }
0x1d: {  	s13 =	simm.s32 $0x9;
	s14 =	simm.s32 $0xA;
	[dreg:$0x16] =	wrdreg s24  }
0x1e: {  	s15 =	simm.s32 $0x2;
	s16 =	simm.s32 $0x0;
	[dreg:$0x17] =	wrdreg s25  }
0x1f: {  	[dreg:$0x18] =	wrdreg s26;
	s26 =	sadd.s32 $0x14800, s5;
	s5 =	simm.s32 $0x3400  }
.LBB2_1:
0x20: {  	s17 =	rddreg [dreg:$0x3]  }
0x21: {  	[tilespmem:s2], [sflag:$0x1] =	stream.linear.gather [hbm4b:s17+s2], $0xA00, $0x38;
	[tilespmem:$0x9400] =	vst v63  }
0x22: {  	s19 =	rddreg [dreg:$0x4];
	s18 =	simm.s32 $0xA00  }
0x23: {  	[tilespmem:s18], [sflag:$0x2] =	stream.linear.gather [hbm4b:s19+s2], $0xA00, $0x38;
	[tilespmem:$0x9400] =	vst v63  }
0x24: {  	_ =	swait.ge [sflag:s1], $0xA00  }
0x25: {  	[sflag:s1] =	ssyncset.done $0x0  }
0x26: {  	s20 =	simm.s32 $0x0;
	[sflag:s1] =	ssyncadd.s32 $0xFFFFF600  }
0x27: {  	[tilespmem:s4], [sflag:$0x3] =	stream.indirect.gather [hbm4b:s3+s0], $0x40, s20, s0, $0xb8;
	[tilespmem:$0x9400] =	vst v63  }
0x28: {  	s21 =	simm.s32 $0x80  }
0x29: {  	[tilespmem:s5], [sflag:$0x4] =	stream.indirect.gather [hbm4b:s3+s0], $0x40, s21, s0, $0xb8;
	[tilespmem:$0x9400] =	vst v63  }
0x2a: {  	s22 =	simm.s32 $0x100  }
0x2b: {  	[tilespmem:s6], [sflag:$0x5] =	stream.indirect.gather [hbm4b:s3+s0], $0x40, s22, s0, $0xb8;
	[tilespmem:$0x9400] =	vst v63  }
0x2c: {  	s23 =	simm.s32 $0x180  }
0x2d: {  	[tilespmem:s7], [sflag:$0x6] =	stream.indirect.gather [hbm4b:s3+s0], $0x40, s23, s0, $0xb8;
	[tilespmem:$0x9400] =	vst v63  }
0x2e: {  	_ =	swait.ge [sflag:s8], $0x2000  }
0x2f: {  	[sflag:s8] =	ssyncset.done $0x0  }
0x30: {  	s20 =	rddreg [dreg:$0xc];
	[sflag:s8] =	ssyncadd.s32 $0xFFFFE000  }
0x31: {  	[hbm4b:s20+s2] =	stream.linear.scatter [tilespmem:s4], [sflag:$0x7], $0x2000, $0x38;
	[tilespmem:$0x9400] =	vst v63  }
0x32: {  	_ =	swait.ge [sflag:s9], $0x2000  }
0x33: {  	[sflag:s9] =	ssyncset.done $0x0  }
0x34: {  	s19 =	rddreg [dreg:$0xa];
	[sflag:s9] =	ssyncadd.s32 $0xFFFFE000  }
0x35: {  	[hbm4b:s19+s2] =	stream.linear.scatter [tilespmem:s5], [sflag:$0x8], $0x2000, $0x38;
	[tilespmem:$0x9400] =	vst v63  }
0x36: {  	_ =	swait.ge [sflag:s31], $0x2000  }
0x37: {  	[sflag:s31] =	ssyncset.done $0x0  }
0x38: {  	s24 =	rddreg [dreg:$0x9];
	[sflag:s31] =	ssyncadd.s32 $0xFFFFE000  }
0x39: {  	[hbm4b:s24+s2] =	stream.linear.scatter [tilespmem:s6], [sflag:$0x9], $0x2000, $0x38;
	[tilespmem:$0x9400] =	vst v63  }
0x3a: {  	_ =	swait.ge [sflag:s10], $0x2000  }
0x3b: {  	[sflag:s10] =	ssyncset.done $0x0  }
0x3c: {  	s25 =	rddreg [dreg:$0xb];
	[sflag:s10] =	ssyncadd.s32 $0xFFFFE000  }
0x3d: {  	[hbm4b:s25+s2] =	stream.linear.scatter [tilespmem:s7], [sflag:$0xA], $0x2000, $0x38;
	[tilespmem:$0x9400] =	vst v63  }
0x3e: {  	_ =	swait.ge [sflag:s11], $0x2000  }
0x3f: {  	[sflag:s11] =	ssyncset.done $0x0  }
0x40: {  	[sflag:s11] =	ssyncadd.s32 $0xFFFFE000  }
0x41: {  	_ =	swait.ge [sflag:s12], $0x2000  }
0x42: {  	[sflag:s12] =	ssyncset.done $0x0  }
0x43: {  	[sflag:s12] =	ssyncadd.s32 $0xFFFFE000  }
0x44: {  	_ =	swait.ge [sflag:s13], $0x2000  }
0x45: {  	[sflag:s13] =	ssyncset.done $0x0  }
0x46: {  	s21 =	simm.s32 $0x800;
	s23 =	simm.s32 $0x1000;
	[sflag:s13] =	ssyncadd.s32 $0xFFFFE000  }
0x47: {  	s20 =	sadd.s32 $0x1000, s20;
	s19 =	sadd.s32 $0x1000, s19;
	_ =	swait.ge [sflag:s14], $0x2000  }
0x48: {  	s18 =	sadd.s32 $0x1000, s24;
	s17 =	sadd.s32 $0x1000, s25;
	[sflag:s14] =	ssyncset.done $0x0  }
.LBB2_2:
0x49: {  	s24 =	sshra.s32 s21, $0x2  }
0x4a: {  	[sflag:s14] =	ssyncadd.s32 $0xFFFFE000;
	s21 =	smov.u32 s23;
	s22 =	sadd.s32 $0x800, s23  }
0x4b: {  	[tilespmem:s4], [sflag:$0x3] =	stream.indirect.gather [hbm4b:s3+s0], $0x40, s24, s0, $0xb8;
	[tilespmem:$0x9400] =	vst v63  }
0x4c: {  	p0 =	sne.s32 s23, $0x2000;
	s23 =	sadd.s32 $0x80, s24  }
0x4d: {  	[tilespmem:s5], [sflag:$0x4] =	stream.indirect.gather [hbm4b:s3+s0], $0x40, s23, s0, $0xb8;
	[tilespmem:$0x9400] =	vst v63  }
0x4e: {  	s23 =	sadd.s32 $0x100, s24  }
0x4f: {  	[tilespmem:s6], [sflag:$0x5] =	stream.indirect.gather [hbm4b:s3+s0], $0x40, s23, s0, $0xb8;
	[tilespmem:$0x9400] =	vst v63  }
0x50: {  	s23 =	sadd.s32 $0x180, s24  }
0x51: {  	[tilespmem:s7], [sflag:$0x6] =	stream.indirect.gather [hbm4b:s3+s0], $0x40, s23, s0, $0xb8;
	[tilespmem:$0x9400] =	vst v63  }
0x52: {  	_ =	swait.ge [sflag:s8], $0x2000  }
0x53: {  	[sflag:s8] =	ssyncset.done $0x0  }
0x54: {  	[sflag:s8] =	ssyncadd.s32 $0xFFFFE000  }
0x55: {  	[hbm4b:s20+s2] =	stream.linear.scatter [tilespmem:s4], [sflag:$0x7], $0x2000, $0x38;
	[tilespmem:$0x9400] =	vst v63  }
0x56: {  	_ =	swait.ge [sflag:s9], $0x2000  }
0x57: {  	[sflag:s9] =	ssyncset.done $0x0  }
0x58: {  	[sflag:s9] =	ssyncadd.s32 $0xFFFFE000  }
0x59: {  	[hbm4b:s19+s2] =	stream.linear.scatter [tilespmem:s5], [sflag:$0x8], $0x2000, $0x38;
	[tilespmem:$0x9400] =	vst v63  }
0x5a: {  	_ =	swait.ge [sflag:s31], $0x2000  }
0x5b: {  	[sflag:s31] =	ssyncset.done $0x0  }
0x5c: {  	[sflag:s31] =	ssyncadd.s32 $0xFFFFE000  }
0x5d: {  	[hbm4b:s18+s2] =	stream.linear.scatter [tilespmem:s6], [sflag:$0x9], $0x2000, $0x38;
	[tilespmem:$0x9400] =	vst v63  }
0x5e: {  	_ =	swait.ge [sflag:s10], $0x2000  }
0x5f: {  	[sflag:s10] =	ssyncset.done $0x0  }
0x60: {  	[sflag:s10] =	ssyncadd.s32 $0xFFFFE000  }
0x61: {  	[hbm4b:s17+s2] =	stream.linear.scatter [tilespmem:s7], [sflag:$0xA], $0x2000, $0x38;
	[tilespmem:$0x9400] =	vst v63  }
0x62: {  	_ =	swait.ge [sflag:s11], $0x2000  }
0x63: {  	[sflag:s11] =	ssyncset.done $0x0  }
0x64: {  	[sflag:s11] =	ssyncadd.s32 $0xFFFFE000  }
0x65: {  	_ =	swait.ge [sflag:s12], $0x2000  }
0x66: {  	[sflag:s12] =	ssyncset.done $0x0  }
0x67: {  	[sflag:s12] =	ssyncadd.s32 $0xFFFFE000  }
.Ltmp0:
0x68: {  	_ =	swait.ge [sflag:s13], $0x2000;
	(pc) =	sbr.rel @p0 .LBB2_2-.Ltmp0, $4  }
0x69: {  	[sflag:s13] =	ssyncset.done $0x0  }
0x6a: {  	s23 =	smov.u32 s22;
	[sflag:s13] =	ssyncadd.s32 $0xFFFFE000  }
0x6b: {  	s20 =	sadd.s32 $0x1000, s20;
	s17 =	sadd.s32 $0x1000, s17;
	_ =	swait.ge [sflag:s14], $0x2000  }
0x6c: {  	s19 =	sadd.s32 $0x1000, s19;
	s18 =	sadd.s32 $0x1000, s18;
	[sflag:s14] =	ssyncset.done $0x0  }
0x6d: {  	s21 =	sshra.s32 s21, $0x2;
	[sflag:s14] =	ssyncadd.s32 $0xFFFFE000  }
0x6e: {  	[tilespmem:s4], [sflag:$0x3] =	stream.indirect.gather [hbm4b:s3+s0], $0x40, s21, s0, $0xb8;
	[tilespmem:$0x9400] =	vst v63  }
0x6f: {  	s22 =	sadd.s32 $0x80, s21  }
0x70: {  	[tilespmem:s5], [sflag:$0x4] =	stream.indirect.gather [hbm4b:s3+s0], $0x40, s22, s0, $0xb8;
	[tilespmem:$0x9400] =	vst v63  }
0x71: {  	s23 =	sadd.s32 $0x100, s21  }
0x72: {  	[tilespmem:s6], [sflag:$0x5] =	stream.indirect.gather [hbm4b:s3+s0], $0x40, s23, s0, $0xb8;
	[tilespmem:$0x9400] =	vst v63  }
0x73: {  	s21 =	sadd.s32 $0x180, s21  }
0x74: {  	[tilespmem:s7], [sflag:$0x6] =	stream.indirect.gather [hbm4b:s3+s0], $0x40, s21, s0, $0xb8;
	[tilespmem:$0x9400] =	vst v63  }
0x75: {  	_ =	swait.ge [sflag:s8], $0x2000  }
0x76: {  	[sflag:s8] =	ssyncset.done $0x0  }
0x77: {  	[sflag:s8] =	ssyncadd.s32 $0xFFFFE000  }
0x78: {  	[hbm4b:s20+s2] =	stream.linear.scatter [tilespmem:s4], [sflag:$0x7], $0x2000, $0x38;
	[tilespmem:$0x9400] =	vst v63  }
0x79: {  	_ =	swait.ge [sflag:s9], $0x2000  }
0x7a: {  	[sflag:s9] =	ssyncset.done $0x0  }
0x7b: {  	[sflag:s9] =	ssyncadd.s32 $0xFFFFE000  }
0x7c: {  	[hbm4b:s19+s2] =	stream.linear.scatter [tilespmem:s5], [sflag:$0x8], $0x2000, $0x38;
	[tilespmem:$0x9400] =	vst v63  }
0x7d: {  	_ =	swait.ge [sflag:s31], $0x2000  }
0x7e: {  	[sflag:s31] =	ssyncset.done $0x0  }
0x7f: {  	[sflag:s31] =	ssyncadd.s32 $0xFFFFE000  }
0x80: {  	[hbm4b:s18+s2] =	stream.linear.scatter [tilespmem:s6], [sflag:$0x9], $0x2000, $0x38;
	[tilespmem:$0x9400] =	vst v63  }
0x81: {  	_ =	swait.ge [sflag:s10], $0x2000  }
0x82: {  	[sflag:s10] =	ssyncset.done $0x0  }
0x83: {  	[sflag:s10] =	ssyncadd.s32 $0xFFFFE000  }
0x84: {  	[hbm4b:s17+s2] =	stream.linear.scatter [tilespmem:s7], [sflag:$0xA], $0x2000, $0x38;
	[tilespmem:$0x9400] =	vst v63  }
0x85: {  	_ =	swait.ge [sflag:s11], $0x2000  }
0x86: {  	[sflag:s11] =	ssyncset.done $0x0  }
0x87: {  	[sflag:s11] =	ssyncadd.s32 $0xFFFFE000  }
0x88: {  	_ =	swait.ge [sflag:s12], $0x2000  }
0x89: {  	[sflag:s12] =	ssyncset.done $0x0  }
0x8a: {  	[sflag:s12] =	ssyncadd.s32 $0xFFFFE000  }
0x8b: {  	_ =	swait.ge [sflag:s13], $0x2000  }
0x8c: {  	[sflag:s13] =	ssyncset.done $0x0  }
0x8d: {  	[sflag:s13] =	ssyncadd.s32 $0xFFFFE000  }
0x8e: {  	_ =	swait.ge [sflag:s14], $0x2000  }
0x8f: {  	[sflag:s14] =	ssyncset.done $0x0  }
0x90: {  	s24 =	simm.s32 $0x0;
	s25 =	rddreg [dreg:$0x5];
	[sflag:s14] =	ssyncadd.s32 $0xFFFFE000  }
0x91: {  	[tilespmem:s24], [sflag:$0x1] =	stream.linear.gather [hbm4b:s25+s24], $0xA00, $0x38;
	[tilespmem:$0x9400] =	vst v63  }
0x92: {  	_ =	swait.ge [sflag:s15], $0xA00  }
0x93: {  	[sflag:s15] =	ssyncset.done $0x0  }
0x94: {  	s18 =	simm.s32 $0xA00;
	[sflag:s15] =	ssyncadd.s32 $0xFFFFF600  }
0x95: {  	[tilespmem:s4], [sflag:$0x3] =	stream.indirect.gather [hbm4b:s3+s0], $0x40, s18, s0, $0xb8;
	[tilespmem:$0x9400] =	vst v63  }
0x96: {  	s19 =	simm.s32 $0xA80  }
0x97: {  	[tilespmem:s5], [sflag:$0x4] =	stream.indirect.gather [hbm4b:s3+s0], $0x40, s19, s0, $0xb8;
	[tilespmem:$0x9400] =	vst v63  }
0x98: {  	s20 =	simm.s32 $0xB00  }
0x99: {  	[tilespmem:s6], [sflag:$0x5] =	stream.indirect.gather [hbm4b:s3+s0], $0x40, s20, s0, $0xb8;
	[tilespmem:$0x9400] =	vst v63  }
0x9a: {  	s21 =	simm.s32 $0xB80  }
0x9b: {  	[tilespmem:s7], [sflag:$0x6] =	stream.indirect.gather [hbm4b:s3+s0], $0x40, s21, s0, $0xb8;
	[tilespmem:$0x9400] =	vst v63  }
0x9c: {  	_ =	swait.ge [sflag:s8], $0x2000  }
0x9d: {  	[sflag:s8] =	ssyncset.done $0x0  }
0x9e: {  	s22 =	rddreg [dreg:$0x10];
	[sflag:s8] =	ssyncadd.s32 $0xFFFFE000  }
0x9f: {  	[hbm4b:s22+s2] =	stream.linear.scatter [tilespmem:s4], [sflag:$0x7], $0x2000, $0x38;
	[tilespmem:$0x9400] =	vst v63  }
0xa0: {  	_ =	swait.ge [sflag:s9], $0x2000  }
0xa1: {  	[sflag:s9] =	ssyncset.done $0x0  }
0xa2: {  	s23 =	rddreg [dreg:$0xe];
	[sflag:s9] =	ssyncadd.s32 $0xFFFFE000  }
0xa3: {  	[hbm4b:s23+s2] =	stream.linear.scatter [tilespmem:s5], [sflag:$0x8], $0x2000, $0x38;
	[tilespmem:$0x9400] =	vst v63  }
0xa4: {  	_ =	swait.ge [sflag:s31], $0x2000  }
0xa5: {  	[sflag:s31] =	ssyncset.done $0x0  }
0xa6: {  	s24 =	rddreg [dreg:$0xd];
	[sflag:s31] =	ssyncadd.s32 $0xFFFFE000  }
0xa7: {  	[hbm4b:s24+s2] =	stream.linear.scatter [tilespmem:s6], [sflag:$0x9], $0x2000, $0x38;
	[tilespmem:$0x9400] =	vst v63  }
0xa8: {  	_ =	swait.ge [sflag:s10], $0x2000  }
0xa9: {  	[sflag:s10] =	ssyncset.done $0x0  }
0xaa: {  	s25 =	rddreg [dreg:$0xf];
	[sflag:s10] =	ssyncadd.s32 $0xFFFFE000  }
0xab: {  	[hbm4b:s25+s2] =	stream.linear.scatter [tilespmem:s7], [sflag:$0xA], $0x2000, $0x38;
	[tilespmem:$0x9400] =	vst v63  }
0xac: {  	_ =	swait.ge [sflag:s11], $0x2000  }
0xad: {  	[sflag:s11] =	ssyncset.done $0x0  }
0xae: {  	[sflag:s11] =	ssyncadd.s32 $0xFFFFE000  }
0xaf: {  	_ =	swait.ge [sflag:s12], $0x2000  }
0xb0: {  	[sflag:s12] =	ssyncset.done $0x0  }
0xb1: {  	[sflag:s12] =	ssyncadd.s32 $0xFFFFE000  }
0xb2: {  	_ =	swait.ge [sflag:s13], $0x2000  }
0xb3: {  	[sflag:s13] =	ssyncset.done $0x0  }
0xb4: {  	s21 =	simm.s32 $0x1000;
	s20 =	sadd.s32 $0x1000, s22;
	[sflag:s13] =	ssyncadd.s32 $0xFFFFE000  }
0xb5: {  	s18 =	sadd.s32 $0x1000, s23;
	s23 =	simm.s32 $0x200;
	_ =	swait.ge [sflag:s14], $0x2000  }
0xb6: {  	s19 =	sadd.s32 $0x1000, s24;
	s17 =	sadd.s32 $0x1000, s25;
	[sflag:s14] =	ssyncset.done $0x0  }
.LBB2_4:
0xb7: {  	s25 =	sadd.s32 $0xA00, s23  }
0xb8: {  	[sflag:s14] =	ssyncadd.s32 $0xFFFFE000;
	s22 =	smov.u32 s21;
	s24 =	sadd.s32 $0x800, s21  }
0xb9: {  	[tilespmem:s4], [sflag:$0x3] =	stream.indirect.gather [hbm4b:s3+s0], $0x40, s25, s0, $0xb8;
	[tilespmem:$0x9400] =	vst v63  }
0xba: {  	p0 =	sne.s32 s21, $0x2000;
	s21 =	sadd.s32 $0xA80, s23  }
0xbb: {  	[tilespmem:s5], [sflag:$0x4] =	stream.indirect.gather [hbm4b:s3+s0], $0x40, s21, s0, $0xb8;
	[tilespmem:$0x9400] =	vst v63  }
0xbc: {  	s21 =	sadd.s32 $0xB00, s23  }
0xbd: {  	[tilespmem:s6], [sflag:$0x5] =	stream.indirect.gather [hbm4b:s3+s0], $0x40, s21, s0, $0xb8;
	[tilespmem:$0x9400] =	vst v63  }
0xbe: {  	s21 =	sadd.s32 $0xB80, s23  }
0xbf: {  	[tilespmem:s7], [sflag:$0x6] =	stream.indirect.gather [hbm4b:s3+s0], $0x40, s21, s0, $0xb8;
	[tilespmem:$0x9400] =	vst v63  }
0xc0: {  	_ =	swait.ge [sflag:s8], $0x2000  }
0xc1: {  	[sflag:s8] =	ssyncset.done $0x0  }
0xc2: {  	[sflag:s8] =	ssyncadd.s32 $0xFFFFE000  }
0xc3: {  	[hbm4b:s20+s2] =	stream.linear.scatter [tilespmem:s4], [sflag:$0x7], $0x2000, $0x38;
	[tilespmem:$0x9400] =	vst v63  }
0xc4: {  	_ =	swait.ge [sflag:s9], $0x2000  }
0xc5: {  	[sflag:s9] =	ssyncset.done $0x0  }
0xc6: {  	[sflag:s9] =	ssyncadd.s32 $0xFFFFE000  }
0xc7: {  	[hbm4b:s18+s2] =	stream.linear.scatter [tilespmem:s5], [sflag:$0x8], $0x2000, $0x38;
	[tilespmem:$0x9400] =	vst v63  }
0xc8: {  	_ =	swait.ge [sflag:s31], $0x2000  }
0xc9: {  	[sflag:s31] =	ssyncset.done $0x0  }
0xca: {  	[sflag:s31] =	ssyncadd.s32 $0xFFFFE000  }
0xcb: {  	[hbm4b:s19+s2] =	stream.linear.scatter [tilespmem:s6], [sflag:$0x9], $0x2000, $0x38;
	[tilespmem:$0x9400] =	vst v63  }
0xcc: {  	_ =	swait.ge [sflag:s10], $0x2000  }
0xcd: {  	[sflag:s10] =	ssyncset.done $0x0  }
0xce: {  	[sflag:s10] =	ssyncadd.s32 $0xFFFFE000  }
0xcf: {  	[hbm4b:s17+s2] =	stream.linear.scatter [tilespmem:s7], [sflag:$0xA], $0x2000, $0x38;
	[tilespmem:$0x9400] =	vst v63  }
0xd0: {  	_ =	swait.ge [sflag:s11], $0x2000  }
0xd1: {  	[sflag:s11] =	ssyncset.done $0x0  }
0xd2: {  	[sflag:s11] =	ssyncadd.s32 $0xFFFFE000  }
0xd3: {  	_ =	swait.ge [sflag:s12], $0x2000  }
0xd4: {  	[sflag:s12] =	ssyncset.done $0x0  }
0xd5: {  	[sflag:s12] =	ssyncadd.s32 $0xFFFFE000  }
.Ltmp1:
0xd6: {  	_ =	swait.ge [sflag:s13], $0x2000;
	(pc) =	sbr.rel @p0 .LBB2_4-.Ltmp1, $4  }
0xd7: {  	[sflag:s13] =	ssyncset.done $0x0  }
0xd8: {  	s23 =	sshra.s32 s22, $0x2;
	s20 =	sadd.s32 $0x1000, s20;
	[sflag:s13] =	ssyncadd.s32 $0xFFFFE000  }
0xd9: {  	s18 =	sadd.s32 $0x1000, s18;
	s17 =	sadd.s32 $0x1000, s17;
	_ =	swait.ge [sflag:s14], $0x2000  }
0xda: {  	s21 =	smov.u32 s24;
	s19 =	sadd.s32 $0x1000, s19;
	[sflag:s14] =	ssyncset.done $0x0  }
0xdb: {  	s21 =	sadd.s32 $0xA00, s23;
	[sflag:s14] =	ssyncadd.s32 $0xFFFFE000  }
0xdc: {  	[tilespmem:s4], [sflag:$0x3] =	stream.indirect.gather [hbm4b:s3+s0], $0x40, s21, s0, $0xb8;
	[tilespmem:$0x9400] =	vst v63  }
0xdd: {  	s22 =	sadd.s32 $0xA80, s23  }
0xde: {  	[tilespmem:s5], [sflag:$0x4] =	stream.indirect.gather [hbm4b:s3+s0], $0x40, s22, s0, $0xb8;
	[tilespmem:$0x9400] =	vst v63  }
0xdf: {  	s24 =	sadd.s32 $0xB00, s23  }
0xe0: {  	[tilespmem:s6], [sflag:$0x5] =	stream.indirect.gather [hbm4b:s3+s0], $0x40, s24, s0, $0xb8;
	[tilespmem:$0x9400] =	vst v63  }
0xe1: {  	s25 =	sadd.s32 $0xB80, s23  }
0xe2: {  	[tilespmem:s7], [sflag:$0x6] =	stream.indirect.gather [hbm4b:s3+s0], $0x40, s25, s0, $0xb8;
	[tilespmem:$0x9400] =	vst v63  }
0xe3: {  	_ =	swait.ge [sflag:s8], $0x2000  }
0xe4: {  	[sflag:s8] =	ssyncset.done $0x0  }
0xe5: {  	[sflag:s8] =	ssyncadd.s32 $0xFFFFE000  }
0xe6: {  	[hbm4b:s20+s2] =	stream.linear.scatter [tilespmem:s4], [sflag:$0x7], $0x2000, $0x38;
	[tilespmem:$0x9400] =	vst v63  }
0xe7: {  	_ =	swait.ge [sflag:s9], $0x2000  }
0xe8: {  	[sflag:s9] =	ssyncset.done $0x0  }
0xe9: {  	[sflag:s9] =	ssyncadd.s32 $0xFFFFE000  }
0xea: {  	[hbm4b:s18+s2] =	stream.linear.scatter [tilespmem:s5], [sflag:$0x8], $0x2000, $0x38;
	[tilespmem:$0x9400] =	vst v63  }
0xeb: {  	_ =	swait.ge [sflag:s31], $0x2000  }
0xec: {  	[sflag:s31] =	ssyncset.done $0x0  }
0xed: {  	[sflag:s31] =	ssyncadd.s32 $0xFFFFE000  }
0xee: {  	[hbm4b:s19+s2] =	stream.linear.scatter [tilespmem:s6], [sflag:$0x9], $0x2000, $0x38;
	[tilespmem:$0x9400] =	vst v63  }
0xef: {  	_ =	swait.ge [sflag:s10], $0x2000  }
0xf0: {  	[sflag:s10] =	ssyncset.done $0x0  }
0xf1: {  	[sflag:s10] =	ssyncadd.s32 $0xFFFFE000  }
0xf2: {  	[hbm4b:s17+s2] =	stream.linear.scatter [tilespmem:s7], [sflag:$0xA], $0x2000, $0x38;
	[tilespmem:$0x9400] =	vst v63  }
0xf3: {  	_ =	swait.ge [sflag:s11], $0x2000  }
0xf4: {  	[sflag:s11] =	ssyncset.done $0x0  }
0xf5: {  	[sflag:s11] =	ssyncadd.s32 $0xFFFFE000  }
0xf6: {  	_ =	swait.ge [sflag:s12], $0x2000  }
0xf7: {  	[sflag:s12] =	ssyncset.done $0x0  }
0xf8: {  	[sflag:s12] =	ssyncadd.s32 $0xFFFFE000  }
0xf9: {  	_ =	swait.ge [sflag:s13], $0x2000  }
0xfa: {  	[sflag:s13] =	ssyncset.done $0x0  }
0xfb: {  	[sflag:s13] =	ssyncadd.s32 $0xFFFFE000  }
0xfc: {  	_ =	swait.ge [sflag:s14], $0x2000  }
0xfd: {  	s22 =	simm.s32 $0xA00;
	[sflag:s14] =	ssyncset.done $0x0  }
0xfe: {  	s20 =	simm.s32 $0x0;
	s21 =	rddreg [dreg:$0x6];
	[sflag:s14] =	ssyncadd.s32 $0xFFFFE000  }
0xff: {  	[tilespmem:s22], [sflag:$0x2] =	stream.linear.gather [hbm4b:s21+s20], $0xA00, $0x38;
	[tilespmem:$0x9400] =	vst v63  }
0x100: {  	_ =	swait.ge [sflag:s1], $0xA00  }
0x101: {  	[sflag:s1] =	ssyncset.done $0x0  }
0x102: {  	s23 =	simm.s32 $0x0;
	[sflag:s1] =	ssyncadd.s32 $0xFFFFF600  }
0x103: {  	[tilespmem:s4], [sflag:$0x3] =	stream.indirect.gather [hbm4b:s3+s0], $0x40, s23, s0, $0xb8;
	[tilespmem:$0x9400] =	vst v63  }
0x104: {  	s24 =	simm.s32 $0x80  }
0x105: {  	[tilespmem:s5], [sflag:$0x4] =	stream.indirect.gather [hbm4b:s3+s0], $0x40, s24, s0, $0xb8;
	[tilespmem:$0x9400] =	vst v63  }
0x106: {  	s25 =	simm.s32 $0x100  }
0x107: {  	[tilespmem:s6], [sflag:$0x5] =	stream.indirect.gather [hbm4b:s3+s0], $0x40, s25, s0, $0xb8;
	[tilespmem:$0x9400] =	vst v63  }
0x108: {  	s18 =	simm.s32 $0x180  }
0x109: {  	[tilespmem:s7], [sflag:$0x6] =	stream.indirect.gather [hbm4b:s3+s0], $0x40, s18, s0, $0xb8;
	[tilespmem:$0x9400] =	vst v63  }
0x10a: {  	_ =	swait.ge [sflag:s8], $0x2000  }
0x10b: {  	[sflag:s8] =	ssyncset.done $0x0  }
0x10c: {  	s19 =	rddreg [dreg:$0x14];
	[sflag:s8] =	ssyncadd.s32 $0xFFFFE000  }
0x10d: {  	[hbm4b:s19+s2] =	stream.linear.scatter [tilespmem:s4], [sflag:$0x7], $0x2000, $0x38;
	[tilespmem:$0x9400] =	vst v63  }
0x10e: {  	_ =	swait.ge [sflag:s9], $0x2000  }
0x10f: {  	[sflag:s9] =	ssyncset.done $0x0  }
0x110: {  	s22 =	rddreg [dreg:$0x12];
	[sflag:s9] =	ssyncadd.s32 $0xFFFFE000  }
0x111: {  	[hbm4b:s22+s2] =	stream.linear.scatter [tilespmem:s5], [sflag:$0x8], $0x2000, $0x38;
	[tilespmem:$0x9400] =	vst v63  }
0x112: {  	_ =	swait.ge [sflag:s31], $0x2000  }
0x113: {  	[sflag:s31] =	ssyncset.done $0x0  }
0x114: {  	s24 =	rddreg [dreg:$0x11];
	[sflag:s31] =	ssyncadd.s32 $0xFFFFE000  }
0x115: {  	[hbm4b:s24+s2] =	stream.linear.scatter [tilespmem:s6], [sflag:$0x9], $0x2000, $0x38;
	[tilespmem:$0x9400] =	vst v63  }
0x116: {  	_ =	swait.ge [sflag:s10], $0x2000  }
0x117: {  	[sflag:s10] =	ssyncset.done $0x0  }
0x118: {  	s25 =	rddreg [dreg:$0x13];
	[sflag:s10] =	ssyncadd.s32 $0xFFFFE000  }
0x119: {  	[hbm4b:s25+s2] =	stream.linear.scatter [tilespmem:s7], [sflag:$0xA], $0x2000, $0x38;
	[tilespmem:$0x9400] =	vst v63  }
0x11a: {  	_ =	swait.ge [sflag:s11], $0x2000  }
0x11b: {  	[sflag:s11] =	ssyncset.done $0x0  }
0x11c: {  	[sflag:s11] =	ssyncadd.s32 $0xFFFFE000  }
0x11d: {  	_ =	swait.ge [sflag:s12], $0x2000  }
0x11e: {  	[sflag:s12] =	ssyncset.done $0x0  }
0x11f: {  	[sflag:s12] =	ssyncadd.s32 $0xFFFFE000  }
0x120: {  	_ =	swait.ge [sflag:s13], $0x2000  }
0x121: {  	[sflag:s13] =	ssyncset.done $0x0  }
0x122: {  	s21 =	simm.s32 $0x800;
	s23 =	simm.s32 $0x1000;
	[sflag:s13] =	ssyncadd.s32 $0xFFFFE000  }
0x123: {  	s20 =	sadd.s32 $0x1000, s19;
	s19 =	sadd.s32 $0x1000, s22;
	_ =	swait.ge [sflag:s14], $0x2000  }
0x124: {  	s18 =	sadd.s32 $0x1000, s24;
	s17 =	sadd.s32 $0x1000, s25;
	[sflag:s14] =	ssyncset.done $0x0  }
.LBB2_6:
0x125: {  	s24 =	sshra.s32 s21, $0x2  }
0x126: {  	[sflag:s14] =	ssyncadd.s32 $0xFFFFE000;
	s21 =	smov.u32 s23;
	s22 =	sadd.s32 $0x800, s23  }
0x127: {  	[tilespmem:s4], [sflag:$0x3] =	stream.indirect.gather [hbm4b:s3+s0], $0x40, s24, s0, $0xb8;
	[tilespmem:$0x9400] =	vst v63  }
0x128: {  	p0 =	sne.s32 s23, $0x2000;
	s23 =	sadd.s32 $0x80, s24  }
0x129: {  	[tilespmem:s5], [sflag:$0x4] =	stream.indirect.gather [hbm4b:s3+s0], $0x40, s23, s0, $0xb8;
	[tilespmem:$0x9400] =	vst v63  }
0x12a: {  	s23 =	sadd.s32 $0x100, s24  }
0x12b: {  	[tilespmem:s6], [sflag:$0x5] =	stream.indirect.gather [hbm4b:s3+s0], $0x40, s23, s0, $0xb8;
	[tilespmem:$0x9400] =	vst v63  }
0x12c: {  	s23 =	sadd.s32 $0x180, s24  }
0x12d: {  	[tilespmem:s7], [sflag:$0x6] =	stream.indirect.gather [hbm4b:s3+s0], $0x40, s23, s0, $0xb8;
	[tilespmem:$0x9400] =	vst v63  }
0x12e: {  	_ =	swait.ge [sflag:s8], $0x2000  }
0x12f: {  	[sflag:s8] =	ssyncset.done $0x0  }
0x130: {  	[sflag:s8] =	ssyncadd.s32 $0xFFFFE000  }
0x131: {  	[hbm4b:s20+s2] =	stream.linear.scatter [tilespmem:s4], [sflag:$0x7], $0x2000, $0x38;
	[tilespmem:$0x9400] =	vst v63  }
0x132: {  	_ =	swait.ge [sflag:s9], $0x2000  }
0x133: {  	[sflag:s9] =	ssyncset.done $0x0  }
0x134: {  	[sflag:s9] =	ssyncadd.s32 $0xFFFFE000  }
0x135: {  	[hbm4b:s19+s2] =	stream.linear.scatter [tilespmem:s5], [sflag:$0x8], $0x2000, $0x38;
	[tilespmem:$0x9400] =	vst v63  }
0x136: {  	_ =	swait.ge [sflag:s31], $0x2000  }
0x137: {  	[sflag:s31] =	ssyncset.done $0x0  }
0x138: {  	[sflag:s31] =	ssyncadd.s32 $0xFFFFE000  }
0x139: {  	[hbm4b:s18+s2] =	stream.linear.scatter [tilespmem:s6], [sflag:$0x9], $0x2000, $0x38;
	[tilespmem:$0x9400] =	vst v63  }
0x13a: {  	_ =	swait.ge [sflag:s10], $0x2000  }
0x13b: {  	[sflag:s10] =	ssyncset.done $0x0  }
0x13c: {  	[sflag:s10] =	ssyncadd.s32 $0xFFFFE000  }
0x13d: {  	[hbm4b:s17+s2] =	stream.linear.scatter [tilespmem:s7], [sflag:$0xA], $0x2000, $0x38;
	[tilespmem:$0x9400] =	vst v63  }
0x13e: {  	_ =	swait.ge [sflag:s11], $0x2000  }
0x13f: {  	[sflag:s11] =	ssyncset.done $0x0  }
0x140: {  	[sflag:s11] =	ssyncadd.s32 $0xFFFFE000  }
0x141: {  	_ =	swait.ge [sflag:s12], $0x2000  }
0x142: {  	[sflag:s12] =	ssyncset.done $0x0  }
0x143: {  	[sflag:s12] =	ssyncadd.s32 $0xFFFFE000  }
.Ltmp2:
0x144: {  	_ =	swait.ge [sflag:s13], $0x2000;
	(pc) =	sbr.rel @p0 .LBB2_6-.Ltmp2, $4  }
0x145: {  	[sflag:s13] =	ssyncset.done $0x0  }
0x146: {  	s23 =	smov.u32 s22;
	[sflag:s13] =	ssyncadd.s32 $0xFFFFE000  }
0x147: {  	s20 =	sadd.s32 $0x1000, s20;
	s17 =	sadd.s32 $0x1000, s17;
	_ =	swait.ge [sflag:s14], $0x2000  }
0x148: {  	s19 =	sadd.s32 $0x1000, s19;
	s18 =	sadd.s32 $0x1000, s18;
	[sflag:s14] =	ssyncset.done $0x0  }
0x149: {  	s21 =	sshra.s32 s21, $0x2;
	[sflag:s14] =	ssyncadd.s32 $0xFFFFE000  }
0x14a: {  	[tilespmem:s4], [sflag:$0x3] =	stream.indirect.gather [hbm4b:s3+s0], $0x40, s21, s0, $0xb8;
	[tilespmem:$0x9400] =	vst v63  }
0x14b: {  	s22 =	sadd.s32 $0x80, s21  }
0x14c: {  	[tilespmem:s5], [sflag:$0x4] =	stream.indirect.gather [hbm4b:s3+s0], $0x40, s22, s0, $0xb8;
	[tilespmem:$0x9400] =	vst v63  }
0x14d: {  	s25 =	sadd.s32 $0x100, s21  }
0x14e: {  	[tilespmem:s6], [sflag:$0x5] =	stream.indirect.gather [hbm4b:s3+s0], $0x40, s25, s0, $0xb8;
	[tilespmem:$0x9400] =	vst v63  }
0x14f: {  	s21 =	sadd.s32 $0x180, s21  }
0x150: {  	[tilespmem:s7], [sflag:$0x6] =	stream.indirect.gather [hbm4b:s3+s0], $0x40, s21, s0, $0xb8;
	[tilespmem:$0x9400] =	vst v63  }
0x151: {  	_ =	swait.ge [sflag:s8], $0x2000  }
0x152: {  	[sflag:s8] =	ssyncset.done $0x0  }
0x153: {  	[sflag:s8] =	ssyncadd.s32 $0xFFFFE000  }
0x154: {  	[hbm4b:s20+s2] =	stream.linear.scatter [tilespmem:s4], [sflag:$0x7], $0x2000, $0x38;
	[tilespmem:$0x9400] =	vst v63  }
0x155: {  	_ =	swait.ge [sflag:s9], $0x2000  }
0x156: {  	[sflag:s9] =	ssyncset.done $0x0  }
0x157: {  	[sflag:s9] =	ssyncadd.s32 $0xFFFFE000  }
0x158: {  	[hbm4b:s19+s2] =	stream.linear.scatter [tilespmem:s5], [sflag:$0x8], $0x2000, $0x38;
	[tilespmem:$0x9400] =	vst v63  }
0x159: {  	_ =	swait.ge [sflag:s31], $0x2000  }
0x15a: {  	[sflag:s31] =	ssyncset.done $0x0  }
0x15b: {  	[sflag:s31] =	ssyncadd.s32 $0xFFFFE000  }
0x15c: {  	[hbm4b:s18+s2] =	stream.linear.scatter [tilespmem:s6], [sflag:$0x9], $0x2000, $0x38;
	[tilespmem:$0x9400] =	vst v63  }
0x15d: {  	_ =	swait.ge [sflag:s10], $0x2000  }
0x15e: {  	[sflag:s10] =	ssyncset.done $0x0  }
0x15f: {  	[sflag:s10] =	ssyncadd.s32 $0xFFFFE000  }
0x160: {  	[hbm4b:s17+s2] =	stream.linear.scatter [tilespmem:s7], [sflag:$0xA], $0x2000, $0x38;
	[tilespmem:$0x9400] =	vst v63  }
0x161: {  	_ =	swait.ge [sflag:s11], $0x2000  }
0x162: {  	[sflag:s11] =	ssyncset.done $0x0  }
0x163: {  	[sflag:s11] =	ssyncadd.s32 $0xFFFFE000  }
0x164: {  	_ =	swait.ge [sflag:s12], $0x2000  }
0x165: {  	[sflag:s12] =	ssyncset.done $0x0  }
0x166: {  	[sflag:s12] =	ssyncadd.s32 $0xFFFFE000  }
0x167: {  	_ =	swait.ge [sflag:s13], $0x2000  }
0x168: {  	[sflag:s13] =	ssyncset.done $0x0  }
0x169: {  	[sflag:s13] =	ssyncadd.s32 $0xFFFFE000  }
0x16a: {  	_ =	swait.ge [sflag:s14], $0x2000  }
0x16b: {  	[sflag:s14] =	ssyncset.done $0x0  }
0x16c: {  	s22 =	simm.s32 $0x0;
	s23 =	rddreg [dreg:$0x7];
	[sflag:s14] =	ssyncadd.s32 $0xFFFFE000  }
0x16d: {  	[tilespmem:s22], [sflag:$0x1] =	stream.linear.gather [hbm4b:s23+s22], $0xA00, $0x38;
	[tilespmem:$0x9400] =	vst v63  }
0x16e: {  	_ =	swait.ge [sflag:s15], $0xA00  }
0x16f: {  	[sflag:s15] =	ssyncset.done $0x0  }
0x170: {  	s24 =	simm.s32 $0xA00;
	[sflag:s15] =	ssyncadd.s32 $0xFFFFF600  }
0x171: {  	[tilespmem:s4], [sflag:$0x3] =	stream.indirect.gather [hbm4b:s3+s0], $0x40, s24, s0, $0xb8;
	[tilespmem:$0x9400] =	vst v63  }
0x172: {  	s25 =	simm.s32 $0xA80  }
0x173: {  	[tilespmem:s5], [sflag:$0x4] =	stream.indirect.gather [hbm4b:s3+s0], $0x40, s25, s0, $0xb8;
	[tilespmem:$0x9400] =	vst v63  }
0x174: {  	s18 =	simm.s32 $0xB00  }
0x175: {  	[tilespmem:s6], [sflag:$0x5] =	stream.indirect.gather [hbm4b:s3+s0], $0x40, s18, s0, $0xb8;
	[tilespmem:$0x9400] =	vst v63  }
0x176: {  	s19 =	simm.s32 $0xB80  }
0x177: {  	[tilespmem:s7], [sflag:$0x6] =	stream.indirect.gather [hbm4b:s3+s0], $0x40, s19, s0, $0xb8;
	[tilespmem:$0x9400] =	vst v63  }
0x178: {  	_ =	swait.ge [sflag:s8], $0x2000  }
0x179: {  	[sflag:s8] =	ssyncset.done $0x0  }
0x17a: {  	s20 =	rddreg [dreg:$0x18];
	[sflag:s8] =	ssyncadd.s32 $0xFFFFE000  }
0x17b: {  	[hbm4b:s20+s2] =	stream.linear.scatter [tilespmem:s4], [sflag:$0x7], $0x2000, $0x38;
	[tilespmem:$0x9400] =	vst v63  }
0x17c: {  	_ =	swait.ge [sflag:s9], $0x2000  }
0x17d: {  	[sflag:s9] =	ssyncset.done $0x0  }
0x17e: {  	s21 =	rddreg [dreg:$0x16];
	[sflag:s9] =	ssyncadd.s32 $0xFFFFE000  }
0x17f: {  	[hbm4b:s21+s2] =	stream.linear.scatter [tilespmem:s5], [sflag:$0x8], $0x2000, $0x38;
	[tilespmem:$0x9400] =	vst v63  }
0x180: {  	_ =	swait.ge [sflag:s31], $0x2000  }
0x181: {  	[sflag:s31] =	ssyncset.done $0x0  }
0x182: {  	s22 =	rddreg [dreg:$0x15];
	[sflag:s31] =	ssyncadd.s32 $0xFFFFE000  }
0x183: {  	[hbm4b:s22+s2] =	stream.linear.scatter [tilespmem:s6], [sflag:$0x9], $0x2000, $0x38;
	[tilespmem:$0x9400] =	vst v63  }
0x184: {  	_ =	swait.ge [sflag:s10], $0x2000  }
0x185: {  	[sflag:s10] =	ssyncset.done $0x0  }
0x186: {  	s25 =	rddreg [dreg:$0x17];
	[sflag:s10] =	ssyncadd.s32 $0xFFFFE000  }
0x187: {  	[hbm4b:s25+s2] =	stream.linear.scatter [tilespmem:s7], [sflag:$0xA], $0x2000, $0x38;
	[tilespmem:$0x9400] =	vst v63  }
0x188: {  	_ =	swait.ge [sflag:s11], $0x2000  }
0x189: {  	[sflag:s11] =	ssyncset.done $0x0  }
0x18a: {  	[sflag:s11] =	ssyncadd.s32 $0xFFFFE000  }
0x18b: {  	_ =	swait.ge [sflag:s12], $0x2000  }
0x18c: {  	[sflag:s12] =	ssyncset.done $0x0  }
0x18d: {  	[sflag:s12] =	ssyncadd.s32 $0xFFFFE000  }
0x18e: {  	_ =	swait.ge [sflag:s13], $0x2000  }
0x18f: {  	[sflag:s13] =	ssyncset.done $0x0  }
0x190: {  	s23 =	simm.s32 $0x200;
	s24 =	simm.s32 $0x1000;
	[sflag:s13] =	ssyncadd.s32 $0xFFFFE000  }
0x191: {  	s20 =	sadd.s32 $0x1000, s20;
	s18 =	sadd.s32 $0x1000, s21;
	_ =	swait.ge [sflag:s14], $0x2000  }
0x192: {  	s19 =	sadd.s32 $0x1000, s22;
	s17 =	sadd.s32 $0x1000, s25;
	[sflag:s14] =	ssyncset.done $0x0  }
.LBB2_8:
0x193: {  	s25 =	sadd.s32 $0xA00, s23  }
0x194: {  	[sflag:s14] =	ssyncadd.s32 $0xFFFFE000;
	s22 =	smov.u32 s24;
	s21 =	sadd.s32 $0x800, s24  }
0x195: {  	[tilespmem:s4], [sflag:$0x3] =	stream.indirect.gather [hbm4b:s3+s0], $0x40, s25, s0, $0xb8;
	[tilespmem:$0x9400] =	vst v63  }
0x196: {  	p0 =	sne.s32 s24, $0x2000;
	s24 =	sadd.s32 $0xA80, s23  }
0x197: {  	[tilespmem:s5], [sflag:$0x4] =	stream.indirect.gather [hbm4b:s3+s0], $0x40, s24, s0, $0xb8;
	[tilespmem:$0x9400] =	vst v63  }
0x198: {  	s24 =	sadd.s32 $0xB00, s23  }
0x199: {  	[tilespmem:s6], [sflag:$0x5] =	stream.indirect.gather [hbm4b:s3+s0], $0x40, s24, s0, $0xb8;
	[tilespmem:$0x9400] =	vst v63  }
0x19a: {  	s23 =	sadd.s32 $0xB80, s23  }
0x19b: {  	[tilespmem:s7], [sflag:$0x6] =	stream.indirect.gather [hbm4b:s3+s0], $0x40, s23, s0, $0xb8;
	[tilespmem:$0x9400] =	vst v63  }
0x19c: {  	_ =	swait.ge [sflag:s8], $0x2000  }
0x19d: {  	[sflag:s8] =	ssyncset.done $0x0  }
0x19e: {  	[sflag:s8] =	ssyncadd.s32 $0xFFFFE000  }
0x19f: {  	[hbm4b:s20+s2] =	stream.linear.scatter [tilespmem:s4], [sflag:$0x7], $0x2000, $0x38;
	[tilespmem:$0x9400] =	vst v63  }
0x1a0: {  	_ =	swait.ge [sflag:s9], $0x2000  }
0x1a1: {  	[sflag:s9] =	ssyncset.done $0x0  }
0x1a2: {  	[sflag:s9] =	ssyncadd.s32 $0xFFFFE000  }
0x1a3: {  	[hbm4b:s18+s2] =	stream.linear.scatter [tilespmem:s5], [sflag:$0x8], $0x2000, $0x38;
	[tilespmem:$0x9400] =	vst v63  }
0x1a4: {  	_ =	swait.ge [sflag:s31], $0x2000  }
0x1a5: {  	[sflag:s31] =	ssyncset.done $0x0  }
0x1a6: {  	[sflag:s31] =	ssyncadd.s32 $0xFFFFE000  }
0x1a7: {  	[hbm4b:s19+s2] =	stream.linear.scatter [tilespmem:s6], [sflag:$0x9], $0x2000, $0x38;
	[tilespmem:$0x9400] =	vst v63  }
0x1a8: {  	_ =	swait.ge [sflag:s10], $0x2000  }
0x1a9: {  	[sflag:s10] =	ssyncset.done $0x0  }
0x1aa: {  	[sflag:s10] =	ssyncadd.s32 $0xFFFFE000  }
0x1ab: {  	[hbm4b:s17+s2] =	stream.linear.scatter [tilespmem:s7], [sflag:$0xA], $0x2000, $0x38;
	[tilespmem:$0x9400] =	vst v63  }
0x1ac: {  	_ =	swait.ge [sflag:s11], $0x2000  }
0x1ad: {  	[sflag:s11] =	ssyncset.done $0x0  }
0x1ae: {  	[sflag:s11] =	ssyncadd.s32 $0xFFFFE000  }
0x1af: {  	_ =	swait.ge [sflag:s12], $0x2000  }
0x1b0: {  	[sflag:s12] =	ssyncset.done $0x0  }
0x1b1: {  	[sflag:s12] =	ssyncadd.s32 $0xFFFFE000  }
.Ltmp3:
0x1b2: {  	_ =	swait.ge [sflag:s13], $0x2000;
	(pc) =	sbr.rel @p0 .LBB2_8-.Ltmp3, $4  }
0x1b3: {  	[sflag:s13] =	ssyncset.done $0x0  }
0x1b4: {  	s24 =	smov.u32 s21;
	s20 =	sadd.s32 $0x1000, s20;
	[sflag:s13] =	ssyncadd.s32 $0xFFFFE000  }
0x1b5: {  	s18 =	sadd.s32 $0x1000, s18;
	s17 =	sadd.s32 $0x1000, s17;
	_ =	swait.ge [sflag:s14], $0x2000  }
0x1b6: {  	s23 =	sshra.s32 s22, $0x2;
	s19 =	sadd.s32 $0x1000, s19;
	[sflag:s14] =	ssyncset.done $0x0  }
0x1b7: {  	s21 =	sadd.s32 $0xA00, s23;
	[sflag:s14] =	ssyncadd.s32 $0xFFFFE000  }
0x1b8: {  	[tilespmem:s4], [sflag:$0x3] =	stream.indirect.gather [hbm4b:s3+s0], $0x40, s21, s0, $0xb8;
	[tilespmem:$0x9400] =	vst v63  }
0x1b9: {  	s22 =	sadd.s32 $0xA80, s23  }
0x1ba: {  	[tilespmem:s5], [sflag:$0x4] =	stream.indirect.gather [hbm4b:s3+s0], $0x40, s22, s0, $0xb8;
	[tilespmem:$0x9400] =	vst v63  }
0x1bb: {  	s24 =	sadd.s32 $0xB00, s23  }
0x1bc: {  	[tilespmem:s6], [sflag:$0x5] =	stream.indirect.gather [hbm4b:s3+s0], $0x40, s24, s0, $0xb8;
	[tilespmem:$0x9400] =	vst v63  }
0x1bd: {  	s25 =	sadd.s32 $0xB80, s23  }
0x1be: {  	[tilespmem:s7], [sflag:$0x6] =	stream.indirect.gather [hbm4b:s3+s0], $0x40, s25, s0, $0xb8;
	[tilespmem:$0x9400] =	vst v63  }
0x1bf: {  	_ =	swait.ge [sflag:s8], $0x2000  }
0x1c0: {  	[sflag:s8] =	ssyncset.done $0x0  }
0x1c1: {  	[sflag:s8] =	ssyncadd.s32 $0xFFFFE000  }
0x1c2: {  	[hbm4b:s20+s2] =	stream.linear.scatter [tilespmem:s4], [sflag:$0x7], $0x2000, $0x38;
	[tilespmem:$0x9400] =	vst v63  }
0x1c3: {  	_ =	swait.ge [sflag:s9], $0x2000  }
0x1c4: {  	[sflag:s9] =	ssyncset.done $0x0  }
0x1c5: {  	[sflag:s9] =	ssyncadd.s32 $0xFFFFE000  }
0x1c6: {  	[hbm4b:s18+s2] =	stream.linear.scatter [tilespmem:s5], [sflag:$0x8], $0x2000, $0x38;
	[tilespmem:$0x9400] =	vst v63  }
0x1c7: {  	_ =	swait.ge [sflag:s31], $0x2000  }
0x1c8: {  	[sflag:s31] =	ssyncset.done $0x0  }
0x1c9: {  	[sflag:s31] =	ssyncadd.s32 $0xFFFFE000  }
0x1ca: {  	[hbm4b:s19+s2] =	stream.linear.scatter [tilespmem:s6], [sflag:$0x9], $0x2000, $0x38;
	[tilespmem:$0x9400] =	vst v63  }
0x1cb: {  	_ =	swait.ge [sflag:s10], $0x2000  }
0x1cc: {  	[sflag:s10] =	ssyncset.done $0x0  }
0x1cd: {  	[sflag:s10] =	ssyncadd.s32 $0xFFFFE000  }
0x1ce: {  	[hbm4b:s17+s2] =	stream.linear.scatter [tilespmem:s7], [sflag:$0xA], $0x2000, $0x38;
	[tilespmem:$0x9400] =	vst v63  }
0x1cf: {  	_ =	swait.ge [sflag:s11], $0x2000  }
0x1d0: {  	[sflag:s11] =	ssyncset.done $0x0  }
0x1d1: {  	[sflag:s11] =	ssyncadd.s32 $0xFFFFE000  }
0x1d2: {  	_ =	swait.ge [sflag:s12], $0x2000  }
0x1d3: {  	[sflag:s12] =	ssyncset.done $0x0  }
0x1d4: {  	[sflag:s12] =	ssyncadd.s32 $0xFFFFE000  }
0x1d5: {  	_ =	swait.ge [sflag:s13], $0x2000  }
0x1d6: {  	[sflag:s13] =	ssyncset.done $0x0  }
0x1d7: {  	[sflag:s13] =	ssyncadd.s32 $0xFFFFE000  }
0x1d8: {  	_ =	swait.ge [sflag:s14], $0x2000  }
0x1d9: {  	[sflag:s14] =	ssyncset.done $0x0  }
0x1da: {  	[sflag:s14] =	ssyncadd.s32 $0xFFFFE000  }
0x1db: {  	_ =	swait.ge [sflag:s1], $0xA00  }
0x1dc: {  	[sflag:s1] =	ssyncset.done $0x0  }
0x1dd: {  	s22 =	simm.s32 $0x0;
	[sflag:s1] =	ssyncadd.s32 $0xFFFFF600  }
0x1de: {  	[tilespmem:s4], [sflag:$0x3] =	stream.indirect.gather [hbm4b:s3+s0], $0x40, s22, s0, $0xb8;
	[tilespmem:$0x9400] =	vst v63  }
0x1df: {  	s23 =	simm.s32 $0x80  }
0x1e0: {  	[tilespmem:s5], [sflag:$0x4] =	stream.indirect.gather [hbm4b:s3+s0], $0x40, s23, s0, $0xb8;
	[tilespmem:$0x9400] =	vst v63  }
0x1e1: {  	s24 =	simm.s32 $0x100  }
0x1e2: {  	[tilespmem:s6], [sflag:$0x5] =	stream.indirect.gather [hbm4b:s3+s0], $0x40, s24, s0, $0xb8;
	[tilespmem:$0x9400] =	vst v63  }
0x1e3: {  	s25 =	simm.s32 $0x180  }
0x1e4: {  	[tilespmem:s7], [sflag:$0x6] =	stream.indirect.gather [hbm4b:s3+s0], $0x40, s25, s0, $0xb8;
	[tilespmem:$0x9400] =	vst v63  }
0x1e5: {  	_ =	swait.ge [sflag:s8], $0x2000  }
0x1e6: {  	[sflag:s8] =	ssyncset.done $0x0  }
0x1e7: {  	[sflag:s8] =	ssyncadd.s32 $0xFFFFE000  }
0x1e8: {  	[hbm4b:s30+s2] =	stream.linear.scatter [tilespmem:s4], [sflag:$0x7], $0x2000, $0x38;
	[tilespmem:$0x9400] =	vst v63  }
0x1e9: {  	_ =	swait.ge [sflag:s9], $0x2000  }
0x1ea: {  	[sflag:s9] =	ssyncset.done $0x0  }
0x1eb: {  	[sflag:s9] =	ssyncadd.s32 $0xFFFFE000  }
0x1ec: {  	[hbm4b:s28+s2] =	stream.linear.scatter [tilespmem:s5], [sflag:$0x8], $0x2000, $0x38;
	[tilespmem:$0x9400] =	vst v63  }
0x1ed: {  	_ =	swait.ge [sflag:s31], $0x2000  }
0x1ee: {  	[sflag:s31] =	ssyncset.done $0x0  }
0x1ef: {  	[sflag:s31] =	ssyncadd.s32 $0xFFFFE000  }
0x1f0: {  	[hbm4b:s26+s2] =	stream.linear.scatter [tilespmem:s6], [sflag:$0x9], $0x2000, $0x38;
	[tilespmem:$0x9400] =	vst v63  }
0x1f1: {  	_ =	swait.ge [sflag:s10], $0x2000  }
0x1f2: {  	[sflag:s10] =	ssyncset.done $0x0  }
0x1f3: {  	[sflag:s10] =	ssyncadd.s32 $0xFFFFE000  }
0x1f4: {  	[hbm4b:s29+s2] =	stream.linear.scatter [tilespmem:s7], [sflag:$0xA], $0x2000, $0x38;
	[tilespmem:$0x9400] =	vst v63  }
0x1f5: {  	_ =	swait.ge [sflag:s11], $0x2000  }
0x1f6: {  	[sflag:s11] =	ssyncset.done $0x0  }
0x1f7: {  	[sflag:s11] =	ssyncadd.s32 $0xFFFFE000  }
0x1f8: {  	_ =	swait.ge [sflag:s12], $0x2000  }
0x1f9: {  	[sflag:s12] =	ssyncset.done $0x0  }
0x1fa: {  	[sflag:s12] =	ssyncadd.s32 $0xFFFFE000  }
0x1fb: {  	_ =	swait.ge [sflag:s13], $0x2000  }
0x1fc: {  	[sflag:s13] =	ssyncset.done $0x0  }
0x1fd: {  	s21 =	simm.s32 $0x800;
	s20 =	sadd.s32 $0x1000, s30;
	[sflag:s13] =	ssyncadd.s32 $0xFFFFE000  }
0x1fe: {  	s18 =	sadd.s32 $0x1000, s26;
	s19 =	sadd.s32 $0x1000, s28;
	_ =	swait.ge [sflag:s14], $0x2000  }
0x1ff: {  	s17 =	sadd.s32 $0x1000, s29;
	s23 =	simm.s32 $0x1000;
	[sflag:s14] =	ssyncset.done $0x0  }
.LBB2_10:
0x200: {  	s24 =	sshra.s32 s21, $0x2  }
0x201: {  	[sflag:s14] =	ssyncadd.s32 $0xFFFFE000;
	s21 =	smov.u32 s23;
	s22 =	sadd.s32 $0x800, s23  }
0x202: {  	[tilespmem:s4], [sflag:$0x3] =	stream.indirect.gather [hbm4b:s3+s0], $0x40, s24, s0, $0xb8;
	[tilespmem:$0x9400] =	vst v63  }
0x203: {  	p0 =	sne.s32 s23, $0x2000;
	s23 =	sadd.s32 $0x80, s24  }
0x204: {  	[tilespmem:s5], [sflag:$0x4] =	stream.indirect.gather [hbm4b:s3+s0], $0x40, s23, s0, $0xb8;
	[tilespmem:$0x9400] =	vst v63  }
0x205: {  	s23 =	sadd.s32 $0x100, s24  }
0x206: {  	[tilespmem:s6], [sflag:$0x5] =	stream.indirect.gather [hbm4b:s3+s0], $0x40, s23, s0, $0xb8;
	[tilespmem:$0x9400] =	vst v63  }
0x207: {  	s23 =	sadd.s32 $0x180, s24  }
0x208: {  	[tilespmem:s7], [sflag:$0x6] =	stream.indirect.gather [hbm4b:s3+s0], $0x40, s23, s0, $0xb8;
	[tilespmem:$0x9400] =	vst v63  }
0x209: {  	_ =	swait.ge [sflag:s8], $0x2000  }
0x20a: {  	[sflag:s8] =	ssyncset.done $0x0  }
0x20b: {  	[sflag:s8] =	ssyncadd.s32 $0xFFFFE000  }
0x20c: {  	[hbm4b:s20+s2] =	stream.linear.scatter [tilespmem:s4], [sflag:$0x7], $0x2000, $0x38;
	[tilespmem:$0x9400] =	vst v63  }
0x20d: {  	_ =	swait.ge [sflag:s9], $0x2000  }
0x20e: {  	[sflag:s9] =	ssyncset.done $0x0  }
0x20f: {  	[sflag:s9] =	ssyncadd.s32 $0xFFFFE000  }
0x210: {  	[hbm4b:s19+s2] =	stream.linear.scatter [tilespmem:s5], [sflag:$0x8], $0x2000, $0x38;
	[tilespmem:$0x9400] =	vst v63  }
0x211: {  	_ =	swait.ge [sflag:s31], $0x2000  }
0x212: {  	[sflag:s31] =	ssyncset.done $0x0  }
0x213: {  	[sflag:s31] =	ssyncadd.s32 $0xFFFFE000  }
0x214: {  	[hbm4b:s18+s2] =	stream.linear.scatter [tilespmem:s6], [sflag:$0x9], $0x2000, $0x38;
	[tilespmem:$0x9400] =	vst v63  }
0x215: {  	_ =	swait.ge [sflag:s10], $0x2000  }
0x216: {  	[sflag:s10] =	ssyncset.done $0x0  }
0x217: {  	[sflag:s10] =	ssyncadd.s32 $0xFFFFE000  }
0x218: {  	[hbm4b:s17+s2] =	stream.linear.scatter [tilespmem:s7], [sflag:$0xA], $0x2000, $0x38;
	[tilespmem:$0x9400] =	vst v63  }
0x219: {  	_ =	swait.ge [sflag:s11], $0x2000  }
0x21a: {  	[sflag:s11] =	ssyncset.done $0x0  }
0x21b: {  	[sflag:s11] =	ssyncadd.s32 $0xFFFFE000  }
0x21c: {  	_ =	swait.ge [sflag:s12], $0x2000  }
0x21d: {  	[sflag:s12] =	ssyncset.done $0x0  }
0x21e: {  	[sflag:s12] =	ssyncadd.s32 $0xFFFFE000  }
.Ltmp4:
0x21f: {  	_ =	swait.ge [sflag:s13], $0x2000;
	(pc) =	sbr.rel @p0 .LBB2_10-.Ltmp4, $4  }
0x220: {  	[sflag:s13] =	ssyncset.done $0x0  }
0x221: {  	s23 =	smov.u32 s22;
	[sflag:s13] =	ssyncadd.s32 $0xFFFFE000  }
0x222: {  	s20 =	sadd.s32 $0x1000, s20;
	s17 =	sadd.s32 $0x1000, s17;
	_ =	swait.ge [sflag:s14], $0x2000  }
0x223: {  	s19 =	sadd.s32 $0x1000, s19;
	s18 =	sadd.s32 $0x1000, s18;
	[sflag:s14] =	ssyncset.done $0x0  }
0x224: {  	s21 =	sshra.s32 s21, $0x2;
	[sflag:s14] =	ssyncadd.s32 $0xFFFFE000  }
0x225: {  	[tilespmem:s4], [sflag:$0x3] =	stream.indirect.gather [hbm4b:s3+s0], $0x40, s21, s0, $0xb8;
	[tilespmem:$0x9400] =	vst v63  }
0x226: {  	s22 =	sadd.s32 $0x80, s21  }
0x227: {  	[tilespmem:s5], [sflag:$0x4] =	stream.indirect.gather [hbm4b:s3+s0], $0x40, s22, s0, $0xb8;
	[tilespmem:$0x9400] =	vst v63  }
0x228: {  	s24 =	sadd.s32 $0x100, s21  }
0x229: {  	[tilespmem:s6], [sflag:$0x5] =	stream.indirect.gather [hbm4b:s3+s0], $0x40, s24, s0, $0xb8;
	[tilespmem:$0x9400] =	vst v63  }
0x22a: {  	s21 =	sadd.s32 $0x180, s21  }
0x22b: {  	[tilespmem:s7], [sflag:$0x6] =	stream.indirect.gather [hbm4b:s3+s0], $0x40, s21, s0, $0xb8;
	[tilespmem:$0x9400] =	vst v63  }
0x22c: {  	_ =	swait.ge [sflag:s8], $0x2000  }
0x22d: {  	[sflag:s8] =	ssyncset.done $0x0  }
0x22e: {  	[sflag:s8] =	ssyncadd.s32 $0xFFFFE000  }
0x22f: {  	[hbm4b:s20+s2] =	stream.linear.scatter [tilespmem:s4], [sflag:$0x7], $0x2000, $0x38;
	[tilespmem:$0x9400] =	vst v63  }
0x230: {  	_ =	swait.ge [sflag:s9], $0x2000  }
0x231: {  	[sflag:s9] =	ssyncset.done $0x0  }
0x232: {  	[sflag:s9] =	ssyncadd.s32 $0xFFFFE000  }
0x233: {  	[hbm4b:s19+s2] =	stream.linear.scatter [tilespmem:s5], [sflag:$0x8], $0x2000, $0x38;
	[tilespmem:$0x9400] =	vst v63  }
0x234: {  	_ =	swait.ge [sflag:s31], $0x2000  }
0x235: {  	[sflag:s31] =	ssyncset.done $0x0  }
0x236: {  	[sflag:s31] =	ssyncadd.s32 $0xFFFFE000  }
0x237: {  	[hbm4b:s18+s2] =	stream.linear.scatter [tilespmem:s6], [sflag:$0x9], $0x2000, $0x38;
	[tilespmem:$0x9400] =	vst v63  }
0x238: {  	_ =	swait.ge [sflag:s10], $0x2000  }
0x239: {  	[sflag:s10] =	ssyncset.done $0x0  }
0x23a: {  	[sflag:s10] =	ssyncadd.s32 $0xFFFFE000  }
0x23b: {  	[hbm4b:s17+s2] =	stream.linear.scatter [tilespmem:s7], [sflag:$0xA], $0x2000, $0x38;
	[tilespmem:$0x9400] =	vst v63  }
0x23c: {  	_ =	swait.ge [sflag:s11], $0x2000  }
0x23d: {  	[sflag:s11] =	ssyncset.done $0x0  }
0x23e: {  	[sflag:s11] =	ssyncadd.s32 $0xFFFFE000  }
0x23f: {  	_ =	swait.ge [sflag:s12], $0x2000  }
0x240: {  	[sflag:s12] =	ssyncset.done $0x0  }
0x241: {  	[sflag:s12] =	ssyncadd.s32 $0xFFFFE000  }
0x242: {  	_ =	swait.ge [sflag:s13], $0x2000  }
0x243: {  	[sflag:s13] =	ssyncset.done $0x0  }
0x244: {  	[sflag:s13] =	ssyncadd.s32 $0xFFFFE000  }
0x245: {  	_ =	swait.ge [sflag:s14], $0x2000  }
0x246: {  	s16 =	sadd.s32 $0x1, s16;
	s25 =	rddreg [dreg:$0x8]  }
0x247: {  	p0 =	sne.s32 s16, s25  }
.Ltmp5:
0x248: {  	_ = 	snop;
	(pc) =	sbr.rel @p0 .LBB2_1-.Ltmp5, $3  }
0x249: {  	_ =	sdelay $0x1  }
0x24a: {  	[sflag:s14] =	ssyncset.done $0x0  }
0x24b: {  	[sflag:s14] =	ssyncadd.s32 $0xFFFFE000  }
0x24c: {  	_ =	sfence.sel $0x180000  }
0x24d: {  	[bflag:$0x0] =	sbarrier.arrive $0xFFFF  }
0x24e: {  	_ =	strace $0x9000004A  }
0x24f: {  	s0 =	stileid.u32;
	[bflag:$0x2] =	sbarrier.arrive $0xFFFF  }
0x250: {  	p0 =	sne.s32 s0, $0x0;
	s0 =	rddreg [dreg:$0x2]  }
0x251: {  	s0 =	sadd.s32 @!p0 $0x100000, s0  }
0x252: {  	[sflag:s0] =	ssyncadd.tile.s32 @!p0 $0x1;
	_ =	shalt  }
.Lfunc_end2:
_tile_overlayer_lowered:
.L_overlay_start_2:
0x253: {  	(tag) =	ssettag $0x2  }
0x254: {  	s0 =	rddreg [dreg:$0x0];
	s2 =	stileid.u32  }
0x255: {  	s1 =	rddreg [dreg:$0x1];
	p0 =	sne.s32 s2, $0x0  }
0x256: {  	s3 =	rddreg [dreg:$0x2];
	[bflag:$0x3] =	sbarrier.arrive $0xFFFF;
	s2 =	simm.s32 @!p0 $0x1C0B  }
0x257: {  	[timem:s3], [sflag:s2] =	dma.local @!p0 [hbm:s0], s1  }
0x258: {  	s0 =	simm.s32 @!p0 $0xB  }
0x259: {  	_ =	swait.ge @!p0 [sflag:s0], s1  }
0x25a: {  	s1 =	ssub.s32 @!p0 $0x0, s1;
	[sflag:s0] =	ssyncset.done @!p0 $0x0  }
0x25b: {  	[sflag:s0] =	ssyncadd.s32 @!p0 s1  }
0x25c: {  	[bflag:$0x3] =	sbarrier.arrive $0xFFFF  }
0x25d: {  	_ =	shalt  }

// kernel: kernel.7.cloned.1.call-start
scs
__scs_entry_jumppad:
0x0: {  	(pc) =	sbr.rel $0x88, $3  }
0x1: {  	(tag) =	ssettag $0x0;
	lr =	simm.s32 $0x1  }
0x2: {  	[smem:$0x3F9F] =	sst lr;
	_ =	strace $0xD0000000  }
0x3: {  	_ = 	snop  }
0x4: {  	_ = 	snop  }
0x5: {  	_ = 	snop  }
0x6: {  	_ = 	snop  }
0x7: {  	_ = 	snop  }
__scs_overlays_trampoline_lowered:
0x8: {  	[smem:$0x3FAE] =	sst s0  }
0x9: {  	[smem:$0x3FAF] =	sst s1  }
0xa: {  	[smem:$0x3FB0] =	sst s2  }
0xb: {  	[smem:$0x3FB1] =	sst s3  }
0xc: {  	[smem:$0x3FB2] =	sst s4  }
0xd: {  	[smem:$0x3FB3] =	sst s5  }
0xe: {  	[smem:$0x3FB4] =	sst s6  }
0xf: {  	[smem:$0x3FB5] =	sst s7  }
0x10: {  	[smem:$0x3FB6] =	sst s8  }
0x11: {  	[smem:$0x3FB7] =	sst s9;
	s0 =	simm.s32 @!p0 $0x0  }
0x12: {  	s1 =	sld [smem:$0x3F9D];
	s0 =	simm.s32 @p0 $0x1  }
0x13: {  	[smem:$0x3FB8] =	sst s0;
	s0 =	simm.s32 @!p1 $0x0  }
0x14: {  	s2 =	sld [smem:$0x3F9C];
	s0 =	simm.s32 @p1 $0x1  }
0x15: {  	[smem:$0x3FB9] =	sst s0;
	s0 =	simm.s32 @!p2 $0x0  }
0x16: {  	s3 =	sld [smem:$0x3FDB];
	s0 =	simm.s32 @p2 $0x1  }
0x17: {  	s4 =	simm.s32 $0x1BF5;
	[smem:$0x3FBB] =	sst s0  }
0x18: {  	s0 =	sld [smem:$0x3F9E];
	_ =	swait.ge [sflag:s4], $0x0  }
0x19: {  	s7 =	sld [smem:$0x3F9F]  }
0x1a: {  	s8 =	sadd.s32 $0xFFFFE003, lr  }
0x1b: {  	s9 =	sadd.s32 $0xFFFFFEF7, lr;
	s5 =	simm.s32 $0xFFFFFFFF;
	p2 =	slt.u32 s8, $0xFFFFF086  }
0x1c: {  	p1 =	slt.u32 s9, $0xF7A;
	s5 =	simm.s32 @!p2 $0x0  }
0x1d: {  	s5 =	simm.s32 @p1 $0x1;
	p0 =	seq.s32 s7, s2  }
0x1e: {  	s7 =	smul.u32 @!p0 $0xF7A, s2;
	p2 =	seq.s32 @!p0 s5, $0x0  }
0x1f: {  	s9 =	smul.u32 $0xF7A, s1;
	s8 =	simm.s32 @!p0 $0x1BF5;
	p2 =	por !p2, p0  }
0x20: {  	[sflag:s8] =	ssyncset.s32 @!p0 $0xFFFFF086;
	s6 =	sadd.s32 @!p0 s3, s7;
	s7 =	simm.s32 @!p0 $0x108  }
0x21: {  	s3 =	sadd.s32 s3, s9;
	s6 =	sadd.s32 @!p0 $0x88, s6;
	s7 =	simm.s32 @p2 $0x1082  }
0x22: {  	[simem:s7], [sflag:s8] =	dma.local @!p0 [hbm:s6], $0xF7A  }
0x23: {  	s9 =	sor.u32 $0xD0000000, s2;
	s6 =	simm.s32 $0x108;
	_ =	swait.ge @!p0 [sflag:s8], $0x0  }
0x24: {  	s3 =	sadd.s32 $0x88, s3;
	s6 =	simm.s32 @!p1 $0x1082;
	[sflag:s4] =	ssyncset.s32 $0xFFFFF086  }
0x25: {  	[simem:s6], [sflag:s4] =	dma.local [hbm:s3], $0xF7A  }
0x26: {  	[smem:$0x3F9F] =	sst s1;
	(tag) =	ssettag s2;
	_ =	strace s9  }
0x27: {  	s1 =	sld [smem:$0x3FAF]  }
0x28: {  	s2 =	sld [smem:$0x3FB0]  }
0x29: {  	s4 =	sld [smem:$0x3FB2]  }
0x2a: {  	p0 =	seq.s32 s5, $0x0;
	s5 =	sld [smem:$0x3FB3]  }
0x2b: {  	s6 =	sld [smem:$0x3FB4]  }
0x2c: {  	s7 =	sld [smem:$0x3FB5]  }
0x2d: {  	s3 =	simm.s32 $0x108;
	s8 =	sld [smem:$0x3FB6]  }
0x2e: {  	s3 =	simm.s32 @!p0 $0x1082;
	s9 =	sld [smem:$0x3FB7]  }
0x2f: {  	lr =	sadd.s32 s0, s3;
	s0 =	sld [smem:$0x3FAE]  }
0x30: {  	s3 =	sld [smem:$0x3FB1]  }
0x31: {  	[smem:$0x3FBA] =	sst s10  }
0x32: {  	s10 =	sld [smem:$0x3FB8];
	_ =	sdelay $0x3  }
0x33: {  	p0 =	seq.s32 s10, $0x1;
	s10 =	sld [smem:$0x3FBA];
	_ =	sdelay $0x3  }
0x34: {  	[smem:$0x3FBA] =	sst s10  }
0x35: {  	s10 =	sld [smem:$0x3FB9];
	_ =	sdelay $0x3  }
0x36: {  	p1 =	seq.s32 s10, $0x1;
	s10 =	sld [smem:$0x3FBA];
	_ =	sdelay $0x3  }
0x37: {  	[smem:$0x3FBA] =	sst s10  }
0x38: {  	s10 =	sld [smem:$0x3FBB]  }
0x39: {  	_ = 	snop;
	(pc) =	sbr.ind lr, $3  }
0x3a: {  	_ = 	snop  }
0x3b: {  	_ = 	snop  }
0x3c: {  	p2 =	seq.s32 s10, $0x1;
	s10 =	sld [smem:$0x3FBA]  }
0x3d: {  	_ =	shalt  }
0x3e: {  	_ =	shalt  }
0x3f: {  	_ =	shalt  }
0x40: {  	_ =	shalt  }
0x41: {  	_ =	shalt  }
0x42: {  	_ =	shalt  }
0x43: {  	_ =	shalt  }
0x44: {  	_ =	shalt  }
0x45: {  	_ =	shalt  }
0x46: {  	_ =	shalt  }
0x47: {  	_ =	shalt  }
0x48: {  	_ =	shalt  }
0x49: {  	_ =	shalt  }
0x4a: {  	_ =	shalt  }
0x4b: {  	_ =	shalt  }
0x4c: {  	_ =	shalt  }
0x4d: {  	_ =	shalt  }
0x4e: {  	_ =	shalt  }
0x4f: {  	_ =	shalt  }
0x50: {  	_ =	shalt  }
0x51: {  	_ =	shalt  }
0x52: {  	_ =	shalt  }
0x53: {  	_ =	shalt  }
0x54: {  	_ =	shalt  }
0x55: {  	_ =	shalt  }
0x56: {  	_ =	shalt  }
0x57: {  	_ =	shalt  }
0x58: {  	_ =	shalt  }
0x59: {  	_ =	shalt  }
0x5a: {  	_ =	shalt  }
0x5b: {  	_ =	shalt  }
0x5c: {  	_ =	shalt  }
0x5d: {  	_ =	shalt  }
0x5e: {  	_ =	shalt  }
0x5f: {  	_ =	shalt  }
0x60: {  	_ =	shalt  }
0x61: {  	_ =	shalt  }
0x62: {  	_ =	shalt  }
0x63: {  	_ =	shalt  }
0x64: {  	_ =	shalt  }
0x65: {  	_ =	shalt  }
0x66: {  	_ =	shalt  }
0x67: {  	_ =	shalt  }
0x68: {  	_ =	shalt  }
0x69: {  	_ =	shalt  }
0x6a: {  	_ =	shalt  }
0x6b: {  	_ =	shalt  }
0x6c: {  	_ =	shalt  }
0x6d: {  	_ =	shalt  }
0x6e: {  	_ =	shalt  }
0x6f: {  	_ =	shalt  }
0x70: {  	_ =	shalt  }
0x71: {  	_ =	shalt  }
0x72: {  	_ =	shalt  }
0x73: {  	_ =	shalt  }
0x74: {  	_ =	shalt  }
0x75: {  	_ =	shalt  }
0x76: {  	_ =	shalt  }
0x77: {  	_ =	shalt  }
0x78: {  	_ =	shalt  }
0x79: {  	_ =	shalt  }
0x7a: {  	_ =	shalt  }
0x7b: {  	_ =	shalt  }
0x7c: {  	_ =	shalt  }
0x7d: {  	_ =	shalt  }
0x7e: {  	_ =	shalt  }
0x7f: {  	_ =	shalt  }
0x80: {  	_ =	shalt  }
0x81: {  	_ =	shalt  }
0x82: {  	_ =	shalt  }
0x83: {  	_ =	shalt  }
0x84: {  	_ =	shalt  }
0x85: {  	_ =	shalt  }
0x86: {  	_ =	shalt  }
0x87: {  	_ =	shalt  }
.Lfunc_end0:
.L_simem_size_0:
called_computation.3_lowered:
.L_overlay_start_0:
0x88: {  	s2 =	sld [smem:$0x3FD9]  }
0x89: {  	s3 =	sld [smem:$0x3FFE];
	_ =	sdelay $0x1  }
0x8a: {  	s1 =	srdreg.scid  }
0x8b: {  	s0 =	sand.u32 $0x1, s1  }
0x8c: {  	s16 =	sshll.u32 s0, $0xA;
	s2 =	sadd.s32 s3, s2  }
0x8d: {  	s2 =	sadd.s32 s2, s16  }
0x8e: {  	[smem:$0x3FC6] =	sst s2  }
0x8f: {  	_ = 	snop  }
0x90: {  	(tm) =	ssettm $0x1  }
0x91: {  	s17 =	sld [smem:$0x3FFB];
	_ =	sdelay $0x3  }
0x92: {  	_ =	strace s17  }
0x93: {  	s2 =	sld [smem:$0x3FFC];
	_ =	sdelay $0x3  }
0x94: {  	_ =	strace s2  }
0x95: {  	s2 =	sld [smem:$0x3FFD];
	_ =	sdelay $0x3  }
0x96: {  	_ =	strace s2  }
0x97: {  	_ =	strace $0x8FFFFFFF  }
0x98: {  	s18 =	sld [smem:$0x3FDB];
	_ =	sdelay $0x1  }
0x99: {  	s19 =	simm.s32 $_scs_section_size  }
0x9a: {  	s4 =	simm.s32 $_size__tile_overlayer_lowered;
	s5 =	simm.s32 $_tile_overlayer_lowered  }
0x9b: {  	s22 =	simm.s32 $0x1BFF;
	s21 =	sshll.u32 s5, $0x1;
	s2 =	sadd.s32 s19, s18  }
0x9c: {  	s6 =	simm.s32 $0x0;
	s20 =	sshll.u32 s4, $0x1;
	s4 =	sadd.s32 s21, s2  }
0x9d: {  	[timem:s6], [sflag:s22] =	dma.local [hbm:s4], s20  }
0x9e: {  	_ =	swait.ge [sflag:s22], s20  }
0x9f: {  	s3 =	ssub.s32 $0x0, s20;
	[sflag:s22] =	ssyncset.done $0x0  }
0xa0: {  	[sflag:s22] =	ssyncadd.s32 s3;
	_ =	sdelay $0x1  }
0xa1: {  	s23 =	simm.s32 $0x1B8B  }
0xa2: {  	_ =	swait.ge [sflag:s23], $0x1  }
0xa3: {  	[sflag:s23] =	ssyncset.done $0x0  }
0xa4: {  	s25 =	simm.s32 $0x1B8E;
	s24 =	sld [smem:$0x3FFE];
	[sflag:s23] =	ssyncadd.s32 $0xFFFFFFFF  }
0xa5: {  	s26 =	simm.s32 $execute0_lowered;
	[smem:$0x3FD2] =	sst s25  }
0xa6: {  	s4 =	sshll.u32 s26, $0x1;
	_ =	strace $0x80000046;
	[dreg:$0x1] =	wrdreg $0xFFFFFFFF  }
0xa7: {  	s28 =	simm.s32 $_size_execute0_lowered;
	s2 =	sadd.s32 s2, s4;
	[dreg:$0x0] =	wrdreg $0x0  }
0xa8: {  	s4 =	sshll.u32 s28, $0x1;
	[dreg:$0x2] =	wrdreg s2  }
0xa9: {  	[dreg:$0x3] =	wrdreg s4  }
0xaa: {  	[dreg:$0x4] =	wrdreg $0xC0  }
0xab: {  	_ =	task [dreg:s6], $0x5FFFF  }
0xac: {  	[dreg:$0x1] =	wrdreg $0xFFFFFFFF  }
0xad: {  	[dreg:$0x0] =	wrdreg $0x60  }
0xae: {  	[dreg:$0x2] =	wrdreg s24  }
0xaf: {  	[dreg:$0x3] =	wrdreg $0x9  }
0xb0: {  	_ =	task.clear_ibuf [dreg:s6], $0x4FFFF;
	_ =	strace $0x90000046  }
0xb1: {  	s29 =	simm.s32 $0x9;
	_ =	strace $0x80000048  }
0xb2: {  	_ =	swait.ge [sflag:s29], $0x1  }
0xb3: {  	[sflag:s29] =	ssyncadd.s32 $0xFFFFFFFF  }
0xb4: {  	_ =	strace $0x90000048  }
0xb5: {  	_ =	sfence  }
0xb6: {  	s30 =	sld [smem:$0x0];
	_ =	sdelay $0x2  }
0xb7: {  	s31 =	sshll.u32 s1, $0xD;
	s1 =	sshrl.u32 s1, $0x2  }
0xb8: {  	s3 =	sand.u32 $0x4000, s31;
	s1 =	sadd.s32 s1, s30  }
0xb9: {  	s0 =	sor.u32 s3, s0;
	s1 =	sshll.u32 s1, $0x11  }
0xba: {  	s0 =	sor.u32 s1, s0  }
0xbb: {  	s0 =	sadd.s32 $0x8F2B, s0  }
0xbc: {  	[sflag:s0] =	ssyncadd.remote.s32 $0x1  }
0xbd: {  	_ =	sfence.sel $0xFFFF  }
0xbe: {  	[dreg:$0x0] =	wrdreg $0xFFFFFFFF;
	(pc) =	sbr.abs _section_cstart, $3  }
0xbf: {  	[dreg:$0x1] =	wrdreg $0xFFFFFFFF  }
0xc0: {  	_ =	task.clear_ibuf [dreg:s6], $0x2FFFF;
	_ =	strace $0x9FFFFFFF  }
0xc1: {  	(tm) =	ssettm $0x7FFFFFFF  }
tec
execute0_lowered:
.L_overlay_start_1:
0x0: {  	(tag) =	ssettag $0x1  }
0x1: {  	s0 =	srdreg.scid;
	s9 =	stileid.u32  }
0x2: {  	s0 =	sand.u32 $0x1, s0;
	s1 =	sshll.u32 s9, $0x1  }
0x3: {  	s4 =	rddreg [dreg:$0x0];
	s1 =	sor.u32 s0, s1  }
0x4: {  	s2 =	simm.s32 $0x0;
	s5 =	ssub.s32 $0x2, s0;
	s1 =	smul.u32 $0x3200, s1  }
0x5: {  	[smem:$0x7FF] =	sst s2;
	s6 =	smul.u32 $0x6400, s9;
	s7 =	sshrl.u32 s5, $0x1  }
0x6: {  	s3 =	sadd.s32 $0xF43A00, s4;
	s5 =	ssub.s32 s5, s7;
	s1 =	sshrl.u32 s1, $0x3  }
0x7: {  	s8 =	smul.u32 $0x3200, s0;
	s5 =	smax.u32 s5, $0x1;
	s1 =	sadd.s32 s1, s4  }
0x8: {  	_ =	strace $0x80000047;
	[dreg:$0x7] =	wrdreg s5;
	s24 =	sadd.s32 $0x1600, s1  }
0x9: {  	s6 =	sadd.s32 s8, s6;
	s25 =	sadd.s32 $0x1740, s1;
	[dreg:$0x2] =	wrdreg s24  }
0xa: {  	s6 =	sshll.u32 s6, $0x3;
	s26 =	sadd.s32 $0x1880, s1;
	[dreg:$0x3] =	wrdreg s25  }
0xb: {  	s4 =	sadd.s32 $0xDE00, s4;
	s8 =	sadd.s32 $0x19C0, s1;
	[dreg:$0x4] =	wrdreg s26  }
0xc: {  	s1 =	sadd.s32 $0x1B00, s1;
	s11 =	sadd.s32 s4, s6;
	[dreg:$0x5] =	wrdreg s8  }
0xd: {  	s10 =	smul.u32 $0x32000, s9;
	[dreg:$0x6] =	wrdreg s1;
	s12 =	sadd.s32 $0x800, s11  }
0xe: {  	s0 =	smul.u32 $0x19000, s0;
	s13 =	sadd.s32 $0x400, s11;
	[dreg:$0x8] =	wrdreg s12  }
0xf: {  	s4 =	sadd.s32 s10, s4;
	s14 =	sadd.s32 $0xC00, s11;
	[dreg:$0x9] =	wrdreg s13  }
0x10: {  	s0 =	sadd.s32 s0, s4;
	[dreg:$0xa] =	wrdreg s14  }
0x11: {  	s31 =	simm.s32 $0x5;
	s15 =	sadd.s32 $0x5800, s11;
	[dreg:$0xb] =	wrdreg s0  }
0x12: {  	s9 =	simm.s32 $0x4;
	s16 =	sadd.s32 $0x5400, s11;
	[dreg:$0xc] =	wrdreg s15  }
0x13: {  	s7 =	simm.s32 $0x7400;
	s17 =	sadd.s32 $0x5C00, s11;
	[dreg:$0xd] =	wrdreg s16  }
0x14: {  	s5 =	simm.s32 $0x3400;
	s18 =	sadd.s32 $0x5000, s11;
	[dreg:$0xe] =	wrdreg s17  }
0x15: {  	s6 =	simm.s32 $0x5400;
	s19 =	sadd.s32 $0xA800, s11;
	[dreg:$0xf] =	wrdreg s18  }
0x16: {  	s10 =	simm.s32 $0x6;
	s20 =	sadd.s32 $0xA400, s11;
	[dreg:$0x10] =	wrdreg s19  }
0x17: {  	s21 =	sadd.s32 $0xAC00, s11;
	s22 =	sadd.s32 $0xA000, s11;
	[dreg:$0x11] =	wrdreg s20  }
0x18: {  	s23 =	sadd.s32 $0xF800, s11;
	s24 =	sadd.s32 $0xF400, s11;
	[dreg:$0x12] =	wrdreg s21  }
0x19: {  	s25 =	sadd.s32 $0xFC00, s11;
	s26 =	sadd.s32 $0xF000, s11;
	[dreg:$0x13] =	wrdreg s22  }
0x1a: {  	s28 =	sadd.s32 $0x14400, s11;
	s29 =	sadd.s32 $0x14C00, s11;
	[dreg:$0x14] =	wrdreg s23  }
0x1b: {  	s30 =	sadd.s32 $0x14000, s11;
	s1 =	simm.s32 $0x1;
	[dreg:$0x15] =	wrdreg s24  }
0x1c: {  	s4 =	simm.s32 $0x1400;
	s8 =	simm.s32 $0x3;
	[dreg:$0x16] =	wrdreg s25  }
0x1d: {  	[dreg:$0x17] =	wrdreg s26;
	s26 =	sadd.s32 $0x14800, s11;
	s0 =	simm.s32 $0x80  }
0x1e: {  	s11 =	simm.s32 $0x7;
	s12 =	simm.s32 $0x8;
	s13 =	simm.s32 $0x9  }
0x1f: {  	s14 =	simm.s32 $0xA;
	s15 =	simm.s32 $0x2;
	s16 =	simm.s32 $0x0  }
.LBB2_1:
0x20: {  	s17 =	rddreg [dreg:$0x2]  }
0x21: {  	[tilespmem:s2], [sflag:$0x1] =	stream.linear.gather [hbm4b:s17+s2], $0xA00, $0x38;
	[tilespmem:$0x9400] =	vst v63  }
0x22: {  	s19 =	rddreg [dreg:$0x3];
	s18 =	simm.s32 $0xA00  }
0x23: {  	[tilespmem:s18], [sflag:$0x2] =	stream.linear.gather [hbm4b:s19+s2], $0xA00, $0x38;
	[tilespmem:$0x9400] =	vst v63  }
0x24: {  	_ =	swait.ge [sflag:s1], $0xA00  }
0x25: {  	[sflag:s1] =	ssyncset.done $0x0  }
0x26: {  	s20 =	simm.s32 $0x0;
	[sflag:s1] =	ssyncadd.s32 $0xFFFFF600  }
0x27: {  	[tilespmem:s4], [sflag:$0x3] =	stream.indirect.gather [hbm4b:s3+s0], $0x40, s20, s0, $0xb8;
	[tilespmem:$0x9400] =	vst v63  }
0x28: {  	s21 =	simm.s32 $0x80  }
0x29: {  	[tilespmem:s5], [sflag:$0x4] =	stream.indirect.gather [hbm4b:s3+s0], $0x40, s21, s0, $0xb8;
	[tilespmem:$0x9400] =	vst v63  }
0x2a: {  	s22 =	simm.s32 $0x100  }
0x2b: {  	[tilespmem:s6], [sflag:$0x5] =	stream.indirect.gather [hbm4b:s3+s0], $0x40, s22, s0, $0xb8;
	[tilespmem:$0x9400] =	vst v63  }
0x2c: {  	s23 =	simm.s32 $0x180  }
0x2d: {  	[tilespmem:s7], [sflag:$0x6] =	stream.indirect.gather [hbm4b:s3+s0], $0x40, s23, s0, $0xb8;
	[tilespmem:$0x9400] =	vst v63  }
0x2e: {  	_ =	swait.ge [sflag:s8], $0x2000  }
0x2f: {  	[sflag:s8] =	ssyncset.done $0x0  }
0x30: {  	s20 =	rddreg [dreg:$0xb];
	[sflag:s8] =	ssyncadd.s32 $0xFFFFE000  }
0x31: {  	[hbm4b:s20+s2] =	stream.linear.scatter [tilespmem:s4], [sflag:$0x7], $0x2000, $0x38;
	[tilespmem:$0x9400] =	vst v63  }
0x32: {  	_ =	swait.ge [sflag:s9], $0x2000  }
0x33: {  	[sflag:s9] =	ssyncset.done $0x0  }
0x34: {  	s19 =	rddreg [dreg:$0x9];
	[sflag:s9] =	ssyncadd.s32 $0xFFFFE000  }
0x35: {  	[hbm4b:s19+s2] =	stream.linear.scatter [tilespmem:s5], [sflag:$0x8], $0x2000, $0x38;
	[tilespmem:$0x9400] =	vst v63  }
0x36: {  	_ =	swait.ge [sflag:s31], $0x2000  }
0x37: {  	[sflag:s31] =	ssyncset.done $0x0  }
0x38: {  	s24 =	rddreg [dreg:$0x8];
	[sflag:s31] =	ssyncadd.s32 $0xFFFFE000  }
0x39: {  	[hbm4b:s24+s2] =	stream.linear.scatter [tilespmem:s6], [sflag:$0x9], $0x2000, $0x38;
	[tilespmem:$0x9400] =	vst v63  }
0x3a: {  	_ =	swait.ge [sflag:s10], $0x2000  }
0x3b: {  	[sflag:s10] =	ssyncset.done $0x0  }
0x3c: {  	s25 =	rddreg [dreg:$0xa];
	[sflag:s10] =	ssyncadd.s32 $0xFFFFE000  }
0x3d: {  	[hbm4b:s25+s2] =	stream.linear.scatter [tilespmem:s7], [sflag:$0xA], $0x2000, $0x38;
	[tilespmem:$0x9400] =	vst v63  }
0x3e: {  	_ =	swait.ge [sflag:s11], $0x2000  }
0x3f: {  	[sflag:s11] =	ssyncset.done $0x0  }
0x40: {  	[sflag:s11] =	ssyncadd.s32 $0xFFFFE000  }
0x41: {  	_ =	swait.ge [sflag:s12], $0x2000  }
0x42: {  	[sflag:s12] =	ssyncset.done $0x0  }
0x43: {  	[sflag:s12] =	ssyncadd.s32 $0xFFFFE000  }
0x44: {  	_ =	swait.ge [sflag:s13], $0x2000  }
0x45: {  	[sflag:s13] =	ssyncset.done $0x0  }
0x46: {  	s21 =	simm.s32 $0x800;
	s23 =	simm.s32 $0x1000;
	[sflag:s13] =	ssyncadd.s32 $0xFFFFE000  }
0x47: {  	s20 =	sadd.s32 $0x1000, s20;
	s19 =	sadd.s32 $0x1000, s19;
	_ =	swait.ge [sflag:s14], $0x2000  }
0x48: {  	s18 =	sadd.s32 $0x1000, s24;
	s17 =	sadd.s32 $0x1000, s25;
	[sflag:s14] =	ssyncset.done $0x0  }
.LBB2_2:
0x49: {  	s24 =	sshra.s32 s21, $0x2  }
0x4a: {  	[sflag:s14] =	ssyncadd.s32 $0xFFFFE000;
	s21 =	smov.u32 s23;
	s22 =	sadd.s32 $0x800, s23  }
0x4b: {  	[tilespmem:s4], [sflag:$0x3] =	stream.indirect.gather [hbm4b:s3+s0], $0x40, s24, s0, $0xb8;
	[tilespmem:$0x9400] =	vst v63  }
0x4c: {  	p0 =	sne.s32 s23, $0x2000;
	s23 =	sadd.s32 $0x80, s24  }
0x4d: {  	[tilespmem:s5], [sflag:$0x4] =	stream.indirect.gather [hbm4b:s3+s0], $0x40, s23, s0, $0xb8;
	[tilespmem:$0x9400] =	vst v63  }
0x4e: {  	s23 =	sadd.s32 $0x100, s24  }
0x4f: {  	[tilespmem:s6], [sflag:$0x5] =	stream.indirect.gather [hbm4b:s3+s0], $0x40, s23, s0, $0xb8;
	[tilespmem:$0x9400] =	vst v63  }
0x50: {  	s23 =	sadd.s32 $0x180, s24  }
0x51: {  	[tilespmem:s7], [sflag:$0x6] =	stream.indirect.gather [hbm4b:s3+s0], $0x40, s23, s0, $0xb8;
	[tilespmem:$0x9400] =	vst v63  }
0x52: {  	_ =	swait.ge [sflag:s8], $0x2000  }
0x53: {  	[sflag:s8] =	ssyncset.done $0x0  }
0x54: {  	[sflag:s8] =	ssyncadd.s32 $0xFFFFE000  }
0x55: {  	[hbm4b:s20+s2] =	stream.linear.scatter [tilespmem:s4], [sflag:$0x7], $0x2000, $0x38;
	[tilespmem:$0x9400] =	vst v63  }
0x56: {  	_ =	swait.ge [sflag:s9], $0x2000  }
0x57: {  	[sflag:s9] =	ssyncset.done $0x0  }
0x58: {  	[sflag:s9] =	ssyncadd.s32 $0xFFFFE000  }
0x59: {  	[hbm4b:s19+s2] =	stream.linear.scatter [tilespmem:s5], [sflag:$0x8], $0x2000, $0x38;
	[tilespmem:$0x9400] =	vst v63  }
0x5a: {  	_ =	swait.ge [sflag:s31], $0x2000  }
0x5b: {  	[sflag:s31] =	ssyncset.done $0x0  }
0x5c: {  	[sflag:s31] =	ssyncadd.s32 $0xFFFFE000  }
0x5d: {  	[hbm4b:s18+s2] =	stream.linear.scatter [tilespmem:s6], [sflag:$0x9], $0x2000, $0x38;
	[tilespmem:$0x9400] =	vst v63  }
0x5e: {  	_ =	swait.ge [sflag:s10], $0x2000  }
0x5f: {  	[sflag:s10] =	ssyncset.done $0x0  }
0x60: {  	[sflag:s10] =	ssyncadd.s32 $0xFFFFE000  }
0x61: {  	[hbm4b:s17+s2] =	stream.linear.scatter [tilespmem:s7], [sflag:$0xA], $0x2000, $0x38;
	[tilespmem:$0x9400] =	vst v63  }
0x62: {  	_ =	swait.ge [sflag:s11], $0x2000  }
0x63: {  	[sflag:s11] =	ssyncset.done $0x0  }
0x64: {  	[sflag:s11] =	ssyncadd.s32 $0xFFFFE000  }
0x65: {  	_ =	swait.ge [sflag:s12], $0x2000  }
0x66: {  	[sflag:s12] =	ssyncset.done $0x0  }
0x67: {  	[sflag:s12] =	ssyncadd.s32 $0xFFFFE000  }
.Ltmp0:
0x68: {  	_ =	swait.ge [sflag:s13], $0x2000;
	(pc) =	sbr.rel @p0 .LBB2_2-.Ltmp0, $4  }
0x69: {  	[sflag:s13] =	ssyncset.done $0x0  }
0x6a: {  	s23 =	smov.u32 s22;
	[sflag:s13] =	ssyncadd.s32 $0xFFFFE000  }
0x6b: {  	s20 =	sadd.s32 $0x1000, s20;
	s17 =	sadd.s32 $0x1000, s17;
	_ =	swait.ge [sflag:s14], $0x2000  }
0x6c: {  	s19 =	sadd.s32 $0x1000, s19;
	s18 =	sadd.s32 $0x1000, s18;
	[sflag:s14] =	ssyncset.done $0x0  }
0x6d: {  	s21 =	sshra.s32 s21, $0x2;
	[sflag:s14] =	ssyncadd.s32 $0xFFFFE000  }
0x6e: {  	[tilespmem:s4], [sflag:$0x3] =	stream.indirect.gather [hbm4b:s3+s0], $0x40, s21, s0, $0xb8;
	[tilespmem:$0x9400] =	vst v63  }
0x6f: {  	s22 =	sadd.s32 $0x80, s21  }
0x70: {  	[tilespmem:s5], [sflag:$0x4] =	stream.indirect.gather [hbm4b:s3+s0], $0x40, s22, s0, $0xb8;
	[tilespmem:$0x9400] =	vst v63  }
0x71: {  	s23 =	sadd.s32 $0x100, s21  }
0x72: {  	[tilespmem:s6], [sflag:$0x5] =	stream.indirect.gather [hbm4b:s3+s0], $0x40, s23, s0, $0xb8;
	[tilespmem:$0x9400] =	vst v63  }
0x73: {  	s21 =	sadd.s32 $0x180, s21  }
0x74: {  	[tilespmem:s7], [sflag:$0x6] =	stream.indirect.gather [hbm4b:s3+s0], $0x40, s21, s0, $0xb8;
	[tilespmem:$0x9400] =	vst v63  }
0x75: {  	_ =	swait.ge [sflag:s8], $0x2000  }
0x76: {  	[sflag:s8] =	ssyncset.done $0x0  }
0x77: {  	[sflag:s8] =	ssyncadd.s32 $0xFFFFE000  }
0x78: {  	[hbm4b:s20+s2] =	stream.linear.scatter [tilespmem:s4], [sflag:$0x7], $0x2000, $0x38;
	[tilespmem:$0x9400] =	vst v63  }
0x79: {  	_ =	swait.ge [sflag:s9], $0x2000  }
0x7a: {  	[sflag:s9] =	ssyncset.done $0x0  }
0x7b: {  	[sflag:s9] =	ssyncadd.s32 $0xFFFFE000  }
0x7c: {  	[hbm4b:s19+s2] =	stream.linear.scatter [tilespmem:s5], [sflag:$0x8], $0x2000, $0x38;
	[tilespmem:$0x9400] =	vst v63  }
0x7d: {  	_ =	swait.ge [sflag:s31], $0x2000  }
0x7e: {  	[sflag:s31] =	ssyncset.done $0x0  }
0x7f: {  	[sflag:s31] =	ssyncadd.s32 $0xFFFFE000  }
0x80: {  	[hbm4b:s18+s2] =	stream.linear.scatter [tilespmem:s6], [sflag:$0x9], $0x2000, $0x38;
	[tilespmem:$0x9400] =	vst v63  }
0x81: {  	_ =	swait.ge [sflag:s10], $0x2000  }
0x82: {  	[sflag:s10] =	ssyncset.done $0x0  }
0x83: {  	[sflag:s10] =	ssyncadd.s32 $0xFFFFE000  }
0x84: {  	[hbm4b:s17+s2] =	stream.linear.scatter [tilespmem:s7], [sflag:$0xA], $0x2000, $0x38;
	[tilespmem:$0x9400] =	vst v63  }
0x85: {  	_ =	swait.ge [sflag:s11], $0x2000  }
0x86: {  	[sflag:s11] =	ssyncset.done $0x0  }
0x87: {  	[sflag:s11] =	ssyncadd.s32 $0xFFFFE000  }
0x88: {  	_ =	swait.ge [sflag:s12], $0x2000  }
0x89: {  	[sflag:s12] =	ssyncset.done $0x0  }
0x8a: {  	[sflag:s12] =	ssyncadd.s32 $0xFFFFE000  }
0x8b: {  	_ =	swait.ge [sflag:s13], $0x2000  }
0x8c: {  	[sflag:s13] =	ssyncset.done $0x0  }
0x8d: {  	[sflag:s13] =	ssyncadd.s32 $0xFFFFE000  }
0x8e: {  	_ =	swait.ge [sflag:s14], $0x2000  }
0x8f: {  	[sflag:s14] =	ssyncset.done $0x0  }
0x90: {  	s24 =	simm.s32 $0x0;
	s25 =	rddreg [dreg:$0x4];
	[sflag:s14] =	ssyncadd.s32 $0xFFFFE000  }
0x91: {  	[tilespmem:s24], [sflag:$0x1] =	stream.linear.gather [hbm4b:s25+s24], $0xA00, $0x38;
	[tilespmem:$0x9400] =	vst v63  }
0x92: {  	_ =	swait.ge [sflag:s15], $0xA00  }
0x93: {  	[sflag:s15] =	ssyncset.done $0x0  }
0x94: {  	s18 =	simm.s32 $0xA00;
	[sflag:s15] =	ssyncadd.s32 $0xFFFFF600  }
0x95: {  	[tilespmem:s4], [sflag:$0x3] =	stream.indirect.gather [hbm4b:s3+s0], $0x40, s18, s0, $0xb8;
	[tilespmem:$0x9400] =	vst v63  }
0x96: {  	s19 =	simm.s32 $0xA80  }
0x97: {  	[tilespmem:s5], [sflag:$0x4] =	stream.indirect.gather [hbm4b:s3+s0], $0x40, s19, s0, $0xb8;
	[tilespmem:$0x9400] =	vst v63  }
0x98: {  	s20 =	simm.s32 $0xB00  }
0x99: {  	[tilespmem:s6], [sflag:$0x5] =	stream.indirect.gather [hbm4b:s3+s0], $0x40, s20, s0, $0xb8;
	[tilespmem:$0x9400] =	vst v63  }
0x9a: {  	s21 =	simm.s32 $0xB80  }
0x9b: {  	[tilespmem:s7], [sflag:$0x6] =	stream.indirect.gather [hbm4b:s3+s0], $0x40, s21, s0, $0xb8;
	[tilespmem:$0x9400] =	vst v63  }
0x9c: {  	_ =	swait.ge [sflag:s8], $0x2000  }
0x9d: {  	[sflag:s8] =	ssyncset.done $0x0  }
0x9e: {  	s22 =	rddreg [dreg:$0xf];
	[sflag:s8] =	ssyncadd.s32 $0xFFFFE000  }
0x9f: {  	[hbm4b:s22+s2] =	stream.linear.scatter [tilespmem:s4], [sflag:$0x7], $0x2000, $0x38;
	[tilespmem:$0x9400] =	vst v63  }
0xa0: {  	_ =	swait.ge [sflag:s9], $0x2000  }
0xa1: {  	[sflag:s9] =	ssyncset.done $0x0  }
0xa2: {  	s23 =	rddreg [dreg:$0xd];
	[sflag:s9] =	ssyncadd.s32 $0xFFFFE000  }
0xa3: {  	[hbm4b:s23+s2] =	stream.linear.scatter [tilespmem:s5], [sflag:$0x8], $0x2000, $0x38;
	[tilespmem:$0x9400] =	vst v63  }
0xa4: {  	_ =	swait.ge [sflag:s31], $0x2000  }
0xa5: {  	[sflag:s31] =	ssyncset.done $0x0  }
0xa6: {  	s24 =	rddreg [dreg:$0xc];
	[sflag:s31] =	ssyncadd.s32 $0xFFFFE000  }
0xa7: {  	[hbm4b:s24+s2] =	stream.linear.scatter [tilespmem:s6], [sflag:$0x9], $0x2000, $0x38;
	[tilespmem:$0x9400] =	vst v63  }
0xa8: {  	_ =	swait.ge [sflag:s10], $0x2000  }
0xa9: {  	[sflag:s10] =	ssyncset.done $0x0  }
0xaa: {  	s25 =	rddreg [dreg:$0xe];
	[sflag:s10] =	ssyncadd.s32 $0xFFFFE000  }
0xab: {  	[hbm4b:s25+s2] =	stream.linear.scatter [tilespmem:s7], [sflag:$0xA], $0x2000, $0x38;
	[tilespmem:$0x9400] =	vst v63  }
0xac: {  	_ =	swait.ge [sflag:s11], $0x2000  }
0xad: {  	[sflag:s11] =	ssyncset.done $0x0  }
0xae: {  	[sflag:s11] =	ssyncadd.s32 $0xFFFFE000  }
0xaf: {  	_ =	swait.ge [sflag:s12], $0x2000  }
0xb0: {  	[sflag:s12] =	ssyncset.done $0x0  }
0xb1: {  	[sflag:s12] =	ssyncadd.s32 $0xFFFFE000  }
0xb2: {  	_ =	swait.ge [sflag:s13], $0x2000  }
0xb3: {  	[sflag:s13] =	ssyncset.done $0x0  }
0xb4: {  	s21 =	simm.s32 $0x1000;
	s20 =	sadd.s32 $0x1000, s22;
	[sflag:s13] =	ssyncadd.s32 $0xFFFFE000  }
0xb5: {  	s18 =	sadd.s32 $0x1000, s23;
	s23 =	simm.s32 $0x200;
	_ =	swait.ge [sflag:s14], $0x2000  }
0xb6: {  	s19 =	sadd.s32 $0x1000, s24;
	s17 =	sadd.s32 $0x1000, s25;
	[sflag:s14] =	ssyncset.done $0x0  }
.LBB2_4:
0xb7: {  	s25 =	sadd.s32 $0xA00, s23  }
0xb8: {  	[sflag:s14] =	ssyncadd.s32 $0xFFFFE000;
	s22 =	smov.u32 s21;
	s24 =	sadd.s32 $0x800, s21  }
0xb9: {  	[tilespmem:s4], [sflag:$0x3] =	stream.indirect.gather [hbm4b:s3+s0], $0x40, s25, s0, $0xb8;
	[tilespmem:$0x9400] =	vst v63  }
0xba: {  	p0 =	sne.s32 s21, $0x2000;
	s21 =	sadd.s32 $0xA80, s23  }
0xbb: {  	[tilespmem:s5], [sflag:$0x4] =	stream.indirect.gather [hbm4b:s3+s0], $0x40, s21, s0, $0xb8;
	[tilespmem:$0x9400] =	vst v63  }
0xbc: {  	s21 =	sadd.s32 $0xB00, s23  }
0xbd: {  	[tilespmem:s6], [sflag:$0x5] =	stream.indirect.gather [hbm4b:s3+s0], $0x40, s21, s0, $0xb8;
	[tilespmem:$0x9400] =	vst v63  }
0xbe: {  	s21 =	sadd.s32 $0xB80, s23  }
0xbf: {  	[tilespmem:s7], [sflag:$0x6] =	stream.indirect.gather [hbm4b:s3+s0], $0x40, s21, s0, $0xb8;
	[tilespmem:$0x9400] =	vst v63  }
0xc0: {  	_ =	swait.ge [sflag:s8], $0x2000  }
0xc1: {  	[sflag:s8] =	ssyncset.done $0x0  }
0xc2: {  	[sflag:s8] =	ssyncadd.s32 $0xFFFFE000  }
0xc3: {  	[hbm4b:s20+s2] =	stream.linear.scatter [tilespmem:s4], [sflag:$0x7], $0x2000, $0x38;
	[tilespmem:$0x9400] =	vst v63  }
0xc4: {  	_ =	swait.ge [sflag:s9], $0x2000  }
0xc5: {  	[sflag:s9] =	ssyncset.done $0x0  }
0xc6: {  	[sflag:s9] =	ssyncadd.s32 $0xFFFFE000  }
0xc7: {  	[hbm4b:s18+s2] =	stream.linear.scatter [tilespmem:s5], [sflag:$0x8], $0x2000, $0x38;
	[tilespmem:$0x9400] =	vst v63  }
0xc8: {  	_ =	swait.ge [sflag:s31], $0x2000  }
0xc9: {  	[sflag:s31] =	ssyncset.done $0x0  }
0xca: {  	[sflag:s31] =	ssyncadd.s32 $0xFFFFE000  }
0xcb: {  	[hbm4b:s19+s2] =	stream.linear.scatter [tilespmem:s6], [sflag:$0x9], $0x2000, $0x38;
	[tilespmem:$0x9400] =	vst v63  }
0xcc: {  	_ =	swait.ge [sflag:s10], $0x2000  }
0xcd: {  	[sflag:s10] =	ssyncset.done $0x0  }
0xce: {  	[sflag:s10] =	ssyncadd.s32 $0xFFFFE000  }
0xcf: {  	[hbm4b:s17+s2] =	stream.linear.scatter [tilespmem:s7], [sflag:$0xA], $0x2000, $0x38;
	[tilespmem:$0x9400] =	vst v63  }
0xd0: {  	_ =	swait.ge [sflag:s11], $0x2000  }
0xd1: {  	[sflag:s11] =	ssyncset.done $0x0  }
0xd2: {  	[sflag:s11] =	ssyncadd.s32 $0xFFFFE000  }
0xd3: {  	_ =	swait.ge [sflag:s12], $0x2000  }
0xd4: {  	[sflag:s12] =	ssyncset.done $0x0  }
0xd5: {  	[sflag:s12] =	ssyncadd.s32 $0xFFFFE000  }
.Ltmp1:
0xd6: {  	_ =	swait.ge [sflag:s13], $0x2000;
	(pc) =	sbr.rel @p0 .LBB2_4-.Ltmp1, $4  }
0xd7: {  	[sflag:s13] =	ssyncset.done $0x0  }
0xd8: {  	s23 =	sshra.s32 s22, $0x2;
	s20 =	sadd.s32 $0x1000, s20;
	[sflag:s13] =	ssyncadd.s32 $0xFFFFE000  }
0xd9: {  	s18 =	sadd.s32 $0x1000, s18;
	s17 =	sadd.s32 $0x1000, s17;
	_ =	swait.ge [sflag:s14], $0x2000  }
0xda: {  	s21 =	smov.u32 s24;
	s19 =	sadd.s32 $0x1000, s19;
	[sflag:s14] =	ssyncset.done $0x0  }
0xdb: {  	s21 =	sadd.s32 $0xA00, s23;
	[sflag:s14] =	ssyncadd.s32 $0xFFFFE000  }
0xdc: {  	[tilespmem:s4], [sflag:$0x3] =	stream.indirect.gather [hbm4b:s3+s0], $0x40, s21, s0, $0xb8;
	[tilespmem:$0x9400] =	vst v63  }
0xdd: {  	s22 =	sadd.s32 $0xA80, s23  }
0xde: {  	[tilespmem:s5], [sflag:$0x4] =	stream.indirect.gather [hbm4b:s3+s0], $0x40, s22, s0, $0xb8;
	[tilespmem:$0x9400] =	vst v63  }
0xdf: {  	s24 =	sadd.s32 $0xB00, s23  }
0xe0: {  	[tilespmem:s6], [sflag:$0x5] =	stream.indirect.gather [hbm4b:s3+s0], $0x40, s24, s0, $0xb8;
	[tilespmem:$0x9400] =	vst v63  }
0xe1: {  	s25 =	sadd.s32 $0xB80, s23  }
0xe2: {  	[tilespmem:s7], [sflag:$0x6] =	stream.indirect.gather [hbm4b:s3+s0], $0x40, s25, s0, $0xb8;
	[tilespmem:$0x9400] =	vst v63  }
0xe3: {  	_ =	swait.ge [sflag:s8], $0x2000  }
0xe4: {  	[sflag:s8] =	ssyncset.done $0x0  }
0xe5: {  	[sflag:s8] =	ssyncadd.s32 $0xFFFFE000  }
0xe6: {  	[hbm4b:s20+s2] =	stream.linear.scatter [tilespmem:s4], [sflag:$0x7], $0x2000, $0x38;
	[tilespmem:$0x9400] =	vst v63  }
0xe7: {  	_ =	swait.ge [sflag:s9], $0x2000  }
0xe8: {  	[sflag:s9] =	ssyncset.done $0x0  }
0xe9: {  	[sflag:s9] =	ssyncadd.s32 $0xFFFFE000  }
0xea: {  	[hbm4b:s18+s2] =	stream.linear.scatter [tilespmem:s5], [sflag:$0x8], $0x2000, $0x38;
	[tilespmem:$0x9400] =	vst v63  }
0xeb: {  	_ =	swait.ge [sflag:s31], $0x2000  }
0xec: {  	[sflag:s31] =	ssyncset.done $0x0  }
0xed: {  	[sflag:s31] =	ssyncadd.s32 $0xFFFFE000  }
0xee: {  	[hbm4b:s19+s2] =	stream.linear.scatter [tilespmem:s6], [sflag:$0x9], $0x2000, $0x38;
	[tilespmem:$0x9400] =	vst v63  }
0xef: {  	_ =	swait.ge [sflag:s10], $0x2000  }
0xf0: {  	[sflag:s10] =	ssyncset.done $0x0  }
0xf1: {  	[sflag:s10] =	ssyncadd.s32 $0xFFFFE000  }
0xf2: {  	[hbm4b:s17+s2] =	stream.linear.scatter [tilespmem:s7], [sflag:$0xA], $0x2000, $0x38;
	[tilespmem:$0x9400] =	vst v63  }
0xf3: {  	_ =	swait.ge [sflag:s11], $0x2000  }
0xf4: {  	[sflag:s11] =	ssyncset.done $0x0  }
0xf5: {  	[sflag:s11] =	ssyncadd.s32 $0xFFFFE000  }
0xf6: {  	_ =	swait.ge [sflag:s12], $0x2000  }
0xf7: {  	[sflag:s12] =	ssyncset.done $0x0  }
0xf8: {  	[sflag:s12] =	ssyncadd.s32 $0xFFFFE000  }
0xf9: {  	_ =	swait.ge [sflag:s13], $0x2000  }
0xfa: {  	[sflag:s13] =	ssyncset.done $0x0  }
0xfb: {  	[sflag:s13] =	ssyncadd.s32 $0xFFFFE000  }
0xfc: {  	_ =	swait.ge [sflag:s14], $0x2000  }
0xfd: {  	s22 =	simm.s32 $0xA00;
	[sflag:s14] =	ssyncset.done $0x0  }
0xfe: {  	s20 =	simm.s32 $0x0;
	s21 =	rddreg [dreg:$0x5];
	[sflag:s14] =	ssyncadd.s32 $0xFFFFE000  }
0xff: {  	[tilespmem:s22], [sflag:$0x2] =	stream.linear.gather [hbm4b:s21+s20], $0xA00, $0x38;
	[tilespmem:$0x9400] =	vst v63  }
0x100: {  	_ =	swait.ge [sflag:s1], $0xA00  }
0x101: {  	[sflag:s1] =	ssyncset.done $0x0  }
0x102: {  	s23 =	simm.s32 $0x0;
	[sflag:s1] =	ssyncadd.s32 $0xFFFFF600  }
0x103: {  	[tilespmem:s4], [sflag:$0x3] =	stream.indirect.gather [hbm4b:s3+s0], $0x40, s23, s0, $0xb8;
	[tilespmem:$0x9400] =	vst v63  }
0x104: {  	s24 =	simm.s32 $0x80  }
0x105: {  	[tilespmem:s5], [sflag:$0x4] =	stream.indirect.gather [hbm4b:s3+s0], $0x40, s24, s0, $0xb8;
	[tilespmem:$0x9400] =	vst v63  }
0x106: {  	s25 =	simm.s32 $0x100  }
0x107: {  	[tilespmem:s6], [sflag:$0x5] =	stream.indirect.gather [hbm4b:s3+s0], $0x40, s25, s0, $0xb8;
	[tilespmem:$0x9400] =	vst v63  }
0x108: {  	s18 =	simm.s32 $0x180  }
0x109: {  	[tilespmem:s7], [sflag:$0x6] =	stream.indirect.gather [hbm4b:s3+s0], $0x40, s18, s0, $0xb8;
	[tilespmem:$0x9400] =	vst v63  }
0x10a: {  	_ =	swait.ge [sflag:s8], $0x2000  }
0x10b: {  	[sflag:s8] =	ssyncset.done $0x0  }
0x10c: {  	s19 =	rddreg [dreg:$0x13];
	[sflag:s8] =	ssyncadd.s32 $0xFFFFE000  }
0x10d: {  	[hbm4b:s19+s2] =	stream.linear.scatter [tilespmem:s4], [sflag:$0x7], $0x2000, $0x38;
	[tilespmem:$0x9400] =	vst v63  }
0x10e: {  	_ =	swait.ge [sflag:s9], $0x2000  }
0x10f: {  	[sflag:s9] =	ssyncset.done $0x0  }
0x110: {  	s22 =	rddreg [dreg:$0x11];
	[sflag:s9] =	ssyncadd.s32 $0xFFFFE000  }
0x111: {  	[hbm4b:s22+s2] =	stream.linear.scatter [tilespmem:s5], [sflag:$0x8], $0x2000, $0x38;
	[tilespmem:$0x9400] =	vst v63  }
0x112: {  	_ =	swait.ge [sflag:s31], $0x2000  }
0x113: {  	[sflag:s31] =	ssyncset.done $0x0  }
0x114: {  	s24 =	rddreg [dreg:$0x10];
	[sflag:s31] =	ssyncadd.s32 $0xFFFFE000  }
0x115: {  	[hbm4b:s24+s2] =	stream.linear.scatter [tilespmem:s6], [sflag:$0x9], $0x2000, $0x38;
	[tilespmem:$0x9400] =	vst v63  }
0x116: {  	_ =	swait.ge [sflag:s10], $0x2000  }
0x117: {  	[sflag:s10] =	ssyncset.done $0x0  }
0x118: {  	s25 =	rddreg [dreg:$0x12];
	[sflag:s10] =	ssyncadd.s32 $0xFFFFE000  }
0x119: {  	[hbm4b:s25+s2] =	stream.linear.scatter [tilespmem:s7], [sflag:$0xA], $0x2000, $0x38;
	[tilespmem:$0x9400] =	vst v63  }
0x11a: {  	_ =	swait.ge [sflag:s11], $0x2000  }
0x11b: {  	[sflag:s11] =	ssyncset.done $0x0  }
0x11c: {  	[sflag:s11] =	ssyncadd.s32 $0xFFFFE000  }
0x11d: {  	_ =	swait.ge [sflag:s12], $0x2000  }
0x11e: {  	[sflag:s12] =	ssyncset.done $0x0  }
0x11f: {  	[sflag:s12] =	ssyncadd.s32 $0xFFFFE000  }
0x120: {  	_ =	swait.ge [sflag:s13], $0x2000  }
0x121: {  	[sflag:s13] =	ssyncset.done $0x0  }
0x122: {  	s21 =	simm.s32 $0x800;
	s23 =	simm.s32 $0x1000;
	[sflag:s13] =	ssyncadd.s32 $0xFFFFE000  }
0x123: {  	s20 =	sadd.s32 $0x1000, s19;
	s19 =	sadd.s32 $0x1000, s22;
	_ =	swait.ge [sflag:s14], $0x2000  }
0x124: {  	s18 =	sadd.s32 $0x1000, s24;
	s17 =	sadd.s32 $0x1000, s25;
	[sflag:s14] =	ssyncset.done $0x0  }
.LBB2_6:
0x125: {  	s24 =	sshra.s32 s21, $0x2  }
0x126: {  	[sflag:s14] =	ssyncadd.s32 $0xFFFFE000;
	s21 =	smov.u32 s23;
	s22 =	sadd.s32 $0x800, s23  }
0x127: {  	[tilespmem:s4], [sflag:$0x3] =	stream.indirect.gather [hbm4b:s3+s0], $0x40, s24, s0, $0xb8;
	[tilespmem:$0x9400] =	vst v63  }
0x128: {  	p0 =	sne.s32 s23, $0x2000;
	s23 =	sadd.s32 $0x80, s24  }
0x129: {  	[tilespmem:s5], [sflag:$0x4] =	stream.indirect.gather [hbm4b:s3+s0], $0x40, s23, s0, $0xb8;
	[tilespmem:$0x9400] =	vst v63  }
0x12a: {  	s23 =	sadd.s32 $0x100, s24  }
0x12b: {  	[tilespmem:s6], [sflag:$0x5] =	stream.indirect.gather [hbm4b:s3+s0], $0x40, s23, s0, $0xb8;
	[tilespmem:$0x9400] =	vst v63  }
0x12c: {  	s23 =	sadd.s32 $0x180, s24  }
0x12d: {  	[tilespmem:s7], [sflag:$0x6] =	stream.indirect.gather [hbm4b:s3+s0], $0x40, s23, s0, $0xb8;
	[tilespmem:$0x9400] =	vst v63  }
0x12e: {  	_ =	swait.ge [sflag:s8], $0x2000  }
0x12f: {  	[sflag:s8] =	ssyncset.done $0x0  }
0x130: {  	[sflag:s8] =	ssyncadd.s32 $0xFFFFE000  }
0x131: {  	[hbm4b:s20+s2] =	stream.linear.scatter [tilespmem:s4], [sflag:$0x7], $0x2000, $0x38;
	[tilespmem:$0x9400] =	vst v63  }
0x132: {  	_ =	swait.ge [sflag:s9], $0x2000  }
0x133: {  	[sflag:s9] =	ssyncset.done $0x0  }
0x134: {  	[sflag:s9] =	ssyncadd.s32 $0xFFFFE000  }
0x135: {  	[hbm4b:s19+s2] =	stream.linear.scatter [tilespmem:s5], [sflag:$0x8], $0x2000, $0x38;
	[tilespmem:$0x9400] =	vst v63  }
0x136: {  	_ =	swait.ge [sflag:s31], $0x2000  }
0x137: {  	[sflag:s31] =	ssyncset.done $0x0  }
0x138: {  	[sflag:s31] =	ssyncadd.s32 $0xFFFFE000  }
0x139: {  	[hbm4b:s18+s2] =	stream.linear.scatter [tilespmem:s6], [sflag:$0x9], $0x2000, $0x38;
	[tilespmem:$0x9400] =	vst v63  }
0x13a: {  	_ =	swait.ge [sflag:s10], $0x2000  }
0x13b: {  	[sflag:s10] =	ssyncset.done $0x0  }
0x13c: {  	[sflag:s10] =	ssyncadd.s32 $0xFFFFE000  }
0x13d: {  	[hbm4b:s17+s2] =	stream.linear.scatter [tilespmem:s7], [sflag:$0xA], $0x2000, $0x38;
	[tilespmem:$0x9400] =	vst v63  }
0x13e: {  	_ =	swait.ge [sflag:s11], $0x2000  }
0x13f: {  	[sflag:s11] =	ssyncset.done $0x0  }
0x140: {  	[sflag:s11] =	ssyncadd.s32 $0xFFFFE000  }
0x141: {  	_ =	swait.ge [sflag:s12], $0x2000  }
0x142: {  	[sflag:s12] =	ssyncset.done $0x0  }
0x143: {  	[sflag:s12] =	ssyncadd.s32 $0xFFFFE000  }
.Ltmp2:
0x144: {  	_ =	swait.ge [sflag:s13], $0x2000;
	(pc) =	sbr.rel @p0 .LBB2_6-.Ltmp2, $4  }
0x145: {  	[sflag:s13] =	ssyncset.done $0x0  }
0x146: {  	s23 =	smov.u32 s22;
	[sflag:s13] =	ssyncadd.s32 $0xFFFFE000  }
0x147: {  	s20 =	sadd.s32 $0x1000, s20;
	s17 =	sadd.s32 $0x1000, s17;
	_ =	swait.ge [sflag:s14], $0x2000  }
0x148: {  	s19 =	sadd.s32 $0x1000, s19;
	s18 =	sadd.s32 $0x1000, s18;
	[sflag:s14] =	ssyncset.done $0x0  }
0x149: {  	s21 =	sshra.s32 s21, $0x2;
	[sflag:s14] =	ssyncadd.s32 $0xFFFFE000  }
0x14a: {  	[tilespmem:s4], [sflag:$0x3] =	stream.indirect.gather [hbm4b:s3+s0], $0x40, s21, s0, $0xb8;
	[tilespmem:$0x9400] =	vst v63  }
0x14b: {  	s22 =	sadd.s32 $0x80, s21  }
0x14c: {  	[tilespmem:s5], [sflag:$0x4] =	stream.indirect.gather [hbm4b:s3+s0], $0x40, s22, s0, $0xb8;
	[tilespmem:$0x9400] =	vst v63  }
0x14d: {  	s25 =	sadd.s32 $0x100, s21  }
0x14e: {  	[tilespmem:s6], [sflag:$0x5] =	stream.indirect.gather [hbm4b:s3+s0], $0x40, s25, s0, $0xb8;
	[tilespmem:$0x9400] =	vst v63  }
0x14f: {  	s21 =	sadd.s32 $0x180, s21  }
0x150: {  	[tilespmem:s7], [sflag:$0x6] =	stream.indirect.gather [hbm4b:s3+s0], $0x40, s21, s0, $0xb8;
	[tilespmem:$0x9400] =	vst v63  }
0x151: {  	_ =	swait.ge [sflag:s8], $0x2000  }
0x152: {  	[sflag:s8] =	ssyncset.done $0x0  }
0x153: {  	[sflag:s8] =	ssyncadd.s32 $0xFFFFE000  }
0x154: {  	[hbm4b:s20+s2] =	stream.linear.scatter [tilespmem:s4], [sflag:$0x7], $0x2000, $0x38;
	[tilespmem:$0x9400] =	vst v63  }
0x155: {  	_ =	swait.ge [sflag:s9], $0x2000  }
0x156: {  	[sflag:s9] =	ssyncset.done $0x0  }
0x157: {  	[sflag:s9] =	ssyncadd.s32 $0xFFFFE000  }
0x158: {  	[hbm4b:s19+s2] =	stream.linear.scatter [tilespmem:s5], [sflag:$0x8], $0x2000, $0x38;
	[tilespmem:$0x9400] =	vst v63  }
0x159: {  	_ =	swait.ge [sflag:s31], $0x2000  }
0x15a: {  	[sflag:s31] =	ssyncset.done $0x0  }
0x15b: {  	[sflag:s31] =	ssyncadd.s32 $0xFFFFE000  }
0x15c: {  	[hbm4b:s18+s2] =	stream.linear.scatter [tilespmem:s6], [sflag:$0x9], $0x2000, $0x38;
	[tilespmem:$0x9400] =	vst v63  }
0x15d: {  	_ =	swait.ge [sflag:s10], $0x2000  }
0x15e: {  	[sflag:s10] =	ssyncset.done $0x0  }
0x15f: {  	[sflag:s10] =	ssyncadd.s32 $0xFFFFE000  }
0x160: {  	[hbm4b:s17+s2] =	stream.linear.scatter [tilespmem:s7], [sflag:$0xA], $0x2000, $0x38;
	[tilespmem:$0x9400] =	vst v63  }
0x161: {  	_ =	swait.ge [sflag:s11], $0x2000  }
0x162: {  	[sflag:s11] =	ssyncset.done $0x0  }
0x163: {  	[sflag:s11] =	ssyncadd.s32 $0xFFFFE000  }
0x164: {  	_ =	swait.ge [sflag:s12], $0x2000  }
0x165: {  	[sflag:s12] =	ssyncset.done $0x0  }
0x166: {  	[sflag:s12] =	ssyncadd.s32 $0xFFFFE000  }
0x167: {  	_ =	swait.ge [sflag:s13], $0x2000  }
0x168: {  	[sflag:s13] =	ssyncset.done $0x0  }
0x169: {  	[sflag:s13] =	ssyncadd.s32 $0xFFFFE000  }
0x16a: {  	_ =	swait.ge [sflag:s14], $0x2000  }
0x16b: {  	[sflag:s14] =	ssyncset.done $0x0  }
0x16c: {  	s22 =	simm.s32 $0x0;
	s23 =	rddreg [dreg:$0x6];
	[sflag:s14] =	ssyncadd.s32 $0xFFFFE000  }
0x16d: {  	[tilespmem:s22], [sflag:$0x1] =	stream.linear.gather [hbm4b:s23+s22], $0xA00, $0x38;
	[tilespmem:$0x9400] =	vst v63  }
0x16e: {  	_ =	swait.ge [sflag:s15], $0xA00  }
0x16f: {  	[sflag:s15] =	ssyncset.done $0x0  }
0x170: {  	s24 =	simm.s32 $0xA00;
	[sflag:s15] =	ssyncadd.s32 $0xFFFFF600  }
0x171: {  	[tilespmem:s4], [sflag:$0x3] =	stream.indirect.gather [hbm4b:s3+s0], $0x40, s24, s0, $0xb8;
	[tilespmem:$0x9400] =	vst v63  }
0x172: {  	s25 =	simm.s32 $0xA80  }
0x173: {  	[tilespmem:s5], [sflag:$0x4] =	stream.indirect.gather [hbm4b:s3+s0], $0x40, s25, s0, $0xb8;
	[tilespmem:$0x9400] =	vst v63  }
0x174: {  	s18 =	simm.s32 $0xB00  }
0x175: {  	[tilespmem:s6], [sflag:$0x5] =	stream.indirect.gather [hbm4b:s3+s0], $0x40, s18, s0, $0xb8;
	[tilespmem:$0x9400] =	vst v63  }
0x176: {  	s19 =	simm.s32 $0xB80  }
0x177: {  	[tilespmem:s7], [sflag:$0x6] =	stream.indirect.gather [hbm4b:s3+s0], $0x40, s19, s0, $0xb8;
	[tilespmem:$0x9400] =	vst v63  }
0x178: {  	_ =	swait.ge [sflag:s8], $0x2000  }
0x179: {  	[sflag:s8] =	ssyncset.done $0x0  }
0x17a: {  	s20 =	rddreg [dreg:$0x17];
	[sflag:s8] =	ssyncadd.s32 $0xFFFFE000  }
0x17b: {  	[hbm4b:s20+s2] =	stream.linear.scatter [tilespmem:s4], [sflag:$0x7], $0x2000, $0x38;
	[tilespmem:$0x9400] =	vst v63  }
0x17c: {  	_ =	swait.ge [sflag:s9], $0x2000  }
0x17d: {  	[sflag:s9] =	ssyncset.done $0x0  }
0x17e: {  	s21 =	rddreg [dreg:$0x15];
	[sflag:s9] =	ssyncadd.s32 $0xFFFFE000  }
0x17f: {  	[hbm4b:s21+s2] =	stream.linear.scatter [tilespmem:s5], [sflag:$0x8], $0x2000, $0x38;
	[tilespmem:$0x9400] =	vst v63  }
0x180: {  	_ =	swait.ge [sflag:s31], $0x2000  }
0x181: {  	[sflag:s31] =	ssyncset.done $0x0  }
0x182: {  	s22 =	rddreg [dreg:$0x14];
	[sflag:s31] =	ssyncadd.s32 $0xFFFFE000  }
0x183: {  	[hbm4b:s22+s2] =	stream.linear.scatter [tilespmem:s6], [sflag:$0x9], $0x2000, $0x38;
	[tilespmem:$0x9400] =	vst v63  }
0x184: {  	_ =	swait.ge [sflag:s10], $0x2000  }
0x185: {  	[sflag:s10] =	ssyncset.done $0x0  }
0x186: {  	s25 =	rddreg [dreg:$0x16];
	[sflag:s10] =	ssyncadd.s32 $0xFFFFE000  }
0x187: {  	[hbm4b:s25+s2] =	stream.linear.scatter [tilespmem:s7], [sflag:$0xA], $0x2000, $0x38;
	[tilespmem:$0x9400] =	vst v63  }
0x188: {  	_ =	swait.ge [sflag:s11], $0x2000  }
0x189: {  	[sflag:s11] =	ssyncset.done $0x0  }
0x18a: {  	[sflag:s11] =	ssyncadd.s32 $0xFFFFE000  }
0x18b: {  	_ =	swait.ge [sflag:s12], $0x2000  }
0x18c: {  	[sflag:s12] =	ssyncset.done $0x0  }
0x18d: {  	[sflag:s12] =	ssyncadd.s32 $0xFFFFE000  }
0x18e: {  	_ =	swait.ge [sflag:s13], $0x2000  }
0x18f: {  	[sflag:s13] =	ssyncset.done $0x0  }
0x190: {  	s23 =	simm.s32 $0x200;
	s24 =	simm.s32 $0x1000;
	[sflag:s13] =	ssyncadd.s32 $0xFFFFE000  }
0x191: {  	s20 =	sadd.s32 $0x1000, s20;
	s18 =	sadd.s32 $0x1000, s21;
	_ =	swait.ge [sflag:s14], $0x2000  }
0x192: {  	s19 =	sadd.s32 $0x1000, s22;
	s17 =	sadd.s32 $0x1000, s25;
	[sflag:s14] =	ssyncset.done $0x0  }
.LBB2_8:
0x193: {  	s25 =	sadd.s32 $0xA00, s23  }
0x194: {  	[sflag:s14] =	ssyncadd.s32 $0xFFFFE000;
	s22 =	smov.u32 s24;
	s21 =	sadd.s32 $0x800, s24  }
0x195: {  	[tilespmem:s4], [sflag:$0x3] =	stream.indirect.gather [hbm4b:s3+s0], $0x40, s25, s0, $0xb8;
	[tilespmem:$0x9400] =	vst v63  }
0x196: {  	p0 =	sne.s32 s24, $0x2000;
	s24 =	sadd.s32 $0xA80, s23  }
0x197: {  	[tilespmem:s5], [sflag:$0x4] =	stream.indirect.gather [hbm4b:s3+s0], $0x40, s24, s0, $0xb8;
	[tilespmem:$0x9400] =	vst v63  }
0x198: {  	s24 =	sadd.s32 $0xB00, s23  }
0x199: {  	[tilespmem:s6], [sflag:$0x5] =	stream.indirect.gather [hbm4b:s3+s0], $0x40, s24, s0, $0xb8;
	[tilespmem:$0x9400] =	vst v63  }
0x19a: {  	s23 =	sadd.s32 $0xB80, s23  }
0x19b: {  	[tilespmem:s7], [sflag:$0x6] =	stream.indirect.gather [hbm4b:s3+s0], $0x40, s23, s0, $0xb8;
	[tilespmem:$0x9400] =	vst v63  }
0x19c: {  	_ =	swait.ge [sflag:s8], $0x2000  }
0x19d: {  	[sflag:s8] =	ssyncset.done $0x0  }
0x19e: {  	[sflag:s8] =	ssyncadd.s32 $0xFFFFE000  }
0x19f: {  	[hbm4b:s20+s2] =	stream.linear.scatter [tilespmem:s4], [sflag:$0x7], $0x2000, $0x38;
	[tilespmem:$0x9400] =	vst v63  }
0x1a0: {  	_ =	swait.ge [sflag:s9], $0x2000  }
0x1a1: {  	[sflag:s9] =	ssyncset.done $0x0  }
0x1a2: {  	[sflag:s9] =	ssyncadd.s32 $0xFFFFE000  }
0x1a3: {  	[hbm4b:s18+s2] =	stream.linear.scatter [tilespmem:s5], [sflag:$0x8], $0x2000, $0x38;
	[tilespmem:$0x9400] =	vst v63  }
0x1a4: {  	_ =	swait.ge [sflag:s31], $0x2000  }
0x1a5: {  	[sflag:s31] =	ssyncset.done $0x0  }
0x1a6: {  	[sflag:s31] =	ssyncadd.s32 $0xFFFFE000  }
0x1a7: {  	[hbm4b:s19+s2] =	stream.linear.scatter [tilespmem:s6], [sflag:$0x9], $0x2000, $0x38;
	[tilespmem:$0x9400] =	vst v63  }
0x1a8: {  	_ =	swait.ge [sflag:s10], $0x2000  }
0x1a9: {  	[sflag:s10] =	ssyncset.done $0x0  }
0x1aa: {  	[sflag:s10] =	ssyncadd.s32 $0xFFFFE000  }
0x1ab: {  	[hbm4b:s17+s2] =	stream.linear.scatter [tilespmem:s7], [sflag:$0xA], $0x2000, $0x38;
	[tilespmem:$0x9400] =	vst v63  }
0x1ac: {  	_ =	swait.ge [sflag:s11], $0x2000  }
0x1ad: {  	[sflag:s11] =	ssyncset.done $0x0  }
0x1ae: {  	[sflag:s11] =	ssyncadd.s32 $0xFFFFE000  }
0x1af: {  	_ =	swait.ge [sflag:s12], $0x2000  }
0x1b0: {  	[sflag:s12] =	ssyncset.done $0x0  }
0x1b1: {  	[sflag:s12] =	ssyncadd.s32 $0xFFFFE000  }
.Ltmp3:
0x1b2: {  	_ =	swait.ge [sflag:s13], $0x2000;
	(pc) =	sbr.rel @p0 .LBB2_8-.Ltmp3, $4  }
0x1b3: {  	[sflag:s13] =	ssyncset.done $0x0  }
0x1b4: {  	s24 =	smov.u32 s21;
	s20 =	sadd.s32 $0x1000, s20;
	[sflag:s13] =	ssyncadd.s32 $0xFFFFE000  }
0x1b5: {  	s18 =	sadd.s32 $0x1000, s18;
	s17 =	sadd.s32 $0x1000, s17;
	_ =	swait.ge [sflag:s14], $0x2000  }
0x1b6: {  	s23 =	sshra.s32 s22, $0x2;
	s19 =	sadd.s32 $0x1000, s19;
	[sflag:s14] =	ssyncset.done $0x0  }
0x1b7: {  	s21 =	sadd.s32 $0xA00, s23;
	[sflag:s14] =	ssyncadd.s32 $0xFFFFE000  }
0x1b8: {  	[tilespmem:s4], [sflag:$0x3] =	stream.indirect.gather [hbm4b:s3+s0], $0x40, s21, s0, $0xb8;
	[tilespmem:$0x9400] =	vst v63  }
0x1b9: {  	s22 =	sadd.s32 $0xA80, s23  }
0x1ba: {  	[tilespmem:s5], [sflag:$0x4] =	stream.indirect.gather [hbm4b:s3+s0], $0x40, s22, s0, $0xb8;
	[tilespmem:$0x9400] =	vst v63  }
0x1bb: {  	s24 =	sadd.s32 $0xB00, s23  }
0x1bc: {  	[tilespmem:s6], [sflag:$0x5] =	stream.indirect.gather [hbm4b:s3+s0], $0x40, s24, s0, $0xb8;
	[tilespmem:$0x9400] =	vst v63  }
0x1bd: {  	s25 =	sadd.s32 $0xB80, s23  }
0x1be: {  	[tilespmem:s7], [sflag:$0x6] =	stream.indirect.gather [hbm4b:s3+s0], $0x40, s25, s0, $0xb8;
	[tilespmem:$0x9400] =	vst v63  }
0x1bf: {  	_ =	swait.ge [sflag:s8], $0x2000  }
0x1c0: {  	[sflag:s8] =	ssyncset.done $0x0  }
0x1c1: {  	[sflag:s8] =	ssyncadd.s32 $0xFFFFE000  }
0x1c2: {  	[hbm4b:s20+s2] =	stream.linear.scatter [tilespmem:s4], [sflag:$0x7], $0x2000, $0x38;
	[tilespmem:$0x9400] =	vst v63  }
0x1c3: {  	_ =	swait.ge [sflag:s9], $0x2000  }
0x1c4: {  	[sflag:s9] =	ssyncset.done $0x0  }
0x1c5: {  	[sflag:s9] =	ssyncadd.s32 $0xFFFFE000  }
0x1c6: {  	[hbm4b:s18+s2] =	stream.linear.scatter [tilespmem:s5], [sflag:$0x8], $0x2000, $0x38;
	[tilespmem:$0x9400] =	vst v63  }
0x1c7: {  	_ =	swait.ge [sflag:s31], $0x2000  }
0x1c8: {  	[sflag:s31] =	ssyncset.done $0x0  }
0x1c9: {  	[sflag:s31] =	ssyncadd.s32 $0xFFFFE000  }
0x1ca: {  	[hbm4b:s19+s2] =	stream.linear.scatter [tilespmem:s6], [sflag:$0x9], $0x2000, $0x38;
	[tilespmem:$0x9400] =	vst v63  }
0x1cb: {  	_ =	swait.ge [sflag:s10], $0x2000  }
0x1cc: {  	[sflag:s10] =	ssyncset.done $0x0  }
0x1cd: {  	[sflag:s10] =	ssyncadd.s32 $0xFFFFE000  }
0x1ce: {  	[hbm4b:s17+s2] =	stream.linear.scatter [tilespmem:s7], [sflag:$0xA], $0x2000, $0x38;
	[tilespmem:$0x9400] =	vst v63  }
0x1cf: {  	_ =	swait.ge [sflag:s11], $0x2000  }
0x1d0: {  	[sflag:s11] =	ssyncset.done $0x0  }
0x1d1: {  	[sflag:s11] =	ssyncadd.s32 $0xFFFFE000  }
0x1d2: {  	_ =	swait.ge [sflag:s12], $0x2000  }
0x1d3: {  	[sflag:s12] =	ssyncset.done $0x0  }
0x1d4: {  	[sflag:s12] =	ssyncadd.s32 $0xFFFFE000  }
0x1d5: {  	_ =	swait.ge [sflag:s13], $0x2000  }
0x1d6: {  	[sflag:s13] =	ssyncset.done $0x0  }
0x1d7: {  	[sflag:s13] =	ssyncadd.s32 $0xFFFFE000  }
0x1d8: {  	_ =	swait.ge [sflag:s14], $0x2000  }
0x1d9: {  	[sflag:s14] =	ssyncset.done $0x0  }
0x1da: {  	[sflag:s14] =	ssyncadd.s32 $0xFFFFE000  }
0x1db: {  	_ =	swait.ge [sflag:s1], $0xA00  }
0x1dc: {  	[sflag:s1] =	ssyncset.done $0x0  }
0x1dd: {  	s22 =	simm.s32 $0x0;
	[sflag:s1] =	ssyncadd.s32 $0xFFFFF600  }
0x1de: {  	[tilespmem:s4], [sflag:$0x3] =	stream.indirect.gather [hbm4b:s3+s0], $0x40, s22, s0, $0xb8;
	[tilespmem:$0x9400] =	vst v63  }
0x1df: {  	s23 =	simm.s32 $0x80  }
0x1e0: {  	[tilespmem:s5], [sflag:$0x4] =	stream.indirect.gather [hbm4b:s3+s0], $0x40, s23, s0, $0xb8;
	[tilespmem:$0x9400] =	vst v63  }
0x1e1: {  	s24 =	simm.s32 $0x100  }
0x1e2: {  	[tilespmem:s6], [sflag:$0x5] =	stream.indirect.gather [hbm4b:s3+s0], $0x40, s24, s0, $0xb8;
	[tilespmem:$0x9400] =	vst v63  }
0x1e3: {  	s25 =	simm.s32 $0x180  }
0x1e4: {  	[tilespmem:s7], [sflag:$0x6] =	stream.indirect.gather [hbm4b:s3+s0], $0x40, s25, s0, $0xb8;
	[tilespmem:$0x9400] =	vst v63  }
0x1e5: {  	_ =	swait.ge [sflag:s8], $0x2000  }
0x1e6: {  	[sflag:s8] =	ssyncset.done $0x0  }
0x1e7: {  	[sflag:s8] =	ssyncadd.s32 $0xFFFFE000  }
0x1e8: {  	[hbm4b:s30+s2] =	stream.linear.scatter [tilespmem:s4], [sflag:$0x7], $0x2000, $0x38;
	[tilespmem:$0x9400] =	vst v63  }
0x1e9: {  	_ =	swait.ge [sflag:s9], $0x2000  }
0x1ea: {  	[sflag:s9] =	ssyncset.done $0x0  }
0x1eb: {  	[sflag:s9] =	ssyncadd.s32 $0xFFFFE000  }
0x1ec: {  	[hbm4b:s28+s2] =	stream.linear.scatter [tilespmem:s5], [sflag:$0x8], $0x2000, $0x38;
	[tilespmem:$0x9400] =	vst v63  }
0x1ed: {  	_ =	swait.ge [sflag:s31], $0x2000  }
0x1ee: {  	[sflag:s31] =	ssyncset.done $0x0  }
0x1ef: {  	[sflag:s31] =	ssyncadd.s32 $0xFFFFE000  }
0x1f0: {  	[hbm4b:s26+s2] =	stream.linear.scatter [tilespmem:s6], [sflag:$0x9], $0x2000, $0x38;
	[tilespmem:$0x9400] =	vst v63  }
0x1f1: {  	_ =	swait.ge [sflag:s10], $0x2000  }
0x1f2: {  	[sflag:s10] =	ssyncset.done $0x0  }
0x1f3: {  	[sflag:s10] =	ssyncadd.s32 $0xFFFFE000  }
0x1f4: {  	[hbm4b:s29+s2] =	stream.linear.scatter [tilespmem:s7], [sflag:$0xA], $0x2000, $0x38;
	[tilespmem:$0x9400] =	vst v63  }
0x1f5: {  	_ =	swait.ge [sflag:s11], $0x2000  }
0x1f6: {  	[sflag:s11] =	ssyncset.done $0x0  }
0x1f7: {  	[sflag:s11] =	ssyncadd.s32 $0xFFFFE000  }
0x1f8: {  	_ =	swait.ge [sflag:s12], $0x2000  }
0x1f9: {  	[sflag:s12] =	ssyncset.done $0x0  }
0x1fa: {  	[sflag:s12] =	ssyncadd.s32 $0xFFFFE000  }
0x1fb: {  	_ =	swait.ge [sflag:s13], $0x2000  }
0x1fc: {  	[sflag:s13] =	ssyncset.done $0x0  }
0x1fd: {  	s21 =	simm.s32 $0x800;
	s20 =	sadd.s32 $0x1000, s30;
	[sflag:s13] =	ssyncadd.s32 $0xFFFFE000  }
0x1fe: {  	s18 =	sadd.s32 $0x1000, s26;
	s19 =	sadd.s32 $0x1000, s28;
	_ =	swait.ge [sflag:s14], $0x2000  }
0x1ff: {  	s17 =	sadd.s32 $0x1000, s29;
	s23 =	simm.s32 $0x1000;
	[sflag:s14] =	ssyncset.done $0x0  }
.LBB2_10:
0x200: {  	s24 =	sshra.s32 s21, $0x2  }
0x201: {  	[sflag:s14] =	ssyncadd.s32 $0xFFFFE000;
	s21 =	smov.u32 s23;
	s22 =	sadd.s32 $0x800, s23  }
0x202: {  	[tilespmem:s4], [sflag:$0x3] =	stream.indirect.gather [hbm4b:s3+s0], $0x40, s24, s0, $0xb8;
	[tilespmem:$0x9400] =	vst v63  }
0x203: {  	p0 =	sne.s32 s23, $0x2000;
	s23 =	sadd.s32 $0x80, s24  }
0x204: {  	[tilespmem:s5], [sflag:$0x4] =	stream.indirect.gather [hbm4b:s3+s0], $0x40, s23, s0, $0xb8;
	[tilespmem:$0x9400] =	vst v63  }
0x205: {  	s23 =	sadd.s32 $0x100, s24  }
0x206: {  	[tilespmem:s6], [sflag:$0x5] =	stream.indirect.gather [hbm4b:s3+s0], $0x40, s23, s0, $0xb8;
	[tilespmem:$0x9400] =	vst v63  }
0x207: {  	s23 =	sadd.s32 $0x180, s24  }
0x208: {  	[tilespmem:s7], [sflag:$0x6] =	stream.indirect.gather [hbm4b:s3+s0], $0x40, s23, s0, $0xb8;
	[tilespmem:$0x9400] =	vst v63  }
0x209: {  	_ =	swait.ge [sflag:s8], $0x2000  }
0x20a: {  	[sflag:s8] =	ssyncset.done $0x0  }
0x20b: {  	[sflag:s8] =	ssyncadd.s32 $0xFFFFE000  }
0x20c: {  	[hbm4b:s20+s2] =	stream.linear.scatter [tilespmem:s4], [sflag:$0x7], $0x2000, $0x38;
	[tilespmem:$0x9400] =	vst v63  }
0x20d: {  	_ =	swait.ge [sflag:s9], $0x2000  }
0x20e: {  	[sflag:s9] =	ssyncset.done $0x0  }
0x20f: {  	[sflag:s9] =	ssyncadd.s32 $0xFFFFE000  }
0x210: {  	[hbm4b:s19+s2] =	stream.linear.scatter [tilespmem:s5], [sflag:$0x8], $0x2000, $0x38;
	[tilespmem:$0x9400] =	vst v63  }
0x211: {  	_ =	swait.ge [sflag:s31], $0x2000  }
0x212: {  	[sflag:s31] =	ssyncset.done $0x0  }
0x213: {  	[sflag:s31] =	ssyncadd.s32 $0xFFFFE000  }
0x214: {  	[hbm4b:s18+s2] =	stream.linear.scatter [tilespmem:s6], [sflag:$0x9], $0x2000, $0x38;
	[tilespmem:$0x9400] =	vst v63  }
0x215: {  	_ =	swait.ge [sflag:s10], $0x2000  }
0x216: {  	[sflag:s10] =	ssyncset.done $0x0  }
0x217: {  	[sflag:s10] =	ssyncadd.s32 $0xFFFFE000  }
0x218: {  	[hbm4b:s17+s2] =	stream.linear.scatter [tilespmem:s7], [sflag:$0xA], $0x2000, $0x38;
	[tilespmem:$0x9400] =	vst v63  }
0x219: {  	_ =	swait.ge [sflag:s11], $0x2000  }
0x21a: {  	[sflag:s11] =	ssyncset.done $0x0  }
0x21b: {  	[sflag:s11] =	ssyncadd.s32 $0xFFFFE000  }
0x21c: {  	_ =	swait.ge [sflag:s12], $0x2000  }
0x21d: {  	[sflag:s12] =	ssyncset.done $0x0  }
0x21e: {  	[sflag:s12] =	ssyncadd.s32 $0xFFFFE000  }
.Ltmp4:
0x21f: {  	_ =	swait.ge [sflag:s13], $0x2000;
	(pc) =	sbr.rel @p0 .LBB2_10-.Ltmp4, $4  }
0x220: {  	[sflag:s13] =	ssyncset.done $0x0  }
0x221: {  	s23 =	smov.u32 s22;
	[sflag:s13] =	ssyncadd.s32 $0xFFFFE000  }
0x222: {  	s20 =	sadd.s32 $0x1000, s20;
	s17 =	sadd.s32 $0x1000, s17;
	_ =	swait.ge [sflag:s14], $0x2000  }
0x223: {  	s19 =	sadd.s32 $0x1000, s19;
	s18 =	sadd.s32 $0x1000, s18;
	[sflag:s14] =	ssyncset.done $0x0  }
0x224: {  	s21 =	sshra.s32 s21, $0x2;
	[sflag:s14] =	ssyncadd.s32 $0xFFFFE000  }
0x225: {  	[tilespmem:s4], [sflag:$0x3] =	stream.indirect.gather [hbm4b:s3+s0], $0x40, s21, s0, $0xb8;
	[tilespmem:$0x9400] =	vst v63  }
0x226: {  	s22 =	sadd.s32 $0x80, s21  }
0x227: {  	[tilespmem:s5], [sflag:$0x4] =	stream.indirect.gather [hbm4b:s3+s0], $0x40, s22, s0, $0xb8;
	[tilespmem:$0x9400] =	vst v63  }
0x228: {  	s24 =	sadd.s32 $0x100, s21  }
0x229: {  	[tilespmem:s6], [sflag:$0x5] =	stream.indirect.gather [hbm4b:s3+s0], $0x40, s24, s0, $0xb8;
	[tilespmem:$0x9400] =	vst v63  }
0x22a: {  	s21 =	sadd.s32 $0x180, s21  }
0x22b: {  	[tilespmem:s7], [sflag:$0x6] =	stream.indirect.gather [hbm4b:s3+s0], $0x40, s21, s0, $0xb8;
	[tilespmem:$0x9400] =	vst v63  }
0x22c: {  	_ =	swait.ge [sflag:s8], $0x2000  }
0x22d: {  	[sflag:s8] =	ssyncset.done $0x0  }
0x22e: {  	[sflag:s8] =	ssyncadd.s32 $0xFFFFE000  }
0x22f: {  	[hbm4b:s20+s2] =	stream.linear.scatter [tilespmem:s4], [sflag:$0x7], $0x2000, $0x38;
	[tilespmem:$0x9400] =	vst v63  }
0x230: {  	_ =	swait.ge [sflag:s9], $0x2000  }
0x231: {  	[sflag:s9] =	ssyncset.done $0x0  }
0x232: {  	[sflag:s9] =	ssyncadd.s32 $0xFFFFE000  }
0x233: {  	[hbm4b:s19+s2] =	stream.linear.scatter [tilespmem:s5], [sflag:$0x8], $0x2000, $0x38;
	[tilespmem:$0x9400] =	vst v63  }
0x234: {  	_ =	swait.ge [sflag:s31], $0x2000  }
0x235: {  	[sflag:s31] =	ssyncset.done $0x0  }
0x236: {  	[sflag:s31] =	ssyncadd.s32 $0xFFFFE000  }
0x237: {  	[hbm4b:s18+s2] =	stream.linear.scatter [tilespmem:s6], [sflag:$0x9], $0x2000, $0x38;
	[tilespmem:$0x9400] =	vst v63  }
0x238: {  	_ =	swait.ge [sflag:s10], $0x2000  }
0x239: {  	[sflag:s10] =	ssyncset.done $0x0  }
0x23a: {  	[sflag:s10] =	ssyncadd.s32 $0xFFFFE000  }
0x23b: {  	[hbm4b:s17+s2] =	stream.linear.scatter [tilespmem:s7], [sflag:$0xA], $0x2000, $0x38;
	[tilespmem:$0x9400] =	vst v63  }
0x23c: {  	_ =	swait.ge [sflag:s11], $0x2000  }
0x23d: {  	[sflag:s11] =	ssyncset.done $0x0  }
0x23e: {  	[sflag:s11] =	ssyncadd.s32 $0xFFFFE000  }
0x23f: {  	_ =	swait.ge [sflag:s12], $0x2000  }
0x240: {  	[sflag:s12] =	ssyncset.done $0x0  }
0x241: {  	[sflag:s12] =	ssyncadd.s32 $0xFFFFE000  }
0x242: {  	_ =	swait.ge [sflag:s13], $0x2000  }
0x243: {  	[sflag:s13] =	ssyncset.done $0x0  }
0x244: {  	[sflag:s13] =	ssyncadd.s32 $0xFFFFE000  }
0x245: {  	_ =	swait.ge [sflag:s14], $0x2000  }
0x246: {  	s16 =	sadd.s32 $0x1, s16;
	s25 =	rddreg [dreg:$0x7]  }
0x247: {  	p0 =	sne.s32 s16, s25  }
.Ltmp5:
0x248: {  	_ = 	snop;
	(pc) =	sbr.rel @p0 .LBB2_1-.Ltmp5, $3  }
0x249: {  	_ =	sdelay $0x1  }
0x24a: {  	[sflag:s14] =	ssyncset.done $0x0  }
0x24b: {  	[sflag:s14] =	ssyncadd.s32 $0xFFFFE000  }
0x24c: {  	_ =	sfence.sel $0x180000  }
0x24d: {  	[bflag:$0x0] =	sbarrier.arrive $0xFFFF  }
0x24e: {  	_ =	strace $0x90000047  }
0x24f: {  	s0 =	stileid.u32;
	[bflag:$0x2] =	sbarrier.arrive $0xFFFF  }
0x250: {  	p0 =	sne.s32 s0, $0x0;
	s0 =	rddreg [dreg:$0x1]  }
0x251: {  	s0 =	sadd.s32 @!p0 $0x100000, s0  }
0x252: {  	[sflag:s0] =	ssyncadd.tile.s32 @!p0 $0x1;
	_ =	shalt  }
.Lfunc_end2:
_tile_overlayer_lowered:
.L_overlay_start_2:
0x253: {  	(tag) =	ssettag $0x2  }
0x254: {  	s0 =	rddreg [dreg:$0x0];
	s2 =	stileid.u32  }
0x255: {  	s1 =	rddreg [dreg:$0x1];
	p0 =	sne.s32 s2, $0x0  }
0x256: {  	s3 =	rddreg [dreg:$0x2];
	[bflag:$0x3] =	sbarrier.arrive $0xFFFF;
	s2 =	simm.s32 @!p0 $0x1C0B  }
0x257: {  	[timem:s3], [sflag:s2] =	dma.local @!p0 [hbm:s0], s1  }
0x258: {  	s0 =	simm.s32 @!p0 $0xB  }
0x259: {  	_ =	swait.ge @!p0 [sflag:s0], s1  }
0x25a: {  	s1 =	ssub.s32 @!p0 $0x0, s1;
	[sflag:s0] =	ssyncset.done @!p0 $0x0  }
0x25b: {  	[sflag:s0] =	ssyncadd.s32 @!p0 s1  }
0x25c: {  	[bflag:$0x3] =	sbarrier.arrive $0xFFFF  }
0x25d: {  	_ =	shalt  }

// kernel: sparse-core-data-format-call.1.cloned.1.call-start
scs
called_computation.1_lowered:
.L_overlay_start_0:
0x0: {  	s2 =	sld [smem:$0x3FD9]  }
0x1: {  	s3 =	sld [smem:$0x3FFE];
	_ =	sdelay $0x1  }
0x2: {  	s1 =	srdreg.scid  }
0x3: {  	s0 =	sand.u32 $0x1, s1  }
0x4: {  	s18 =	sshll.u32 s0, $0xA;
	s2 =	sadd.s32 s3, s2  }
0x5: {  	s2 =	sadd.s32 s2, s18  }
0x6: {  	[smem:$0x3FC6] =	sst s2  }
0x7: {  	_ = 	snop  }
0x8: {  	(tm) =	ssettm $0x1  }
0x9: {  	s19 =	sld [smem:$0x3FFB];
	_ =	sdelay $0x3  }
0xa: {  	_ =	strace s19  }
0xb: {  	s2 =	sld [smem:$0x3FFC];
	_ =	sdelay $0x3  }
0xc: {  	_ =	strace s2  }
0xd: {  	s2 =	sld [smem:$0x3FFD];
	_ =	sdelay $0x3  }
0xe: {  	_ =	strace s2  }
0xf: {  	_ =	strace $0x8FFFFFFF  }
0x10: {  	s20 =	sld [smem:$0x3FDB];
	_ =	sdelay $0x1  }
0x11: {  	s21 =	simm.s32 $_scs_section_size  }
0x12: {  	s4 =	simm.s32 $_size__tile_overlayer_lowered;
	s5 =	simm.s32 $_tile_overlayer_lowered  }
0x13: {  	s6 =	simm.s32 $0x1BFF;
	s22 =	sshll.u32 s5, $0x1;
	s3 =	sadd.s32 s21, s20  }
0x14: {  	s23 =	simm.s32 $0x0;
	s4 =	sshll.u32 s4, $0x1;
	s5 =	sadd.s32 s22, s3  }
0x15: {  	[timem:s23], [sflag:s6] =	dma.local [hbm:s5], s4  }
0x16: {  	_ =	swait.ge [sflag:s6], s4  }
0x17: {  	s4 =	ssub.s32 $0x0, s4;
	[sflag:s6] =	ssyncset.done $0x0  }
0x18: {  	[sflag:s6] =	ssyncadd.s32 s4;
	_ =	sdelay $0x1  }
0x19: {  	s24 =	simm.s32 $0x1B8B  }
0x1a: {  	_ =	swait.ge [sflag:s24], $0x1  }
0x1b: {  	[sflag:s24] =	ssyncset.done $0x0  }
0x1c: {  	[sflag:s24] =	ssyncadd.s32 $0xFFFFFFFF  }
0x1d: {  	s4 =	sld [smem:$0x0]  }
0x1e: {  	s5 =	sand.u32 $0xFFFFFFFE, s1  }
0x1f: {  	p0 =	sne.s32 s1, s5  }
0x20: {  	s5 =	sshll.u32 @p0 s5, $0xE  }
0x21: {  	s5 =	sadd.s32 @p0 $0x11B8D, s5;
	s6 =	sshll.u32 @p0 s4, $0x11  }
0x22: {  	s5 =	sor.u32 @p0 s6, s5  }
0x23: {  	[sflag:s5] =	ssyncadd.remote.s32 @p0 $0x1;
	_ =	sdelay $0x1  }
0x24: {  	s5 =	simm.s32 @p0 $0x1B8D  }
0x25: {  	_ =	swait.eq @p0 [sflag:s5], $0x1  }
0x26: {  	[sflag:s5] =	ssyncadd.s32 @p0 $0xFFFFFFFF  }
0x27: {  	s6 =	sshll.u32 @!p0 s1, $0xE  }
0x28: {  	s6 =	sor.u32 @!p0 $0x4000, s6;
	s5 =	simm.s32 @!p0 $0x1B8D  }
0x29: {  	s4 =	sshll.u32 @!p0 s4, $0x11;
	s6 =	sadd.s32 @!p0 $0x11B8D, s6;
	_ =	swait.eq @!p0 [sflag:s5], $0x1  }
0x2a: {  	s4 =	sor.u32 @!p0 s4, s6;
	[sflag:s5] =	ssyncadd.s32 @!p0 $0xFFFFFFFF  }
0x2b: {  	s26 =	simm.s32 $0x1B8E;
	s25 =	sld [smem:$0x3FFE];
	[sflag:s4] =	ssyncadd.remote.s32 @!p0 $0x1  }
0x2c: {  	s27 =	simm.s32 $execute0_lowered;
	[smem:$0x3FD2] =	sst s26  }
0x2d: {  	s5 =	sshll.u32 s27, $0x1;
	_ =	strace $0x8000004C;
	[dreg:$0x1] =	wrdreg $0xFFFFFFFF  }
0x2e: {  	s28 =	simm.s32 $_size_execute0_lowered;
	s3 =	sadd.s32 s3, s5;
	[dreg:$0x0] =	wrdreg $0x0  }
0x2f: {  	s5 =	sshll.u32 s28, $0x1;
	[dreg:$0x2] =	wrdreg s3  }
0x30: {  	[dreg:$0x3] =	wrdreg s5  }
0x31: {  	[dreg:$0x4] =	wrdreg $0xC0  }
0x32: {  	_ =	task [dreg:s23], $0x5FFFF  }
0x33: {  	[dreg:$0x1] =	wrdreg $0xFFFFFFFF  }
0x34: {  	[dreg:$0x0] =	wrdreg $0x60  }
0x35: {  	[dreg:$0x2] =	wrdreg s25  }
0x36: {  	[dreg:$0x3] =	wrdreg $0x9  }
0x37: {  	_ =	task.clear_ibuf [dreg:s23], $0x4FFFF;
	_ =	strace $0x9000004C  }
0x38: {  	s29 =	simm.s32 $0x9;
	_ =	strace $0x8000004E  }
0x39: {  	_ =	swait.ge [sflag:s29], $0x1  }
0x3a: {  	[sflag:s29] =	ssyncadd.s32 $0xFFFFFFFF  }
0x3b: {  	_ =	strace $0x9000004E  }
0x3c: {  	_ =	sfence  }
0x3d: {  	s30 =	sld [smem:$0x0];
	_ =	sdelay $0x2  }
0x3e: {  	s31 =	sshll.u32 s1, $0xD;
	s1 =	sshrl.u32 s1, $0x2  }
0x3f: {  	s4 =	sand.u32 $0x4000, s31;
	s1 =	sadd.s32 s1, s30  }
0x40: {  	s0 =	sor.u32 s4, s0;
	s1 =	sshll.u32 s1, $0x11  }
0x41: {  	s0 =	sor.u32 s1, s0  }
0x42: {  	s0 =	sadd.s32 $0x8F2B, s0  }
0x43: {  	[sflag:s0] =	ssyncadd.remote.s32 $0x1  }
0x44: {  	_ =	sfence.sel $0xFFFF  }
0x45: {  	[dreg:$0x0] =	wrdreg $0xFFFFFFFF;
	(pc) =	sbr.abs _section_cstart, $3  }
0x46: {  	[dreg:$0x1] =	wrdreg $0xFFFFFFFF  }
0x47: {  	_ =	task.clear_ibuf [dreg:s23], $0x2FFFF;
	_ =	strace $0x9FFFFFFF  }
0x48: {  	(tm) =	ssettm $0x7FFFFFFF  }
0x49: {  	_ =	shalt  }
tec
execute0_lowered:
.L_overlay_start_1:
0x0: {  	(tag) =	ssettag $0x1  }
0x1: {  	s0 =	srdreg.scid  }
0x2: {  	s1 =	sshll.u32 s0, $0x4  }
0x3: {  	s0 =	stileid.u32;
	s1 =	sand.u32 $0x10, s1  }
0x4: {  	s1 =	sor.u32 s0, s1  }
0x5: {  	s6 =	rddreg [dreg:$0x0];
	s7 =	simm.s32 $0x2;
	s2 =	sshll.u32 s1, $0x7  }
0x6: {  	s12 =	simm.s32 $0x0;
	s8 =	simm.s32 $0x10000;
	s1 =	ssub.s32 $0x2000, s2  }
0x7: {  	s13 =	simm.s32 $0x0;
	s9 =	simm.s32 $0x0;
	s3 =	sand.u32 $0xF80, s1  }
0x8: {  	s11 =	simm.s32 $0x0;
	p0 =	sne.s32 s3, $0x0;
	s3 =	simm.s32 $0x1  }
.Ltmp0:
0x9: {  	s4 =	sshrl.u32 s1, $0xC;
	s3 =	simm.s32 @!p0 $0x0;
	(pc) =	sbr.rel .LBB1_1-.Ltmp0, $4  }
0xa: {  	s5 =	sadd.s32 $0x33A600, s6;
	s1 =	rddreg [dreg:$0x1];
	s4 =	sadd.s32 s3, s4  }
0xb: {  	_ =	strace $0x8000004D;
	s3 =	simm.s32 $0x1;
	s4 =	smul.u32 $0x32, s4  }
0xc: {  	s6 =	sadd.s32 $0x1600, s6;
	s10 =	smov.u32 s2;
	[sflag:s3] =	ssyncpa.u1 $0x0  }
0xd: {  	p0 =	por $0x0, $0x0;
	[sflag:s7] =	ssyncpa.u1 $0x0;
	s7 =	sor.u32 $0x1, s4  }
.LBB1_4:
0xe: {  	s16 =	sshll.u32 s13, $0x3;
	s17 =	sand.u32 $0x78, s13  }
0xf: {  	s30 =	sand.u32 $0xFC00, s13;
	s12 =	sshll.u32 s12, $0x10;
	s16 =	sand.u32 $0x1C00, s16  }
0x10: {  	[tilespmem:s15+$0x810 ss:$0x81] =	vst.msk $0xffff, v2;
	s31 =	sand.u32 $0x7, s13;
	s16 =	sor.u32 s17, s16;
	s17 =	sadd.s32 s6, s30  }
0x11: {  	[tilespmem:s15+$0x1020 ss:$0x81] =	vst.msk $0xffff, v0;
	s13 =	sshll.u32 s31, $0x12;
	s12 =	sadd.s32 s12, s17;
	s16 =	sshrl.u32 s16, $0x3  }
0x12: {  	[tilespmem:s15+$0x0 ss:$0x81] =	vst.msk $0xffff, v1;
	s13 =	sor.u32 $0x400, s13;
	s12 =	sadd.s32 s16, s12  }
0x13: {  	[hbm4b:s12+s13] =	stream.strided.scatter [tilespmem:s14], [sflag:$0x2], $0x2000, s8, s13, $0x20;
	[tilespmem:$0x8080] =	vst v63  }
.LBB1_5:
0x14: {  	s14 =	sadd.s32 $0x1, s9  }
0x15: {  	s12 =	sadd.s32 $0x1000, s10;
	s16 =	smov.u32 s10;
	p2 =	sgt.s32 s14, $0x31  }
0x16: {  	s16 =	smov.u32 @p2 s12  }
0x17: {  	s14 =	simm.s32 @p2 $0x0;
	p2 =	sgt.s32 s16, $0x1FFF  }
0x18: {  	s16 =	smov.u32 @p2 s2;
	p2 =	sne.s32 s11, s7  }
.Ltmp1:
0x19: {  	p1 =	slt.u32 s11, $0x2;
	(pc) =	sbr.rel @!p2 .LBB1_6-.Ltmp1, $4  }
0x1a: {  	s15 =	simm.s32 @!p1 $0x2  }
0x1b: {  	s13 =	smov.u32 s10;
	p0 =	por !p0, !p0;
	_ =	swait.ge @!p1 [sflag:s15], $0x2000  }
0x1c: {  	s12 =	smov.u32 s9;
	[sflag:s15] =	ssyncset.done @!p1 $0x0;
	s9 =	smov.u32 s14  }
0x1d: {  	s11 =	sadd.s32 $0x1, s11;
	[sflag:s15] =	ssyncadd.s32 @!p1 $0xFFFFE000;
	s10 =	smov.u32 s16  }
.LBB1_1:
0x1e: {  	p1 =	sge.u32 s11, s4  }
0x1f: {  	s14 =	sand.u32 @!p1 $0x1FFFFFF, s9  }
0x20: {  	s15 =	smulhi.u32 @!p1 $0x4924925, s14;
	_ =	sdelay $0x1  }
0x21: {  	s15 =	smul.u32 @!p1 $0x38, s15  }
0x22: {  	s16 =	sxor.u32 @!p1 $0xFFFFFFFF, s11;
	s17 =	smul.u32 @!p1 $0x380, s10  }
0x23: {  	s31 =	sadd.s32 $0xFFFFFFFF, s11;
	s16 =	sshll.u32 @!p1 s16, $0xD;
	s14 =	ssub.s32 @!p1 s14, s15  }
0x24: {  	s15 =	sand.u32 @!p1 $0x2000, s16;
	s16 =	sadd.s32 @!p1 s5, s17;
	s14 =	sshll.u32 @!p1 s14, $0x4  }
0x25: {  	s17 =	simm.s32 @!p1 $0x1C00;
	s14 =	sadd.s32 @!p1 s14, s16;
	s16 =	simm.s32 @!p1 $0x40  }
0x26: {  	[tilespmem:s15], [sflag:$0x1] =	stream.strided.gather @!p1 [hbm4b:s14+s16], $0x2000, s17, s16, $0x38;
	[tilespmem:$0x8080] =	vst v63  }
0x27: {  	p1 =	sge.u32 s31, s4  }
.Ltmp2:
0x28: {  	_ = 	snop;
	(pc) =	sbr.rel @p1 .LBB1_5-.Ltmp2, $1  }
0x29: {  	_ =	sdelay $0x3  }
0x2a: {  	s14 =	simm.s32 $0x1  }
0x2b: {  	_ =	swait.ge [sflag:s3], $0x2000;
	s14 =	simm.s32 @!p0 $0x0  }
0x2c: {  	[sflag:s3] =	ssyncset.done $0x0;
	s15 =	sshll.u32 s14, $0xD  }
0x2d: {  	[sflag:s3] =	ssyncadd.s32 $0xFFFFE000;
	s18 =	sor.u32 $0x20, s15  }
0x2e: {  	s14 =	smul.u32 $0x8100, s14;
	v3 =	vld [tilespmem:s18+$0x10]  }
0x2f: {  	s30 =	sand.u32 $0x1, s11;
	v2 =	vld [tilespmem:s18+$0xFFFFFFF0]  }
0x30: {  	s15 =	smul.u32 $0x8100, s30;
	s14 =	sshrl.u32 s14, $0x2;
	v0 =	vld [tilespmem:s18+$0x0]  }
0x31: {  	v1 =	vld [tilespmem:s18+$0xFFFFFFE0];
	s16 =	sor.u32 $0x4000, s14  }
0x32: {  	s31 =	sshrl.u32 s15, $0x2;
	s15 =	sadd.s32 $0x0, s16  }
0x33: {  	s17 =	simm.s32 $0x4;
	s18 =	sadd.s32 $0x40, s18;
	s14 =	sor.u32 $0x4000, s31;
	[tilespmem:s15+$0x1830 ss:$0x81] =	vst.msk $0xffff, v3  }
.LBB1_3:
0x34: {  	v3 =	vld [tilespmem:s18+$0x10];
	p1 =	sne.s32 s17, $0x1FC;
	[tilespmem:s15+$0x810 ss:$0x81] =	vst.msk $0xffff, v2;
	s19 =	smov.u32 s17;
	s17 =	sadd.s32 $0x4, s17  }
.Ltmp3:
0x35: {  	v2 =	vld [tilespmem:s18+$0xFFFFFFF0];
	[tilespmem:s15+$0x1020 ss:$0x81] =	vst.msk $0xffff, v0;
	(pc) =	sbr.rel @p1 .LBB1_3-.Ltmp3, $4  }
0x36: {  	v0 =	vld [tilespmem:s18+$0x0];
	[tilespmem:s15+$0x0 ss:$0x81] =	vst.msk $0xffff, v1  }
0x37: {  	s15 =	sshra.s32 s19, $0x2;
	v1 =	vld [tilespmem:s18+$0xFFFFFFE0]  }
0x38: {  	s15 =	sadd.s32 s15, s16  }
0x39: {  	s18 =	sadd.s32 $0x40, s18;
	[tilespmem:s15+$0x1830 ss:$0x81] =	vst.msk $0xffff, v3  }
.Ltmp4:
0x3a: {  	_ = 	snop;
	(pc) =	sbr.rel .LBB1_4-.Ltmp4, $1  }
0x3b: {  	_ =	sdelay $0x3  }
.LBB1_6:
0x3c: {  	_ =	sfence.sel $0x180000  }
0x3d: {  	s2 =	simm.s32 $0x1;
	[bflag:$0x0] =	sbarrier.arrive $0xFFFF  }
0x3e: {  	s31 =	simm.s32 $0x2;
	[sflag:s2] =	ssyncpa.u1 $0x1  }
0x3f: {  	[sflag:s31] =	ssyncpa.u1 $0x1  }
0x40: {  	p0 =	sne.s32 s0, $0x0;
	_ =	strace $0x9000004D  }
0x41: {  	s0 =	sadd.s32 @!p0 $0x100000, s1;
	[bflag:$0x2] =	sbarrier.arrive $0xFFFF  }
0x42: {  	[sflag:s0] =	ssyncadd.tile.s32 @!p0 $0x1;
	_ =	shalt  }
.Lfunc_end1:
_tile_overlayer_lowered:
.L_overlay_start_2:
0x43: {  	(tag) =	ssettag $0x2  }
0x44: {  	s0 =	rddreg [dreg:$0x0];
	s2 =	stileid.u32  }
0x45: {  	s1 =	rddreg [dreg:$0x1];
	p0 =	sne.s32 s2, $0x0  }
0x46: {  	s3 =	rddreg [dreg:$0x2];
	[bflag:$0x3] =	sbarrier.arrive $0xFFFF;
	s2 =	simm.s32 @!p0 $0x1C01  }
0x47: {  	[timem:s3], [sflag:s2] =	dma.local @!p0 [hbm:s0], s1  }
0x48: {  	s0 =	simm.s32 @!p0 $0x1  }
0x49: {  	_ =	swait.ge @!p0 [sflag:s0], s1  }
0x4a: {  	s1 =	ssub.s32 @!p0 $0x0, s1;
	[sflag:s0] =	ssyncset.done @!p0 $0x0  }
0x4b: {  	[sflag:s0] =	ssyncadd.s32 @!p0 s1  }
0x4c: {  	[bflag:$0x3] =	sbarrier.arrive $0xFFFF  }
0x4d: {  	_ =	shalt  }

// kernel: sparse-core-data-format-call.cloned.1.call-start
scs
called_computation_lowered:
.L_overlay_start_0:
0x0: {  	s2 =	sld [smem:$0x3FD9]  }
0x1: {  	s3 =	sld [smem:$0x3FFE];
	_ =	sdelay $0x1  }
0x2: {  	s1 =	srdreg.scid  }
0x3: {  	s0 =	sand.u32 $0x1, s1  }
0x4: {  	s18 =	sshll.u32 s0, $0xA;
	s2 =	sadd.s32 s3, s2  }
0x5: {  	s2 =	sadd.s32 s2, s18  }
0x6: {  	[smem:$0x3FC6] =	sst s2  }
0x7: {  	_ = 	snop  }
0x8: {  	(tm) =	ssettm $0x1  }
0x9: {  	s19 =	sld [smem:$0x3FFB];
	_ =	sdelay $0x3  }
0xa: {  	_ =	strace s19  }
0xb: {  	s2 =	sld [smem:$0x3FFC];
	_ =	sdelay $0x3  }
0xc: {  	_ =	strace s2  }
0xd: {  	s2 =	sld [smem:$0x3FFD];
	_ =	sdelay $0x3  }
0xe: {  	_ =	strace s2  }
0xf: {  	_ =	strace $0x8FFFFFFF  }
0x10: {  	s20 =	sld [smem:$0x3FDB];
	_ =	sdelay $0x1  }
0x11: {  	s21 =	simm.s32 $_scs_section_size  }
0x12: {  	s4 =	simm.s32 $_size__tile_overlayer_lowered;
	s5 =	simm.s32 $_tile_overlayer_lowered  }
0x13: {  	s6 =	simm.s32 $0x1BFF;
	s22 =	sshll.u32 s5, $0x1;
	s3 =	sadd.s32 s21, s20  }
0x14: {  	s23 =	simm.s32 $0x0;
	s4 =	sshll.u32 s4, $0x1;
	s5 =	sadd.s32 s22, s3  }
0x15: {  	[timem:s23], [sflag:s6] =	dma.local [hbm:s5], s4  }
0x16: {  	_ =	swait.ge [sflag:s6], s4  }
0x17: {  	s4 =	ssub.s32 $0x0, s4;
	[sflag:s6] =	ssyncset.done $0x0  }
0x18: {  	[sflag:s6] =	ssyncadd.s32 s4;
	_ =	sdelay $0x1  }
0x19: {  	s24 =	simm.s32 $0x1B8B  }
0x1a: {  	_ =	swait.ge [sflag:s24], $0x1  }
0x1b: {  	[sflag:s24] =	ssyncset.done $0x0  }
0x1c: {  	[sflag:s24] =	ssyncadd.s32 $0xFFFFFFFF  }
0x1d: {  	s4 =	sld [smem:$0x0]  }
0x1e: {  	s5 =	sand.u32 $0xFFFFFFFE, s1  }
0x1f: {  	p0 =	sne.s32 s1, s5  }
0x20: {  	s5 =	sshll.u32 @p0 s5, $0xE  }
0x21: {  	s5 =	sadd.s32 @p0 $0x11B8D, s5;
	s6 =	sshll.u32 @p0 s4, $0x11  }
0x22: {  	s5 =	sor.u32 @p0 s6, s5  }
0x23: {  	[sflag:s5] =	ssyncadd.remote.s32 @p0 $0x1;
	_ =	sdelay $0x1  }
0x24: {  	s5 =	simm.s32 @p0 $0x1B8D  }
0x25: {  	_ =	swait.eq @p0 [sflag:s5], $0x1  }
0x26: {  	[sflag:s5] =	ssyncadd.s32 @p0 $0xFFFFFFFF  }
0x27: {  	s6 =	sshll.u32 @!p0 s1, $0xE  }
0x28: {  	s6 =	sor.u32 @!p0 $0x4000, s6;
	s5 =	simm.s32 @!p0 $0x1B8D  }
0x29: {  	s4 =	sshll.u32 @!p0 s4, $0x11;
	s6 =	sadd.s32 @!p0 $0x11B8D, s6;
	_ =	swait.eq @!p0 [sflag:s5], $0x1  }
0x2a: {  	s4 =	sor.u32 @!p0 s4, s6;
	[sflag:s5] =	ssyncadd.s32 @!p0 $0xFFFFFFFF  }
0x2b: {  	s26 =	simm.s32 $0x1B8E;
	s25 =	sld [smem:$0x3FFE];
	[sflag:s4] =	ssyncadd.remote.s32 @!p0 $0x1  }
0x2c: {  	s27 =	simm.s32 $execute0_lowered;
	[smem:$0x3FD2] =	sst s26  }
0x2d: {  	s5 =	sshll.u32 s27, $0x1;
	_ =	strace $0x8000004F;
	[dreg:$0x1] =	wrdreg $0xFFFFFFFF  }
0x2e: {  	s28 =	simm.s32 $_size_execute0_lowered;
	s3 =	sadd.s32 s3, s5;
	[dreg:$0x0] =	wrdreg $0x0  }
0x2f: {  	s5 =	sshll.u32 s28, $0x1;
	[dreg:$0x2] =	wrdreg s3  }
0x30: {  	[dreg:$0x3] =	wrdreg s5  }
0x31: {  	[dreg:$0x4] =	wrdreg $0xC0  }
0x32: {  	_ =	task [dreg:s23], $0x5FFFF  }
0x33: {  	[dreg:$0x1] =	wrdreg $0xFFFFFFFF  }
0x34: {  	[dreg:$0x0] =	wrdreg $0x60  }
0x35: {  	[dreg:$0x2] =	wrdreg s25  }
0x36: {  	[dreg:$0x3] =	wrdreg $0xA  }
0x37: {  	_ =	task.clear_ibuf [dreg:s23], $0x4FFFF;
	_ =	strace $0x9000004F  }
0x38: {  	s29 =	simm.s32 $0xA;
	_ =	strace $0x80000051  }
0x39: {  	_ =	swait.ge [sflag:s29], $0x1  }
0x3a: {  	[sflag:s29] =	ssyncadd.s32 $0xFFFFFFFF  }
0x3b: {  	_ =	strace $0x90000051  }
0x3c: {  	_ =	sfence  }
0x3d: {  	s30 =	sld [smem:$0x0];
	_ =	sdelay $0x2  }
0x3e: {  	s31 =	sshll.u32 s1, $0xD;
	s1 =	sshrl.u32 s1, $0x2  }
0x3f: {  	s4 =	sand.u32 $0x4000, s31;
	s1 =	sadd.s32 s1, s30  }
0x40: {  	s0 =	sor.u32 s4, s0;
	s1 =	sshll.u32 s1, $0x11  }
0x41: {  	s0 =	sor.u32 s1, s0  }
0x42: {  	s0 =	sadd.s32 $0x8F2B, s0  }
0x43: {  	[sflag:s0] =	ssyncadd.remote.s32 $0x1  }
0x44: {  	_ =	sfence.sel $0xFFFF  }
0x45: {  	[dreg:$0x0] =	wrdreg $0xFFFFFFFF;
	(pc) =	sbr.abs _section_cstart, $3  }
0x46: {  	[dreg:$0x1] =	wrdreg $0xFFFFFFFF  }
0x47: {  	_ =	task.clear_ibuf [dreg:s23], $0x2FFFF;
	_ =	strace $0x9FFFFFFF  }
0x48: {  	(tm) =	ssettm $0x7FFFFFFF  }
0x49: {  	_ =	shalt  }
tec
execute0_lowered:
.L_overlay_start_1:
0x0: {  	(tag) =	ssettag $0x1  }
0x1: {  	s0 =	srdreg.scid  }
0x2: {  	s1 =	sshll.u32 s0, $0x4  }
0x3: {  	s0 =	stileid.u32;
	s1 =	sand.u32 $0x10, s1  }
0x4: {  	s1 =	sor.u32 s0, s1  }
0x5: {  	s6 =	rddreg [dreg:$0x0];
	s7 =	simm.s32 $0x2;
	s2 =	sshll.u32 s1, $0x7  }
0x6: {  	s12 =	simm.s32 $0x0;
	s8 =	simm.s32 $0x10000;
	s1 =	ssub.s32 $0x2000, s2  }
0x7: {  	s13 =	simm.s32 $0x0;
	s9 =	simm.s32 $0x0;
	s3 =	sand.u32 $0xF80, s1  }
0x8: {  	s11 =	simm.s32 $0x0;
	p0 =	sne.s32 s3, $0x0;
	s3 =	simm.s32 $0x1  }
.Ltmp0:
0x9: {  	s4 =	sshrl.u32 s1, $0xC;
	s3 =	simm.s32 @!p0 $0x0;
	(pc) =	sbr.rel .LBB1_1-.Ltmp0, $4  }
0xa: {  	s5 =	sadd.s32 $0xA3A600, s6;
	s1 =	rddreg [dreg:$0x1];
	s4 =	sadd.s32 s3, s4  }
0xb: {  	_ =	strace $0x80000050;
	s3 =	simm.s32 $0x1;
	s4 =	smul.u32 $0x32, s4  }
0xc: {  	s6 =	sadd.s32 $0x113A600, s6;
	s10 =	smov.u32 s2;
	[sflag:s3] =	ssyncpa.u1 $0x0  }
0xd: {  	p0 =	por $0x0, $0x0;
	[sflag:s7] =	ssyncpa.u1 $0x0;
	s7 =	sor.u32 $0x1, s4  }
.LBB1_4:
0xe: {  	s16 =	sshll.u32 s13, $0x3;
	s17 =	sand.u32 $0x78, s13  }
0xf: {  	s30 =	sand.u32 $0xFC00, s13;
	s12 =	sshll.u32 s12, $0x10;
	s16 =	sand.u32 $0x1C00, s16  }
0x10: {  	[tilespmem:s15+$0x810 ss:$0x81] =	vst.msk $0xffff, v2;
	s31 =	sand.u32 $0x7, s13;
	s16 =	sor.u32 s17, s16;
	s17 =	sadd.s32 s6, s30  }
0x11: {  	[tilespmem:s15+$0x1020 ss:$0x81] =	vst.msk $0xffff, v0;
	s13 =	sshll.u32 s31, $0x12;
	s12 =	sadd.s32 s12, s17;
	s16 =	sshrl.u32 s16, $0x3  }
0x12: {  	[tilespmem:s15+$0x0 ss:$0x81] =	vst.msk $0xffff, v1;
	s13 =	sor.u32 $0x400, s13;
	s12 =	sadd.s32 s16, s12  }
0x13: {  	[hbm4b:s12+s13] =	stream.strided.scatter [tilespmem:s14], [sflag:$0x2], $0x2000, s8, s13, $0x20;
	[tilespmem:$0x8080] =	vst v63  }
.LBB1_5:
0x14: {  	s14 =	sadd.s32 $0x1, s9  }
0x15: {  	s12 =	sadd.s32 $0x1000, s10;
	s16 =	smov.u32 s10;
	p2 =	sgt.s32 s14, $0x31  }
0x16: {  	s16 =	smov.u32 @p2 s12  }
0x17: {  	s14 =	simm.s32 @p2 $0x0;
	p2 =	sgt.s32 s16, $0x1FFF  }
0x18: {  	s16 =	smov.u32 @p2 s2;
	p2 =	sne.s32 s11, s7  }
.Ltmp1:
0x19: {  	p1 =	slt.u32 s11, $0x2;
	(pc) =	sbr.rel @!p2 .LBB1_6-.Ltmp1, $4  }
0x1a: {  	s15 =	simm.s32 @!p1 $0x2  }
0x1b: {  	s13 =	smov.u32 s10;
	p0 =	por !p0, !p0;
	_ =	swait.ge @!p1 [sflag:s15], $0x2000  }
0x1c: {  	s12 =	smov.u32 s9;
	[sflag:s15] =	ssyncset.done @!p1 $0x0;
	s9 =	smov.u32 s14  }
0x1d: {  	s11 =	sadd.s32 $0x1, s11;
	[sflag:s15] =	ssyncadd.s32 @!p1 $0xFFFFE000;
	s10 =	smov.u32 s16  }
.LBB1_1:
0x1e: {  	p1 =	sge.u32 s11, s4  }
0x1f: {  	s14 =	sand.u32 @!p1 $0x1FFFFFF, s9  }
0x20: {  	s15 =	smulhi.u32 @!p1 $0x4924925, s14;
	_ =	sdelay $0x1  }
0x21: {  	s15 =	smul.u32 @!p1 $0x38, s15  }
0x22: {  	s16 =	sxor.u32 @!p1 $0xFFFFFFFF, s11;
	s17 =	smul.u32 @!p1 $0x380, s10  }
0x23: {  	s31 =	sadd.s32 $0xFFFFFFFF, s11;
	s16 =	sshll.u32 @!p1 s16, $0xD;
	s14 =	ssub.s32 @!p1 s14, s15  }
0x24: {  	s15 =	sand.u32 @!p1 $0x2000, s16;
	s16 =	sadd.s32 @!p1 s5, s17;
	s14 =	sshll.u32 @!p1 s14, $0x4  }
0x25: {  	s17 =	simm.s32 @!p1 $0x1C00;
	s14 =	sadd.s32 @!p1 s14, s16;
	s16 =	simm.s32 @!p1 $0x40  }
0x26: {  	[tilespmem:s15], [sflag:$0x1] =	stream.strided.gather @!p1 [hbm4b:s14+s16], $0x2000, s17, s16, $0x38;
	[tilespmem:$0x8080] =	vst v63  }
0x27: {  	p1 =	sge.u32 s31, s4  }
.Ltmp2:
0x28: {  	_ = 	snop;
	(pc) =	sbr.rel @p1 .LBB1_5-.Ltmp2, $1  }
0x29: {  	_ =	sdelay $0x3  }
0x2a: {  	s14 =	simm.s32 $0x1  }
0x2b: {  	_ =	swait.ge [sflag:s3], $0x2000;
	s14 =	simm.s32 @!p0 $0x0  }
0x2c: {  	[sflag:s3] =	ssyncset.done $0x0;
	s15 =	sshll.u32 s14, $0xD  }
0x2d: {  	[sflag:s3] =	ssyncadd.s32 $0xFFFFE000;
	s18 =	sor.u32 $0x20, s15  }
0x2e: {  	s14 =	smul.u32 $0x8100, s14;
	v3 =	vld [tilespmem:s18+$0x10]  }
0x2f: {  	s30 =	sand.u32 $0x1, s11;
	v2 =	vld [tilespmem:s18+$0xFFFFFFF0]  }
0x30: {  	s15 =	smul.u32 $0x8100, s30;
	s14 =	sshrl.u32 s14, $0x2;
	v0 =	vld [tilespmem:s18+$0x0]  }
0x31: {  	v1 =	vld [tilespmem:s18+$0xFFFFFFE0];
	s16 =	sor.u32 $0x4000, s14  }
0x32: {  	s31 =	sshrl.u32 s15, $0x2;
	s15 =	sadd.s32 $0x0, s16  }
0x33: {  	s17 =	simm.s32 $0x4;
	s18 =	sadd.s32 $0x40, s18;
	s14 =	sor.u32 $0x4000, s31;
	[tilespmem:s15+$0x1830 ss:$0x81] =	vst.msk $0xffff, v3  }
.LBB1_3:
0x34: {  	v3 =	vld [tilespmem:s18+$0x10];
	p1 =	sne.s32 s17, $0x1FC;
	[tilespmem:s15+$0x810 ss:$0x81] =	vst.msk $0xffff, v2;
	s19 =	smov.u32 s17;
	s17 =	sadd.s32 $0x4, s17  }
.Ltmp3:
0x35: {  	v2 =	vld [tilespmem:s18+$0xFFFFFFF0];
	[tilespmem:s15+$0x1020 ss:$0x81] =	vst.msk $0xffff, v0;
	(pc) =	sbr.rel @p1 .LBB1_3-.Ltmp3, $4  }
0x36: {  	v0 =	vld [tilespmem:s18+$0x0];
	[tilespmem:s15+$0x0 ss:$0x81] =	vst.msk $0xffff, v1  }
0x37: {  	s15 =	sshra.s32 s19, $0x2;
	v1 =	vld [tilespmem:s18+$0xFFFFFFE0]  }
0x38: {  	s15 =	sadd.s32 s15, s16  }
0x39: {  	s18 =	sadd.s32 $0x40, s18;
	[tilespmem:s15+$0x1830 ss:$0x81] =	vst.msk $0xffff, v3  }
.Ltmp4:
0x3a: {  	_ = 	snop;
	(pc) =	sbr.rel .LBB1_4-.Ltmp4, $1  }
0x3b: {  	_ =	sdelay $0x3  }
.LBB1_6:
0x3c: {  	_ =	sfence.sel $0x180000  }
0x3d: {  	s2 =	simm.s32 $0x1;
	[bflag:$0x0] =	sbarrier.arrive $0xFFFF  }
0x3e: {  	s31 =	simm.s32 $0x2;
	[sflag:s2] =	ssyncpa.u1 $0x1  }
0x3f: {  	[sflag:s31] =	ssyncpa.u1 $0x1  }
0x40: {  	p0 =	sne.s32 s0, $0x0;
	_ =	strace $0x90000050  }
0x41: {  	s0 =	sadd.s32 @!p0 $0x100000, s1;
	[bflag:$0x2] =	sbarrier.arrive $0xFFFF  }
0x42: {  	[sflag:s0] =	ssyncadd.tile.s32 @!p0 $0x1;
	_ =	shalt  }
.Lfunc_end1:
_tile_overlayer_lowered:
.L_overlay_start_2:
0x43: {  	(tag) =	ssettag $0x2  }
0x44: {  	s0 =	rddreg [dreg:$0x0];
	s2 =	stileid.u32  }
0x45: {  	s1 =	rddreg [dreg:$0x1];
	p0 =	sne.s32 s2, $0x0  }
0x46: {  	s3 =	rddreg [dreg:$0x2];
	[bflag:$0x3] =	sbarrier.arrive $0xFFFF;
	s2 =	simm.s32 @!p0 $0x1C01  }
0x47: {  	[timem:s3], [sflag:s2] =	dma.local @!p0 [hbm:s0], s1  }
0x48: {  	s0 =	simm.s32 @!p0 $0x1  }
0x49: {  	_ =	swait.ge @!p0 [sflag:s0], s1  }
0x4a: {  	s1 =	ssub.s32 @!p0 $0x0, s1;
	[sflag:s0] =	ssyncset.done @!p0 $0x0  }
0x4b: {  	[sflag:s0] =	ssyncadd.s32 @!p0 s1  }
0x4c: {  	[bflag:$0x3] =	sbarrier.arrive $0xFFFF  }
0x4d: {  	_ =	shalt  }

</sc_bundles>
